<compile_context>
chip_gen: v7x
topology: tpu7x:2x2x1
jax: 0.10.2.dev20260603
libtpu: 0.0.44.dev20260713+nightly
codegen_flags: <defaults>
</compile_context>

<pallas_src>
import functools

import jax
import jax.numpy as jnp
from jax import lax
from jax.experimental import pallas as pl
from jax.experimental.pallas import tpu as pltpu
from jax.experimental.pallas import tpu_sc as plsc

N = 10000
E = 320000
D = 128
DH = D // 2

NC = 2
NS = 16
K = 128
NCHUNK = E // K
B = 4
CPT = 156
NBLK = CPT // B
BK = B * K
NP = 10240
RPT = NP // NS


def _make_sc_agg(with_counts):
    mesh = plsc.VectorSubcoreMesh(core_axis_name="c", subcore_axis_name="s")

    out_type = [jax.ShapeDtypeStruct((NC, NP, DH), jnp.float32)]
    if with_counts:
        out_type.append(jax.ShapeDtypeStruct((NP, 16), jnp.float32))

    scratch = [
        pltpu.VMEM((B, K), jnp.int32),
        pltpu.VMEM((B, K), jnp.int32),
        pltpu.VMEM((BK, DH), jnp.float32),
        pltpu.VMEM_SHARED((NP, DH), jnp.float32),
        pltpu.SemaphoreType.DMA,
        pltpu.SemaphoreType.DMA,
    ]
    if with_counts:
        scratch += [
            pltpu.VMEM((K, 16), jnp.float32),
            pltpu.VMEM((64, 16), jnp.float32),
            pltpu.SemaphoreType.DMA,
            pltpu.VMEM_SHARED((NP, 16), jnp.float32),
        ]

    def body(*refs):
        if with_counts:
            (src, dst, feats, agg_out, cnt_out,
             sbuf, dbuf, rows, agg_sh, gsem, ssem,
             ones, zc, csem, cnt_sh) = refs
        else:
            (src, dst, feats, agg_out,
             sbuf, dbuf, rows, agg_sh, gsem, ssem) = refs

        cid = lax.axis_index("c")
        sid = lax.axis_index("s")
        c0 = sid * CPT
        rbase = sid * RPT

        zvec = jnp.zeros((16,), jnp.float32)

        def zfill(i, c):
            for j in range(DH // 16):
                rows[i, pl.ds(j * 16, 16)] = zvec
            return c
        lax.fori_loop(0, BK, zfill, 0)
        pltpu.sync_copy(rows, agg_sh.at[pl.ds(rbase, BK)])
        pltpu.sync_copy(rows.at[pl.ds(0, RPT - BK)],
                        agg_sh.at[pl.ds(rbase + BK, RPT - BK)])

        if with_counts:
            @pl.when(cid == 0)
            def _():
                ovec = jnp.ones((16,), jnp.float32)

                def czfill(i, c):
                    zc[i, :] = zvec
                    return c
                lax.fori_loop(0, 64, czfill, 0)

                def ofill(i, c):
                    ones[i, :] = ovec
                    return c
                lax.fori_loop(0, K, ofill, 0)
                for r in range(RPT // 64):
                    pltpu.sync_copy(zc, cnt_sh.at[pl.ds(rbase + r * 64, 64)])

        plsc.subcore_barrier()

        def do_block(cbase):
            pltpu.sync_copy(src.at[pl.ds(cbase, B)], sbuf)
            pltpu.sync_copy(dst.at[pl.ds(cbase, B)], dbuf)
            gd = [pltpu.async_copy(feats.at[cid].at[sbuf.at[j]],
                                   rows.at[pl.ds(j * K, K)], gsem)
                  for j in range(B)]
            sd = []
            for j in range(B):
                gd[j].wait()
                sd.append(pltpu.async_copy(rows.at[pl.ds(j * K, K)],
                                           agg_sh.at[dbuf.at[j]], ssem,
                                           add=True))
            if with_counts:
                @pl.when(cid == 0)
                def _():
                    cd = [pltpu.async_copy(ones, cnt_sh.at[dbuf.at[j]],
                                           csem, add=True)
                          for j in range(B)]
                    for d in cd:
                        d.wait()
            for d in sd:
                d.wait()

        def step(t, c):
            do_block(c0 + t * B)
            return c
        lax.fori_loop(0, NBLK, step, 0)

        @pl.when(sid == NS - 1)
        def _():
            do_block(NS * CPT)

        plsc.subcore_barrier()

        pltpu.sync_copy(agg_sh.at[pl.ds(rbase, RPT)],
                        agg_out.at[cid, pl.ds(rbase, RPT)])
        if with_counts:
            @pl.when(cid == 0)
            def _():
                pltpu.sync_copy(cnt_sh.at[pl.ds(rbase, RPT)],
                                cnt_out.at[pl.ds(rbase, RPT)])

    return pl.kernel(body, out_type=tuple(out_type), mesh=mesh,
                     scratch_types=scratch,
                     compiler_params=pltpu.CompilerParams(
                         use_tc_tiling_on_sc=False))


_sc_agg_counts = _make_sc_agg(True)
_sc_agg = _make_sc_agg(False)


BN = 1000


def _tc_body(relu, agg, cnt, xs, wl, wr, b, o, os):
    cs = cnt[:, 0]
    recip = 1.0 / jnp.maximum(cs, 1.0)
    aggm = jnp.concatenate([agg[0], agg[1]], axis=1) * recip[:, None]
    x = jnp.concatenate([xs[0], xs[1]], axis=1)
    dn = (((1,), (1,)), ((), ()))
    acc = lax.dot_general(aggm, wl[...], dn, preferred_element_type=jnp.float32)
    acc = acc + lax.dot_general(x, wr[...], dn,
                                preferred_element_type=jnp.float32)
    acc = acc + b[...]
    if relu:
        acc = jnp.maximum(acc, 0.0)
    o[...] = acc
    os[0] = acc[:, :DH]
    os[1] = acc[:, DH:]


def _tc_combine(agg, cnt, xs, Wl, Wr, b, relu):
    grid = N // BN
    return pl.pallas_call(
        functools.partial(_tc_body, relu),
        grid=(grid,),
        in_specs=[
            pl.BlockSpec((NC, BN, DH), lambda i: (0, i, 0)),
            pl.BlockSpec((BN, 16), lambda i: (i, 0)),
            pl.BlockSpec((NC, BN, DH), lambda i: (0, i, 0)),
            pl.BlockSpec((D, D), lambda i: (0, 0)),
            pl.BlockSpec((D, D), lambda i: (0, 0)),
            pl.BlockSpec((1, D), lambda i: (0, 0)),
        ],
        out_specs=[
            pl.BlockSpec((BN, D), lambda i: (i, 0)),
            pl.BlockSpec((NC, BN, DH), lambda i: (0, i, 0)),
        ],
        out_shape=[
            jax.ShapeDtypeStruct((N, D), jnp.float32),
            jax.ShapeDtypeStruct((NC, N, DH), jnp.float32),
        ],
    )(agg, cnt, xs, Wl, Wr, b)


@jax.jit
def kernel(x, edge_index, W1l, b1, W1r, W2l, b2, W2r):
    src = edge_index[0].reshape(NCHUNK, K)
    dst = edge_index[1].reshape(NCHUNK, K)
    b1r = b1.reshape(1, D)
    b2r = b2.reshape(1, D)
    xs = jnp.stack([x[:, :DH], x[:, DH:]])

    agg1, cnt = _sc_agg_counts(src, dst, xs)
    h, hs = _tc_combine(agg1, cnt, xs, W1l, W1r, b1r, relu=True)
    (agg2,) = _sc_agg(src, dst, hs)
    out, _ = _tc_combine(agg2, cnt, hs, W2l, W2r, b2r, relu=False)
    return out

# --- scband reference (transcript-rebuilt; emitter-appended) ---
"""Pipeline reference for scband-graph-sage-44220983280302 (READ-ONLY COPY).

The authoritative reference and input builder live on the scoring server;
editing this copy changes nothing except your own understanding.
"""

import jax, jax.numpy as jnp
import numpy as np

N_NODES = 10000
N_EDGES = 320000
D_IN = 128
D_HID = 128
D_OUT = 128


def setup_inputs(seed: int = 0) -> dict:
    key = jax.random.key(seed)
    ks = jax.random.split(key, 8)
    x = jax.random.normal(ks[0], (N_NODES, D_IN), dtype=jnp.float32)
    edge_index = jax.random.randint(ks[1], (2, N_EDGES), 0, N_NODES).astype(jnp.int32)
    # SAGEConv layer 1: lin_l (neighbor aggr, with bias), lin_r (root, no bias)
    W1l = jax.random.normal(ks[2], (D_HID, D_IN), dtype=jnp.float32) * 0.05
    b1 = jnp.zeros((D_HID,), dtype=jnp.float32)
    W1r = jax.random.normal(ks[3], (D_HID, D_IN), dtype=jnp.float32) * 0.05
    # SAGEConv layer 2
    W2l = jax.random.normal(ks[4], (D_OUT, D_HID), dtype=jnp.float32) * 0.05
    b2 = jnp.zeros((D_OUT,), dtype=jnp.float32)
    W2r = jax.random.normal(ks[5], (D_OUT, D_HID), dtype=jnp.float32) * 0.05
    return {"x": x, "edge_index": edge_index, "W1l": W1l, "b1": b1, "W1r": W1r,
            "W2l": W2l, "b2": b2, "W2r": W2r}


def _sage_conv(x, edge_index, Wl, b, Wr):
    # PyG SAGEConv with mean aggregation:
    # out = lin_l(mean_{j in N(i)} x_j) + lin_r(x_i)
    src = edge_index[0]
    dst = edge_index[1]
    msgs = jnp.take(x, src, axis=0)                       # gather  [E, d]
    agg = jax.ops.segment_sum(msgs, dst, num_segments=x.shape[0])  # scatter-add
    cnt = jax.ops.segment_sum(jnp.ones((edge_index.shape[1],), x.dtype), dst,
                              num_segments=x.shape[0])
    agg = agg / jnp.clip(cnt, 1.0, None)[:, None]         # mean
    return agg @ Wl.T + b + x @ Wr.T


def reference(x, edge_index, W1l, b1, W1r, W2l, b2, W2r):
    # Layer 1 + ReLU (dropout is identity in eval mode)
    h = _sage_conv(x, edge_index, W1l, b1, W1r)
    h = jax.nn.relu(h)
    # Final layer (no activation)
    out = _sage_conv(h, edge_index, W2l, b2, W2r)
    return out

if __name__ == "__main__":
    import jax
    _d = setup_inputs()
    print(jax.jit(kernel)(*tuple(_d.values())))

</pallas_src>

<mosaic_0001>
#map = affine_map<(d0, d1) -> (0, 0)>
#map1 = affine_map<(d0, d1) -> (0, 0, 0)>
module attributes {stable_mosaic.version = 14 : i64} {
  func.func @body(%arg0: i32, %arg1: i32, %arg2: memref<2500x128xi32, #tpu.memory_space<hbm>>, %arg3: memref<2500x128xi32, #tpu.memory_space<hbm>>, %arg4: memref<2x10000x64xf32, #tpu.memory_space<hbm>>, %arg5: memref<2x10240x64xf32, #tpu.memory_space<hbm>>, %arg6: memref<10240x16xf32, #tpu.memory_space<hbm>>, %arg7: memref<4x128xi32, #tpu.memory_space<vmem>>, %arg8: memref<4x128xi32, #tpu.memory_space<vmem>>, %arg9: memref<512x64xf32, #tpu.memory_space<vmem>>, %arg10: memref<10240x64xf32, #tpu.memory_space<vmem_shared>>, %arg11: memref<!tpu.dma_semaphore, #tpu.memory_space<semaphore_mem>>, %arg12: memref<!tpu.dma_semaphore, #tpu.memory_space<semaphore_mem>>, %arg13: memref<128x16xf32, #tpu.memory_space<vmem>>, %arg14: memref<64x16xf32, #tpu.memory_space<vmem>>, %arg15: memref<!tpu.dma_semaphore, #tpu.memory_space<semaphore_mem>>, %arg16: memref<10240x16xf32, #tpu.memory_space<vmem_shared>>) attributes {dimension_semantics = [#tpu.dimension_semantics<core_parallel>, #tpu.dimension_semantics<subcore_parallel>], iteration_bounds = array<i64: 2, 16>, scalar_prefetch = 0 : i64, scratch_operands = 10 : i64, tpu.core_type = #tpu.core_type<sc_vector_subcore>, window_params = [{transform_indices = #map}, {transform_indices = #map}, {transform_indices = #map1}, {transform_indices = #map1}, {transform_indices = #map}]} {
    %mul3A = arith.constant 156 : i32
    %mul3A_0 = arith.muli %arg1, %mul3A : i32
    %mul3A_1 = arith.constant 640 : i32
    %mul3A_2 = arith.muli %arg1, %mul3A_1 : i32
    %broadcast_in_dim3A = arith.constant 0.000000e+00 : f32
    %broadcast_in_dim3A_3 = vector.broadcast %broadcast_in_dim3A : f32 to vector<16xf32>
    %scan3A = arith.constant 0 : i32
    %scan3A_4 = arith.constant 0 : i32
    %scan3A_5 = arith.constant 512 : i32
    %scan3A_6 = arith.addi %scan3A_4, %scan3A_5 : i32
    %scan3A_7 = arith.constant 1 : i32
    scf.for %scan3A_29 = %scan3A_4 to %scan3A_6 step %scan3A_7  : i32 {
      %swap3A = arith.index_cast %scan3A_29 : i32 to index
      %swap3A_30 = arith.constant 0 : index
      %swap3A_31 = tpu.vector_load %arg9[%swap3A, %swap3A_30] {strides = array<i32>} : memref<512x64xf32, #tpu.memory_space<vmem>>, vector<1x16xf32>,
      %swap3A_32 = vector.shape_cast %swap3A_31 : vector<1x16xf32> to vector<16xf32>
      %swap3A_33 = vector.shape_cast %broadcast_in_dim3A_3 : vector<16xf32> to vector<1x16xf32>
      tpu.vector_store %arg9[%swap3A, %swap3A_30], %swap3A_33 {strides = array<i32>} : memref<512x64xf32, #tpu.memory_space<vmem>>, vector<1x16xf32>,
      %swap3A_34 = arith.index_cast %scan3A_29 : i32 to index
      %swap3A_35 = arith.constant 16 : index
      %swap3A_36 = tpu.vector_load %arg9[%swap3A_34, %swap3A_35] {strides = array<i32>} : memref<512x64xf32, #tpu.memory_space<vmem>>, vector<1x16xf32>,
      %swap3A_37 = vector.shape_cast %swap3A_36 : vector<1x16xf32> to vector<16xf32>
      %swap3A_38 = vector.shape_cast %broadcast_in_dim3A_3 : vector<16xf32> to vector<1x16xf32>
      tpu.vector_store %arg9[%swap3A_34, %swap3A_35], %swap3A_38 {strides = array<i32>} : memref<512x64xf32, #tpu.memory_space<vmem>>, vector<1x16xf32>,
      %swap3A_39 = arith.index_cast %scan3A_29 : i32 to index
      %swap3A_40 = arith.constant 32 : index
      %swap3A_41 = tpu.vector_load %arg9[%swap3A_39, %swap3A_40] {strides = array<i32>} : memref<512x64xf32, #tpu.memory_space<vmem>>, vector<1x16xf32>,
      %swap3A_42 = vector.shape_cast %swap3A_41 : vector<1x16xf32> to vector<16xf32>
      %swap3A_43 = vector.shape_cast %broadcast_in_dim3A_3 : vector<16xf32> to vector<1x16xf32>
      tpu.vector_store %arg9[%swap3A_39, %swap3A_40], %swap3A_43 {strides = array<i32>} : memref<512x64xf32, #tpu.memory_space<vmem>>, vector<1x16xf32>,
      %swap3A_44 = arith.index_cast %scan3A_29 : i32 to index
      %swap3A_45 = arith.constant 48 : index
      %swap3A_46 = tpu.vector_load %arg9[%swap3A_44, %swap3A_45] {strides = array<i32>} : memref<512x64xf32, #tpu.memory_space<vmem>>, vector<1x16xf32>,
      %swap3A_47 = vector.shape_cast %swap3A_46 : vector<1x16xf32> to vector<16xf32>
      %swap3A_48 = vector.shape_cast %broadcast_in_dim3A_3 : vector<16xf32> to vector<1x16xf32>
      tpu.vector_store %arg9[%swap3A_44, %swap3A_45], %swap3A_48 {strides = array<i32>} : memref<512x64xf32, #tpu.memory_space<vmem>>, vector<1x16xf32>,
    }
    %scan3A_8 = arith.constant 512 : i32
    "tpu.region"() ({
      %run_scoped3A = tpu.sem_alloc : memref<!tpu.dma_semaphore, #tpu.memory_space<semaphore_mem>>
      %dma_start3A = arith.constant 0 : i32
      %dma_start3A_29 = tpu.memref_slice %arg10[%mul3A_2, %dma_start3A] : memref<10240x64xf32, #tpu.memory_space<vmem_shared>> -> memref<512x64xf32, #tpu.memory_space<vmem_shared>>
      %dma_start3A_30 = arith.constant 0 : i32
      %dma_start3A_31 = tpu.memref_slice %arg10[%mul3A_2, %dma_start3A_30] : memref<10240x64xf32, #tpu.memory_space<vmem_shared>> -> memref<512x64xf32, #tpu.memory_space<vmem_shared>>
      tpu.enqueue_dma source(%arg9 : memref<512x64xf32, #tpu.memory_space<vmem>>) target(%dma_start3A_31 : memref<512x64xf32, #tpu.memory_space<vmem_shared>>) target_semaphore(%run_scoped3A : memref<!tpu.dma_semaphore, #tpu.memory_space<semaphore_mem>>)
      %dma_wait3A = arith.constant 0 : i32
      %dma_wait3A_32 = tpu.memref_slice %arg10[%mul3A_2, %dma_wait3A] : memref<10240x64xf32, #tpu.memory_space<vmem_shared>> -> memref<512x64xf32, #tpu.memory_space<vmem_shared>>
      %dma_wait3A_33 = arith.constant 0 : i32
      %dma_wait3A_34 = tpu.memref_slice %arg10[%mul3A_2, %dma_wait3A_33] : memref<10240x64xf32, #tpu.memory_space<vmem_shared>> -> memref<512x64xf32, #tpu.memory_space<vmem_shared>>
      tpu.wait_dma2 semaphore(%run_scoped3A : memref<!tpu.dma_semaphore, #tpu.memory_space<semaphore_mem>>) src(%arg9 : memref<512x64xf32, #tpu.memory_space<vmem>>) dst(%dma_wait3A_34 : memref<512x64xf32, #tpu.memory_space<vmem_shared>>)
      tpu.yield
    }) : () -> ()
    %add3A = arith.constant 512 : i32
    %add3A_9 = arith.addi %mul3A_2, %add3A : i32
    "tpu.region"() ({
      %run_scoped3A = tpu.sem_alloc : memref<!tpu.dma_semaphore, #tpu.memory_space<semaphore_mem>>
      %dma_start3A = arith.constant 0 : i32
      %dma_start3A_29 = arith.constant 0 : i32
      %dma_start3A_30 = tpu.memref_slice %arg9[%dma_start3A, %dma_start3A_29] : memref<512x64xf32, #tpu.memory_space<vmem>> -> memref<128x64xf32, #tpu.memory_space<vmem>>
      %dma_start3A_31 = arith.constant 0 : i32
      %dma_start3A_32 = tpu.memref_slice %arg10[%add3A_9, %dma_start3A_31] : memref<10240x64xf32, #tpu.memory_space<vmem_shared>> -> memref<128x64xf32, #tpu.memory_space<vmem_shared>>
      %dma_start3A_33 = arith.constant 0 : i32
      %dma_start3A_34 = tpu.memref_slice %arg10[%add3A_9, %dma_start3A_33] : memref<10240x64xf32, #tpu.memory_space<vmem_shared>> -> memref<128x64xf32, #tpu.memory_space<vmem_shared>>
      %dma_start3A_35 = arith.constant 0 : i32
      %dma_start3A_36 = arith.constant 0 : i32
      %dma_start3A_37 = tpu.memref_slice %arg9[%dma_start3A_35, %dma_start3A_36] : memref<512x64xf32, #tpu.memory_space<vmem>> -> memref<128x64xf32, #tpu.memory_space<vmem>>
      tpu.enqueue_dma source(%dma_start3A_37 : memref<128x64xf32, #tpu.memory_space<vmem>>) target(%dma_start3A_34 : memref<128x64xf32, #tpu.memory_space<vmem_shared>>) target_semaphore(%run_scoped3A : memref<!tpu.dma_semaphore, #tpu.memory_space<semaphore_mem>>)
      %dma_wait3A = arith.constant 0 : i32
      %dma_wait3A_38 = arith.constant 0 : i32
      %dma_wait3A_39 = tpu.memref_slice %arg9[%dma_wait3A, %dma_wait3A_38] : memref<512x64xf32, #tpu.memory_space<vmem>> -> memref<128x64xf32, #tpu.memory_space<vmem>>
      %dma_wait3A_40 = arith.constant 0 : i32
      %dma_wait3A_41 = tpu.memref_slice %arg10[%add3A_9, %dma_wait3A_40] : memref<10240x64xf32, #tpu.memory_space<vmem_shared>> -> memref<128x64xf32, #tpu.memory_space<vmem_shared>>
      %dma_wait3A_42 = arith.constant 0 : i32
      %dma_wait3A_43 = tpu.memref_slice %arg10[%add3A_9, %dma_wait3A_42] : memref<10240x64xf32, #tpu.memory_space<vmem_shared>> -> memref<128x64xf32, #tpu.memory_space<vmem_shared>>
      %dma_wait3A_44 = arith.constant 0 : i32
      %dma_wait3A_45 = arith.constant 0 : i32
      %dma_wait3A_46 = tpu.memref_slice %arg9[%dma_wait3A_44, %dma_wait3A_45] : memref<512x64xf32, #tpu.memory_space<vmem>> -> memref<128x64xf32, #tpu.memory_space<vmem>>
      tpu.wait_dma2 semaphore(%run_scoped3A : memref<!tpu.dma_semaphore, #tpu.memory_space<semaphore_mem>>) src(%dma_wait3A_46 : memref<128x64xf32, #tpu.memory_space<vmem>>) dst(%dma_wait3A_43 : memref<128x64xf32, #tpu.memory_space<vmem_shared>>)
      tpu.yield
    }) : () -> ()
    %eq3A = arith.constant 0 : i32
    %eq3A_10 = arith.cmpi eq, %arg0, %eq3A : i32
    %convert_element_type3A = arith.extui %eq3A_10 : i1 to i32
    %cond3A = arith.constant 0 : i32
    %cond3A_11 = arith.cmpi ne, %convert_element_type3A, %cond3A : i32
    scf.if %cond3A_11 {
      %broadcast_in_dim3A_29 = arith.constant 1.000000e+00 : f32
      %broadcast_in_dim3A_30 = vector.broadcast %broadcast_in_dim3A_29 : f32 to vector<16xf32>
      %scan3A_31 = arith.constant 0 : i32
      %scan3A_32 = arith.constant 0 : i32
      %scan3A_33 = arith.constant 64 : i32
      %scan3A_34 = arith.addi %scan3A_32, %scan3A_33 : i32
      %scan3A_35 = arith.constant 1 : i32
      scf.for %scan3A_63 = %scan3A_32 to %scan3A_34 step %scan3A_35  : i32 {
        %swap3A = arith.index_cast %scan3A_63 : i32 to index
        %swap3A_64 = arith.constant 0 : index
        %swap3A_65 = tpu.vector_load %arg14[%swap3A, %swap3A_64] {strides = array<i32>} : memref<64x16xf32, #tpu.memory_space<vmem>>, vector<1x16xf32>,
        %swap3A_66 = vector.shape_cast %swap3A_65 : vector<1x16xf32> to vector<16xf32>
        %swap3A_67 = vector.shape_cast %broadcast_in_dim3A_3 : vector<16xf32> to vector<1x16xf32>
        tpu.vector_store %arg14[%swap3A, %swap3A_64], %swap3A_67 {strides = array<i32>} : memref<64x16xf32, #tpu.memory_space<vmem>>, vector<1x16xf32>,
      }
      %scan3A_36 = arith.constant 64 : i32
      %scan3A_37 = arith.constant 0 : i32
      %scan3A_38 = arith.constant 0 : i32
      %scan3A_39 = arith.constant 128 : i32
      %scan3A_40 = arith.addi %scan3A_38, %scan3A_39 : i32
      %scan3A_41 = arith.constant 1 : i32
      scf.for %scan3A_63 = %scan3A_38 to %scan3A_40 step %scan3A_41  : i32 {
        %swap3A = arith.index_cast %scan3A_63 : i32 to index
        %swap3A_64 = arith.constant 0 : index
        %swap3A_65 = tpu.vector_load %arg13[%swap3A, %swap3A_64] {strides = array<i32>} : memref<128x16xf32, #tpu.memory_space<vmem>>, vector<1x16xf32>,
        %swap3A_66 = vector.shape_cast %swap3A_65 : vector<1x16xf32> to vector<16xf32>
        %swap3A_67 = vector.shape_cast %broadcast_in_dim3A_30 : vector<16xf32> to vector<1x16xf32>
        tpu.vector_store %arg13[%swap3A, %swap3A_64], %swap3A_67 {strides = array<i32>} : memref<128x16xf32, #tpu.memory_space<vmem>>, vector<1x16xf32>,
      }
      %scan3A_42 = arith.constant 128 : i32
      %add3A_43 = arith.constant 0 : i32
      %add3A_44 = arith.addi %mul3A_2, %add3A_43 : i32
      "tpu.region"() ({
        %run_scoped3A = tpu.sem_alloc : memref<!tpu.dma_semaphore, #tpu.memory_space<semaphore_mem>>
        %dma_start3A = arith.constant 0 : i32
        %dma_start3A_63 = tpu.memref_slice %arg16[%add3A_44, %dma_start3A] : memref<10240x16xf32, #tpu.memory_space<vmem_shared>> -> memref<64x16xf32, #tpu.memory_space<vmem_shared>>
        %dma_start3A_64 = arith.constant 0 : i32
        %dma_start3A_65 = tpu.memref_slice %arg16[%add3A_44, %dma_start3A_64] : memref<10240x16xf32, #tpu.memory_space<vmem_shared>> -> memref<64x16xf32, #tpu.memory_space<vmem_shared>>
        tpu.enqueue_dma source(%arg14 : memref<64x16xf32, #tpu.memory_space<vmem>>) target(%dma_start3A_65 : memref<64x16xf32, #tpu.memory_space<vmem_shared>>) target_semaphore(%run_scoped3A : memref<!tpu.dma_semaphore, #tpu.memory_space<semaphore_mem>>)
        %dma_wait3A = arith.constant 0 : i32
        %dma_wait3A_66 = tpu.memref_slice %arg16[%add3A_44, %dma_wait3A] : memref<10240x16xf32, #tpu.memory_space<vmem_shared>> -> memref<64x16xf32, #tpu.memory_space<vmem_shared>>
        %dma_wait3A_67 = arith.constant 0 : i32
        %dma_wait3A_68 = tpu.memref_slice %arg16[%add3A_44, %dma_wait3A_67] : memref<10240x16xf32, #tpu.memory_space<vmem_shared>> -> memref<64x16xf32, #tpu.memory_space<vmem_shared>>
        tpu.wait_dma2 semaphore(%run_scoped3A : memref<!tpu.dma_semaphore, #tpu.memory_space<semaphore_mem>>) src(%arg14 : memref<64x16xf32, #tpu.memory_space<vmem>>) dst(%dma_wait3A_68 : memref<64x16xf32, #tpu.memory_space<vmem_shared>>)
        tpu.yield
      }) : () -> ()
      %add3A_45 = arith.constant 64 : i32
      %add3A_46 = arith.addi %mul3A_2, %add3A_45 : i32
      "tpu.region"() ({
        %run_scoped3A = tpu.sem_alloc : memref<!tpu.dma_semaphore, #tpu.memory_space<semaphore_mem>>
        %dma_start3A = arith.constant 0 : i32
        %dma_start3A_63 = tpu.memref_slice %arg16[%add3A_46, %dma_start3A] : memref<10240x16xf32, #tpu.memory_space<vmem_shared>> -> memref<64x16xf32, #tpu.memory_space<vmem_shared>>
        %dma_start3A_64 = arith.constant 0 : i32
        %dma_start3A_65 = tpu.memref_slice %arg16[%add3A_46, %dma_start3A_64] : memref<10240x16xf32, #tpu.memory_space<vmem_shared>> -> memref<64x16xf32, #tpu.memory_space<vmem_shared>>
        tpu.enqueue_dma source(%arg14 : memref<64x16xf32, #tpu.memory_space<vmem>>) target(%dma_start3A_65 : memref<64x16xf32, #tpu.memory_space<vmem_shared>>) target_semaphore(%run_scoped3A : memref<!tpu.dma_semaphore, #tpu.memory_space<semaphore_mem>>)
        %dma_wait3A = arith.constant 0 : i32
        %dma_wait3A_66 = tpu.memref_slice %arg16[%add3A_46, %dma_wait3A] : memref<10240x16xf32, #tpu.memory_space<vmem_shared>> -> memref<64x16xf32, #tpu.memory_space<vmem_shared>>
        %dma_wait3A_67 = arith.constant 0 : i32
        %dma_wait3A_68 = tpu.memref_slice %arg16[%add3A_46, %dma_wait3A_67] : memref<10240x16xf32, #tpu.memory_space<vmem_shared>> -> memref<64x16xf32, #tpu.memory_space<vmem_shared>>
        tpu.wait_dma2 semaphore(%run_scoped3A : memref<!tpu.dma_semaphore, #tpu.memory_space<semaphore_mem>>) src(%arg14 : memref<64x16xf32, #tpu.memory_space<vmem>>) dst(%dma_wait3A_68 : memref<64x16xf32, #tpu.memory_space<vmem_shared>>)
        tpu.yield
      }) : () -> ()
      %add3A_47 = arith.constant 128 : i32
      %add3A_48 = arith.addi %mul3A_2, %add3A_47 : i32
      "tpu.region"() ({
        %run_scoped3A = tpu.sem_alloc : memref<!tpu.dma_semaphore, #tpu.memory_space<semaphore_mem>>
        %dma_start3A = arith.constant 0 : i32
        %dma_start3A_63 = tpu.memref_slice %arg16[%add3A_48, %dma_start3A] : memref<10240x16xf32, #tpu.memory_space<vmem_shared>> -> memref<64x16xf32, #tpu.memory_space<vmem_shared>>
        %dma_start3A_64 = arith.constant 0 : i32
        %dma_start3A_65 = tpu.memref_slice %arg16[%add3A_48, %dma_start3A_64] : memref<10240x16xf32, #tpu.memory_space<vmem_shared>> -> memref<64x16xf32, #tpu.memory_space<vmem_shared>>
        tpu.enqueue_dma source(%arg14 : memref<64x16xf32, #tpu.memory_space<vmem>>) target(%dma_start3A_65 : memref<64x16xf32, #tpu.memory_space<vmem_shared>>) target_semaphore(%run_scoped3A : memref<!tpu.dma_semaphore, #tpu.memory_space<semaphore_mem>>)
        %dma_wait3A = arith.constant 0 : i32
        %dma_wait3A_66 = tpu.memref_slice %arg16[%add3A_48, %dma_wait3A] : memref<10240x16xf32, #tpu.memory_space<vmem_shared>> -> memref<64x16xf32, #tpu.memory_space<vmem_shared>>
        %dma_wait3A_67 = arith.constant 0 : i32
        %dma_wait3A_68 = tpu.memref_slice %arg16[%add3A_48, %dma_wait3A_67] : memref<10240x16xf32, #tpu.memory_space<vmem_shared>> -> memref<64x16xf32, #tpu.memory_space<vmem_shared>>
        tpu.wait_dma2 semaphore(%run_scoped3A : memref<!tpu.dma_semaphore, #tpu.memory_space<semaphore_mem>>) src(%arg14 : memref<64x16xf32, #tpu.memory_space<vmem>>) dst(%dma_wait3A_68 : memref<64x16xf32, #tpu.memory_space<vmem_shared>>)
        tpu.yield
      }) : () -> ()
      %add3A_49 = arith.constant 192 : i32
      %add3A_50 = arith.addi %mul3A_2, %add3A_49 : i32
      "tpu.region"() ({
        %run_scoped3A = tpu.sem_alloc : memref<!tpu.dma_semaphore, #tpu.memory_space<semaphore_mem>>
        %dma_start3A = arith.constant 0 : i32
        %dma_start3A_63 = tpu.memref_slice %arg16[%add3A_50, %dma_start3A] : memref<10240x16xf32, #tpu.memory_space<vmem_shared>> -> memref<64x16xf32, #tpu.memory_space<vmem_shared>>
        %dma_start3A_64 = arith.constant 0 : i32
        %dma_start3A_65 = tpu.memref_slice %arg16[%add3A_50, %dma_start3A_64] : memref<10240x16xf32, #tpu.memory_space<vmem_shared>> -> memref<64x16xf32, #tpu.memory_space<vmem_shared>>
        tpu.enqueue_dma source(%arg14 : memref<64x16xf32, #tpu.memory_space<vmem>>) target(%dma_start3A_65 : memref<64x16xf32, #tpu.memory_space<vmem_shared>>) target_semaphore(%run_scoped3A : memref<!tpu.dma_semaphore, #tpu.memory_space<semaphore_mem>>)
        %dma_wait3A = arith.constant 0 : i32
        %dma_wait3A_66 = tpu.memref_slice %arg16[%add3A_50, %dma_wait3A] : memref<10240x16xf32, #tpu.memory_space<vmem_shared>> -> memref<64x16xf32, #tpu.memory_space<vmem_shared>>
        %dma_wait3A_67 = arith.constant 0 : i32
        %dma_wait3A_68 = tpu.memref_slice %arg16[%add3A_50, %dma_wait3A_67] : memref<10240x16xf32, #tpu.memory_space<vmem_shared>> -> memref<64x16xf32, #tpu.memory_space<vmem_shared>>
        tpu.wait_dma2 semaphore(%run_scoped3A : memref<!tpu.dma_semaphore, #tpu.memory_space<semaphore_mem>>) src(%arg14 : memref<64x16xf32, #tpu.memory_space<vmem>>) dst(%dma_wait3A_68 : memref<64x16xf32, #tpu.memory_space<vmem_shared>>)
        tpu.yield
      }) : () -> ()
      %add3A_51 = arith.constant 256 : i32
      %add3A_52 = arith.addi %mul3A_2, %add3A_51 : i32
      "tpu.region"() ({
        %run_scoped3A = tpu.sem_alloc : memref<!tpu.dma_semaphore, #tpu.memory_space<semaphore_mem>>
        %dma_start3A = arith.constant 0 : i32
        %dma_start3A_63 = tpu.memref_slice %arg16[%add3A_52, %dma_start3A] : memref<10240x16xf32, #tpu.memory_space<vmem_shared>> -> memref<64x16xf32, #tpu.memory_space<vmem_shared>>
        %dma_start3A_64 = arith.constant 0 : i32
        %dma_start3A_65 = tpu.memref_slice %arg16[%add3A_52, %dma_start3A_64] : memref<10240x16xf32, #tpu.memory_space<vmem_shared>> -> memref<64x16xf32, #tpu.memory_space<vmem_shared>>
        tpu.enqueue_dma source(%arg14 : memref<64x16xf32, #tpu.memory_space<vmem>>) target(%dma_start3A_65 : memref<64x16xf32, #tpu.memory_space<vmem_shared>>) target_semaphore(%run_scoped3A : memref<!tpu.dma_semaphore, #tpu.memory_space<semaphore_mem>>)
        %dma_wait3A = arith.constant 0 : i32
        %dma_wait3A_66 = tpu.memref_slice %arg16[%add3A_52, %dma_wait3A] : memref<10240x16xf32, #tpu.memory_space<vmem_shared>> -> memref<64x16xf32, #tpu.memory_space<vmem_shared>>
        %dma_wait3A_67 = arith.constant 0 : i32
        %dma_wait3A_68 = tpu.memref_slice %arg16[%add3A_52, %dma_wait3A_67] : memref<10240x16xf32, #tpu.memory_space<vmem_shared>> -> memref<64x16xf32, #tpu.memory_space<vmem_shared>>
        tpu.wait_dma2 semaphore(%run_scoped3A : memref<!tpu.dma_semaphore, #tpu.memory_space<semaphore_mem>>) src(%arg14 : memref<64x16xf32, #tpu.memory_space<vmem>>) dst(%dma_wait3A_68 : memref<64x16xf32, #tpu.memory_space<vmem_shared>>)
        tpu.yield
      }) : () -> ()
      %add3A_53 = arith.constant 320 : i32
      %add3A_54 = arith.addi %mul3A_2, %add3A_53 : i32
      "tpu.region"() ({
        %run_scoped3A = tpu.sem_alloc : memref<!tpu.dma_semaphore, #tpu.memory_space<semaphore_mem>>
        %dma_start3A = arith.constant 0 : i32
        %dma_start3A_63 = tpu.memref_slice %arg16[%add3A_54, %dma_start3A] : memref<10240x16xf32, #tpu.memory_space<vmem_shared>> -> memref<64x16xf32, #tpu.memory_space<vmem_shared>>
        %dma_start3A_64 = arith.constant 0 : i32
        %dma_start3A_65 = tpu.memref_slice %arg16[%add3A_54, %dma_start3A_64] : memref<10240x16xf32, #tpu.memory_space<vmem_shared>> -> memref<64x16xf32, #tpu.memory_space<vmem_shared>>
        tpu.enqueue_dma source(%arg14 : memref<64x16xf32, #tpu.memory_space<vmem>>) target(%dma_start3A_65 : memref<64x16xf32, #tpu.memory_space<vmem_shared>>) target_semaphore(%run_scoped3A : memref<!tpu.dma_semaphore, #tpu.memory_space<semaphore_mem>>)
        %dma_wait3A = arith.constant 0 : i32
        %dma_wait3A_66 = tpu.memref_slice %arg16[%add3A_54, %dma_wait3A] : memref<10240x16xf32, #tpu.memory_space<vmem_shared>> -> memref<64x16xf32, #tpu.memory_space<vmem_shared>>
        %dma_wait3A_67 = arith.constant 0 : i32
        %dma_wait3A_68 = tpu.memref_slice %arg16[%add3A_54, %dma_wait3A_67] : memref<10240x16xf32, #tpu.memory_space<vmem_shared>> -> memref<64x16xf32, #tpu.memory_space<vmem_shared>>
        tpu.wait_dma2 semaphore(%run_scoped3A : memref<!tpu.dma_semaphore, #tpu.memory_space<semaphore_mem>>) src(%arg14 : memref<64x16xf32, #tpu.memory_space<vmem>>) dst(%dma_wait3A_68 : memref<64x16xf32, #tpu.memory_space<vmem_shared>>)
        tpu.yield
      }) : () -> ()
      %add3A_55 = arith.constant 384 : i32
      %add3A_56 = arith.addi %mul3A_2, %add3A_55 : i32
      "tpu.region"() ({
        %run_scoped3A = tpu.sem_alloc : memref<!tpu.dma_semaphore, #tpu.memory_space<semaphore_mem>>
        %dma_start3A = arith.constant 0 : i32
        %dma_start3A_63 = tpu.memref_slice %arg16[%add3A_56, %dma_start3A] : memref<10240x16xf32, #tpu.memory_space<vmem_shared>> -> memref<64x16xf32, #tpu.memory_space<vmem_shared>>
        %dma_start3A_64 = arith.constant 0 : i32
        %dma_start3A_65 = tpu.memref_slice %arg16[%add3A_56, %dma_start3A_64] : memref<10240x16xf32, #tpu.memory_space<vmem_shared>> -> memref<64x16xf32, #tpu.memory_space<vmem_shared>>
        tpu.enqueue_dma source(%arg14 : memref<64x16xf32, #tpu.memory_space<vmem>>) target(%dma_start3A_65 : memref<64x16xf32, #tpu.memory_space<vmem_shared>>) target_semaphore(%run_scoped3A : memref<!tpu.dma_semaphore, #tpu.memory_space<semaphore_mem>>)
        %dma_wait3A = arith.constant 0 : i32
        %dma_wait3A_66 = tpu.memref_slice %arg16[%add3A_56, %dma_wait3A] : memref<10240x16xf32, #tpu.memory_space<vmem_shared>> -> memref<64x16xf32, #tpu.memory_space<vmem_shared>>
        %dma_wait3A_67 = arith.constant 0 : i32
        %dma_wait3A_68 = tpu.memref_slice %arg16[%add3A_56, %dma_wait3A_67] : memref<10240x16xf32, #tpu.memory_space<vmem_shared>> -> memref<64x16xf32, #tpu.memory_space<vmem_shared>>
        tpu.wait_dma2 semaphore(%run_scoped3A : memref<!tpu.dma_semaphore, #tpu.memory_space<semaphore_mem>>) src(%arg14 : memref<64x16xf32, #tpu.memory_space<vmem>>) dst(%dma_wait3A_68 : memref<64x16xf32, #tpu.memory_space<vmem_shared>>)
        tpu.yield
      }) : () -> ()
      %add3A_57 = arith.constant 448 : i32
      %add3A_58 = arith.addi %mul3A_2, %add3A_57 : i32
      "tpu.region"() ({
        %run_scoped3A = tpu.sem_alloc : memref<!tpu.dma_semaphore, #tpu.memory_space<semaphore_mem>>
        %dma_start3A = arith.constant 0 : i32
        %dma_start3A_63 = tpu.memref_slice %arg16[%add3A_58, %dma_start3A] : memref<10240x16xf32, #tpu.memory_space<vmem_shared>> -> memref<64x16xf32, #tpu.memory_space<vmem_shared>>
        %dma_start3A_64 = arith.constant 0 : i32
        %dma_start3A_65 = tpu.memref_slice %arg16[%add3A_58, %dma_start3A_64] : memref<10240x16xf32, #tpu.memory_space<vmem_shared>> -> memref<64x16xf32, #tpu.memory_space<vmem_shared>>
        tpu.enqueue_dma source(%arg14 : memref<64x16xf32, #tpu.memory_space<vmem>>) target(%dma_start3A_65 : memref<64x16xf32, #tpu.memory_space<vmem_shared>>) target_semaphore(%run_scoped3A : memref<!tpu.dma_semaphore, #tpu.memory_space<semaphore_mem>>)
        %dma_wait3A = arith.constant 0 : i32
        %dma_wait3A_66 = tpu.memref_slice %arg16[%add3A_58, %dma_wait3A] : memref<10240x16xf32, #tpu.memory_space<vmem_shared>> -> memref<64x16xf32, #tpu.memory_space<vmem_shared>>
        %dma_wait3A_67 = arith.constant 0 : i32
        %dma_wait3A_68 = tpu.memref_slice %arg16[%add3A_58, %dma_wait3A_67] : memref<10240x16xf32, #tpu.memory_space<vmem_shared>> -> memref<64x16xf32, #tpu.memory_space<vmem_shared>>
        tpu.wait_dma2 semaphore(%run_scoped3A : memref<!tpu.dma_semaphore, #tpu.memory_space<semaphore_mem>>) src(%arg14 : memref<64x16xf32, #tpu.memory_space<vmem>>) dst(%dma_wait3A_68 : memref<64x16xf32, #tpu.memory_space<vmem_shared>>)
        tpu.yield
      }) : () -> ()
      %add3A_59 = arith.constant 512 : i32
      %add3A_60 = arith.addi %mul3A_2, %add3A_59 : i32
      "tpu.region"() ({
        %run_scoped3A = tpu.sem_alloc : memref<!tpu.dma_semaphore, #tpu.memory_space<semaphore_mem>>
        %dma_start3A = arith.constant 0 : i32
        %dma_start3A_63 = tpu.memref_slice %arg16[%add3A_60, %dma_start3A] : memref<10240x16xf32, #tpu.memory_space<vmem_shared>> -> memref<64x16xf32, #tpu.memory_space<vmem_shared>>
        %dma_start3A_64 = arith.constant 0 : i32
        %dma_start3A_65 = tpu.memref_slice %arg16[%add3A_60, %dma_start3A_64] : memref<10240x16xf32, #tpu.memory_space<vmem_shared>> -> memref<64x16xf32, #tpu.memory_space<vmem_shared>>
        tpu.enqueue_dma source(%arg14 : memref<64x16xf32, #tpu.memory_space<vmem>>) target(%dma_start3A_65 : memref<64x16xf32, #tpu.memory_space<vmem_shared>>) target_semaphore(%run_scoped3A : memref<!tpu.dma_semaphore, #tpu.memory_space<semaphore_mem>>)
        %dma_wait3A = arith.constant 0 : i32
        %dma_wait3A_66 = tpu.memref_slice %arg16[%add3A_60, %dma_wait3A] : memref<10240x16xf32, #tpu.memory_space<vmem_shared>> -> memref<64x16xf32, #tpu.memory_space<vmem_shared>>
        %dma_wait3A_67 = arith.constant 0 : i32
        %dma_wait3A_68 = tpu.memref_slice %arg16[%add3A_60, %dma_wait3A_67] : memref<10240x16xf32, #tpu.memory_space<vmem_shared>> -> memref<64x16xf32, #tpu.memory_space<vmem_shared>>
        tpu.wait_dma2 semaphore(%run_scoped3A : memref<!tpu.dma_semaphore, #tpu.memory_space<semaphore_mem>>) src(%arg14 : memref<64x16xf32, #tpu.memory_space<vmem>>) dst(%dma_wait3A_68 : memref<64x16xf32, #tpu.memory_space<vmem_shared>>)
        tpu.yield
      }) : () -> ()
      %add3A_61 = arith.constant 576 : i32
      %add3A_62 = arith.addi %mul3A_2, %add3A_61 : i32
      "tpu.region"() ({
        %run_scoped3A = tpu.sem_alloc : memref<!tpu.dma_semaphore, #tpu.memory_space<semaphore_mem>>
        %dma_start3A = arith.constant 0 : i32
        %dma_start3A_63 = tpu.memref_slice %arg16[%add3A_62, %dma_start3A] : memref<10240x16xf32, #tpu.memory_space<vmem_shared>> -> memref<64x16xf32, #tpu.memory_space<vmem_shared>>
        %dma_start3A_64 = arith.constant 0 : i32
        %dma_start3A_65 = tpu.memref_slice %arg16[%add3A_62, %dma_start3A_64] : memref<10240x16xf32, #tpu.memory_space<vmem_shared>> -> memref<64x16xf32, #tpu.memory_space<vmem_shared>>
        tpu.enqueue_dma source(%arg14 : memref<64x16xf32, #tpu.memory_space<vmem>>) target(%dma_start3A_65 : memref<64x16xf32, #tpu.memory_space<vmem_shared>>) target_semaphore(%run_scoped3A : memref<!tpu.dma_semaphore, #tpu.memory_space<semaphore_mem>>)
        %dma_wait3A = arith.constant 0 : i32
        %dma_wait3A_66 = tpu.memref_slice %arg16[%add3A_62, %dma_wait3A] : memref<10240x16xf32, #tpu.memory_space<vmem_shared>> -> memref<64x16xf32, #tpu.memory_space<vmem_shared>>
        %dma_wait3A_67 = arith.constant 0 : i32
        %dma_wait3A_68 = tpu.memref_slice %arg16[%add3A_62, %dma_wait3A_67] : memref<10240x16xf32, #tpu.memory_space<vmem_shared>> -> memref<64x16xf32, #tpu.memory_space<vmem_shared>>
        tpu.wait_dma2 semaphore(%run_scoped3A : memref<!tpu.dma_semaphore, #tpu.memory_space<semaphore_mem>>) src(%arg14 : memref<64x16xf32, #tpu.memory_space<vmem>>) dst(%dma_wait3A_68 : memref<64x16xf32, #tpu.memory_space<vmem_shared>>)
        tpu.yield
      }) : () -> ()
    } else {
    }
    %barrier3A = arith.constant 0 : index
    tpu.barrier barrier_id(%barrier3A)
    %scan3A_12 = arith.constant 0 : i32
    %scan3A_13 = arith.constant 0 : i32
    %scan3A_14 = arith.constant 39 : i32
    %scan3A_15 = arith.addi %scan3A_13, %scan3A_14 : i32
    %scan3A_16 = arith.constant 1 : i32
    scf.for %scan3A_29 = %scan3A_13 to %scan3A_15 step %scan3A_16  : i32 {
      %mul3A_30 = arith.constant 4 : i32
      %mul3A_31 = arith.muli %scan3A_29, %mul3A_30 : i32
      %add3A_32 = arith.addi %mul3A_0, %mul3A_31 : i32
      "tpu.region"() ({
        %run_scoped3A = tpu.sem_alloc : memref<!tpu.dma_semaphore, #tpu.memory_space<semaphore_mem>>
        %dma_start3A_228 = arith.constant 0 : i32
        %dma_start3A_229 = tpu.memref_slice %arg2[%add3A_32, %dma_start3A_228] : memref<2500x128xi32, #tpu.memory_space<hbm>> -> memref<4x128xi32, #tpu.memory_space<hbm>>
        %dma_start3A_230 = arith.constant 0 : i32
        %dma_start3A_231 = tpu.memref_slice %arg2[%add3A_32, %dma_start3A_230] : memref<2500x128xi32, #tpu.memory_space<hbm>> -> memref<4x128xi32, #tpu.memory_space<hbm>>
        tpu.enqueue_dma source(%dma_start3A_231 : memref<4x128xi32, #tpu.memory_space<hbm>>) target(%arg7 : memref<4x128xi32, #tpu.memory_space<vmem>>) target_semaphore(%run_scoped3A : memref<!tpu.dma_semaphore, #tpu.memory_space<semaphore_mem>>)
        %dma_wait3A_232 = arith.constant 0 : i32
        %dma_wait3A_233 = tpu.memref_slice %arg2[%add3A_32, %dma_wait3A_232] : memref<2500x128xi32, #tpu.memory_space<hbm>> -> memref<4x128xi32, #tpu.memory_space<hbm>>
        %dma_wait3A_234 = arith.constant 0 : i32
        %dma_wait3A_235 = tpu.memref_slice %arg2[%add3A_32, %dma_wait3A_234] : memref<2500x128xi32, #tpu.memory_space<hbm>> -> memref<4x128xi32, #tpu.memory_space<hbm>>
        tpu.wait_dma2 semaphore(%run_scoped3A : memref<!tpu.dma_semaphore, #tpu.memory_space<semaphore_mem>>) src(%dma_wait3A_235 : memref<4x128xi32, #tpu.memory_space<hbm>>) dst(%arg7 : memref<4x128xi32, #tpu.memory_space<vmem>>)
        tpu.yield
      }) : () -> ()
      "tpu.region"() ({
        %run_scoped3A = tpu.sem_alloc : memref<!tpu.dma_semaphore, #tpu.memory_space<semaphore_mem>>
        %dma_start3A_228 = arith.constant 0 : i32
        %dma_start3A_229 = tpu.memref_slice %arg3[%add3A_32, %dma_start3A_228] : memref<2500x128xi32, #tpu.memory_space<hbm>> -> memref<4x128xi32, #tpu.memory_space<hbm>>
        %dma_start3A_230 = arith.constant 0 : i32
        %dma_start3A_231 = tpu.memref_slice %arg3[%add3A_32, %dma_start3A_230] : memref<2500x128xi32, #tpu.memory_space<hbm>> -> memref<4x128xi32, #tpu.memory_space<hbm>>
        tpu.enqueue_dma source(%dma_start3A_231 : memref<4x128xi32, #tpu.memory_space<hbm>>) target(%arg8 : memref<4x128xi32, #tpu.memory_space<vmem>>) target_semaphore(%run_scoped3A : memref<!tpu.dma_semaphore, #tpu.memory_space<semaphore_mem>>)
        %dma_wait3A_232 = arith.constant 0 : i32
        %dma_wait3A_233 = tpu.memref_slice %arg3[%add3A_32, %dma_wait3A_232] : memref<2500x128xi32, #tpu.memory_space<hbm>> -> memref<4x128xi32, #tpu.memory_space<hbm>>
        %dma_wait3A_234 = arith.constant 0 : i32
        %dma_wait3A_235 = tpu.memref_slice %arg3[%add3A_32, %dma_wait3A_234] : memref<2500x128xi32, #tpu.memory_space<hbm>> -> memref<4x128xi32, #tpu.memory_space<hbm>>
        tpu.wait_dma2 semaphore(%run_scoped3A : memref<!tpu.dma_semaphore, #tpu.memory_space<semaphore_mem>>) src(%dma_wait3A_235 : memref<4x128xi32, #tpu.memory_space<hbm>>) dst(%arg8 : memref<4x128xi32, #tpu.memory_space<vmem>>)
        tpu.yield
      }) : () -> ()
      %dma_start3A = arith.constant 0 : i32
      %dma_start3A_33 = arith.constant 0 : i32
      %dma_start3A_34 = arith.constant 0 : i32
      %dma_start3A_35 = tpu.memref_slice %arg9[%dma_start3A_33, %dma_start3A_34] : memref<512x64xf32, #tpu.memory_space<vmem>> -> memref<128x64xf32, #tpu.memory_space<vmem>>
      %dma_start3A_36 = arith.constant 0 : i32
      %dma_start3A_37 = tpu.memref_slice %arg7[%dma_start3A, %dma_start3A_36] : memref<4x128xi32, #tpu.memory_space<vmem>> -> memref<1x128xi32, #tpu.memory_space<vmem>>
      %dma_start3A_38 = tpu.memref_squeeze %dma_start3A_37 : memref<1x128xi32, #tpu.memory_space<vmem>> -> memref<128xi32, #tpu.memory_space<vmem>>
      %dma_start3A_39 = arith.constant 0 : i32
      %dma_start3A_40 = arith.constant 0 : i32
      %dma_start3A_41 = tpu.memref_slice %arg4[%arg0, %dma_start3A_39, %dma_start3A_40] : memref<2x10000x64xf32, #tpu.memory_space<hbm>> -> memref<1x10000x64xf32, #tpu.memory_space<hbm>>
      %dma_start3A_42 = tpu.memref_squeeze %dma_start3A_41 : memref<1x10000x64xf32, #tpu.memory_space<hbm>> -> memref<10000x64xf32, #tpu.memory_space<hbm>>
      %dma_start3A_43 = arith.constant 0 : i32
      %dma_start3A_44 = arith.constant 0 : i32
      %dma_start3A_45 = tpu.memref_slice %dma_start3A_42[%dma_start3A_43, %dma_start3A_44] : memref<10000x64xf32, #tpu.memory_space<hbm>> -> memref<10000x64xf32, #tpu.memory_space<hbm>>
      tpu.enqueue_indirect_dma source(%dma_start3A_45 : memref<10000x64xf32, #tpu.memory_space<hbm>>) target(%dma_start3A_35 : memref<128x64xf32, #tpu.memory_space<vmem>>) offsets(%dma_start3A_38 : memref<128xi32, #tpu.memory_space<vmem>>) semaphore(%arg11 : memref<!tpu.dma_semaphore, #tpu.memory_space<semaphore_mem>>)
      %dma_start3A_46 = arith.constant 1 : i32
      %dma_start3A_47 = arith.constant 128 : i32
      %dma_start3A_48 = arith.constant 0 : i32
      %dma_start3A_49 = tpu.memref_slice %arg9[%dma_start3A_47, %dma_start3A_48] : memref<512x64xf32, #tpu.memory_space<vmem>> -> memref<128x64xf32, #tpu.memory_space<vmem>>
      %dma_start3A_50 = arith.constant 0 : i32
      %dma_start3A_51 = tpu.memref_slice %arg7[%dma_start3A_46, %dma_start3A_50] : memref<4x128xi32, #tpu.memory_space<vmem>> -> memref<1x128xi32, #tpu.memory_space<vmem>>
      %dma_start3A_52 = tpu.memref_squeeze %dma_start3A_51 : memref<1x128xi32, #tpu.memory_space<vmem>> -> memref<128xi32, #tpu.memory_space<vmem>>
      %dma_start3A_53 = arith.constant 0 : i32
      %dma_start3A_54 = arith.constant 0 : i32
      %dma_start3A_55 = tpu.memref_slice %arg4[%arg0, %dma_start3A_53, %dma_start3A_54] : memref<2x10000x64xf32, #tpu.memory_space<hbm>> -> memref<1x10000x64xf32, #tpu.memory_space<hbm>>
      %dma_start3A_56 = tpu.memref_squeeze %dma_start3A_55 : memref<1x10000x64xf32, #tpu.memory_space<hbm>> -> memref<10000x64xf32, #tpu.memory_space<hbm>>
      %dma_start3A_57 = arith.constant 0 : i32
      %dma_start3A_58 = arith.constant 0 : i32
      %dma_start3A_59 = tpu.memref_slice %dma_start3A_56[%dma_start3A_57, %dma_start3A_58] : memref<10000x64xf32, #tpu.memory_space<hbm>> -> memref<10000x64xf32, #tpu.memory_space<hbm>>
      tpu.enqueue_indirect_dma source(%dma_start3A_59 : memref<10000x64xf32, #tpu.memory_space<hbm>>) target(%dma_start3A_49 : memref<128x64xf32, #tpu.memory_space<vmem>>) offsets(%dma_start3A_52 : memref<128xi32, #tpu.memory_space<vmem>>) semaphore(%arg11 : memref<!tpu.dma_semaphore, #tpu.memory_space<semaphore_mem>>)
      %dma_start3A_60 = arith.constant 2 : i32
      %dma_start3A_61 = arith.constant 256 : i32
      %dma_start3A_62 = arith.constant 0 : i32
      %dma_start3A_63 = tpu.memref_slice %arg9[%dma_start3A_61, %dma_start3A_62] : memref<512x64xf32, #tpu.memory_space<vmem>> -> memref<128x64xf32, #tpu.memory_space<vmem>>
      %dma_start3A_64 = arith.constant 0 : i32
      %dma_start3A_65 = tpu.memref_slice %arg7[%dma_start3A_60, %dma_start3A_64] : memref<4x128xi32, #tpu.memory_space<vmem>> -> memref<1x128xi32, #tpu.memory_space<vmem>>
      %dma_start3A_66 = tpu.memref_squeeze %dma_start3A_65 : memref<1x128xi32, #tpu.memory_space<vmem>> -> memref<128xi32, #tpu.memory_space<vmem>>
      %dma_start3A_67 = arith.constant 0 : i32
      %dma_start3A_68 = arith.constant 0 : i32
      %dma_start3A_69 = tpu.memref_slice %arg4[%arg0, %dma_start3A_67, %dma_start3A_68] : memref<2x10000x64xf32, #tpu.memory_space<hbm>> -> memref<1x10000x64xf32, #tpu.memory_space<hbm>>
      %dma_start3A_70 = tpu.memref_squeeze %dma_start3A_69 : memref<1x10000x64xf32, #tpu.memory_space<hbm>> -> memref<10000x64xf32, #tpu.memory_space<hbm>>
      %dma_start3A_71 = arith.constant 0 : i32
      %dma_start3A_72 = arith.constant 0 : i32
      %dma_start3A_73 = tpu.memref_slice %dma_start3A_70[%dma_start3A_71, %dma_start3A_72] : memref<10000x64xf32, #tpu.memory_space<hbm>> -> memref<10000x64xf32, #tpu.memory_space<hbm>>
      tpu.enqueue_indirect_dma source(%dma_start3A_73 : memref<10000x64xf32, #tpu.memory_space<hbm>>) target(%dma_start3A_63 : memref<128x64xf32, #tpu.memory_space<vmem>>) offsets(%dma_start3A_66 : memref<128xi32, #tpu.memory_space<vmem>>) semaphore(%arg11 : memref<!tpu.dma_semaphore, #tpu.memory_space<semaphore_mem>>)
      %dma_start3A_74 = arith.constant 3 : i32
      %dma_start3A_75 = arith.constant 384 : i32
      %dma_start3A_76 = arith.constant 0 : i32
      %dma_start3A_77 = tpu.memref_slice %arg9[%dma_start3A_75, %dma_start3A_76] : memref<512x64xf32, #tpu.memory_space<vmem>> -> memref<128x64xf32, #tpu.memory_space<vmem>>
      %dma_start3A_78 = arith.constant 0 : i32
      %dma_start3A_79 = tpu.memref_slice %arg7[%dma_start3A_74, %dma_start3A_78] : memref<4x128xi32, #tpu.memory_space<vmem>> -> memref<1x128xi32, #tpu.memory_space<vmem>>
      %dma_start3A_80 = tpu.memref_squeeze %dma_start3A_79 : memref<1x128xi32, #tpu.memory_space<vmem>> -> memref<128xi32, #tpu.memory_space<vmem>>
      %dma_start3A_81 = arith.constant 0 : i32
      %dma_start3A_82 = arith.constant 0 : i32
      %dma_start3A_83 = tpu.memref_slice %arg4[%arg0, %dma_start3A_81, %dma_start3A_82] : memref<2x10000x64xf32, #tpu.memory_space<hbm>> -> memref<1x10000x64xf32, #tpu.memory_space<hbm>>
      %dma_start3A_84 = tpu.memref_squeeze %dma_start3A_83 : memref<1x10000x64xf32, #tpu.memory_space<hbm>> -> memref<10000x64xf32, #tpu.memory_space<hbm>>
      %dma_start3A_85 = arith.constant 0 : i32
      %dma_start3A_86 = arith.constant 0 : i32
      %dma_start3A_87 = tpu.memref_slice %dma_start3A_84[%dma_start3A_85, %dma_start3A_86] : memref<10000x64xf32, #tpu.memory_space<hbm>> -> memref<10000x64xf32, #tpu.memory_space<hbm>>
      tpu.enqueue_indirect_dma source(%dma_start3A_87 : memref<10000x64xf32, #tpu.memory_space<hbm>>) target(%dma_start3A_77 : memref<128x64xf32, #tpu.memory_space<vmem>>) offsets(%dma_start3A_80 : memref<128xi32, #tpu.memory_space<vmem>>) semaphore(%arg11 : memref<!tpu.dma_semaphore, #tpu.memory_space<semaphore_mem>>)
      %dma_wait3A = arith.constant 0 : i32
      %dma_wait3A_88 = arith.constant 0 : i32
      %dma_wait3A_89 = arith.constant 0 : i32
      %dma_wait3A_90 = tpu.memref_slice %arg9[%dma_wait3A_88, %dma_wait3A_89] : memref<512x64xf32, #tpu.memory_space<vmem>> -> memref<128x64xf32, #tpu.memory_space<vmem>>
      %dma_wait3A_91 = arith.constant 0 : i32
      %dma_wait3A_92 = tpu.memref_slice %arg7[%dma_wait3A, %dma_wait3A_91] : memref<4x128xi32, #tpu.memory_space<vmem>> -> memref<1x128xi32, #tpu.memory_space<vmem>>
      %dma_wait3A_93 = tpu.memref_squeeze %dma_wait3A_92 : memref<1x128xi32, #tpu.memory_space<vmem>> -> memref<128xi32, #tpu.memory_space<vmem>>
      %dma_wait3A_94 = arith.constant 0 : i32
      %dma_wait3A_95 = arith.constant 0 : i32
      %dma_wait3A_96 = tpu.memref_slice %arg4[%arg0, %dma_wait3A_94, %dma_wait3A_95] : memref<2x10000x64xf32, #tpu.memory_space<hbm>> -> memref<1x10000x64xf32, #tpu.memory_space<hbm>>
      %dma_wait3A_97 = tpu.memref_squeeze %dma_wait3A_96 : memref<1x10000x64xf32, #tpu.memory_space<hbm>> -> memref<10000x64xf32, #tpu.memory_space<hbm>>
      %dma_wait3A_98 = arith.constant 0 : i32
      %dma_wait3A_99 = arith.constant 0 : i32
      %dma_wait3A_100 = tpu.memref_slice %dma_wait3A_97[%dma_wait3A_98, %dma_wait3A_99] : memref<10000x64xf32, #tpu.memory_space<hbm>> -> memref<10000x64xf32, #tpu.memory_space<hbm>>
      tpu.wait_indirect_dma semaphore(%arg11 : memref<!tpu.dma_semaphore, #tpu.memory_space<semaphore_mem>>) src(%dma_wait3A_100 : memref<10000x64xf32, #tpu.memory_space<hbm>>) dst(%dma_wait3A_90 : memref<128x64xf32, #tpu.memory_space<vmem>>)
      %dma_start3A_101 = arith.constant 0 : i32
      %dma_start3A_102 = arith.constant 0 : i32
      %dma_start3A_103 = arith.constant 0 : i32
      %dma_start3A_104 = tpu.memref_slice %arg9[%dma_start3A_102, %dma_start3A_103] : memref<512x64xf32, #tpu.memory_space<vmem>> -> memref<128x64xf32, #tpu.memory_space<vmem>>
      %dma_start3A_105 = arith.constant 0 : i32
      %dma_start3A_106 = tpu.memref_slice %arg8[%dma_start3A_101, %dma_start3A_105] : memref<4x128xi32, #tpu.memory_space<vmem>> -> memref<1x128xi32, #tpu.memory_space<vmem>>
      %dma_start3A_107 = tpu.memref_squeeze %dma_start3A_106 : memref<1x128xi32, #tpu.memory_space<vmem>> -> memref<128xi32, #tpu.memory_space<vmem>>
      %dma_start3A_108 = arith.constant 0 : i32
      %dma_start3A_109 = arith.constant 0 : i32
      %dma_start3A_110 = tpu.memref_slice %arg10[%dma_start3A_108, %dma_start3A_109] : memref<10240x64xf32, #tpu.memory_space<vmem_shared>> -> memref<10240x64xf32, #tpu.memory_space<vmem_shared>>
      tpu.enqueue_indirect_dma source(%dma_start3A_104 : memref<128x64xf32, #tpu.memory_space<vmem>>) target(%dma_start3A_110 : memref<10240x64xf32, #tpu.memory_space<vmem_shared>>) offsets(%dma_start3A_107 : memref<128xi32, #tpu.memory_space<vmem>>) semaphore(%arg12 : memref<!tpu.dma_semaphore, #tpu.memory_space<semaphore_mem>>) {add = true}
      %dma_wait3A_111 = arith.constant 1 : i32
      %dma_wait3A_112 = arith.constant 128 : i32
      %dma_wait3A_113 = arith.constant 0 : i32
      %dma_wait3A_114 = tpu.memref_slice %arg9[%dma_wait3A_112, %dma_wait3A_113] : memref<512x64xf32, #tpu.memory_space<vmem>> -> memref<128x64xf32, #tpu.memory_space<vmem>>
      %dma_wait3A_115 = arith.constant 0 : i32
      %dma_wait3A_116 = tpu.memref_slice %arg7[%dma_wait3A_111, %dma_wait3A_115] : memref<4x128xi32, #tpu.memory_space<vmem>> -> memref<1x128xi32, #tpu.memory_space<vmem>>
      %dma_wait3A_117 = tpu.memref_squeeze %dma_wait3A_116 : memref<1x128xi32, #tpu.memory_space<vmem>> -> memref<128xi32, #tpu.memory_space<vmem>>
      %dma_wait3A_118 = arith.constant 0 : i32
      %dma_wait3A_119 = arith.constant 0 : i32
      %dma_wait3A_120 = tpu.memref_slice %arg4[%arg0, %dma_wait3A_118, %dma_wait3A_119] : memref<2x10000x64xf32, #tpu.memory_space<hbm>> -> memref<1x10000x64xf32, #tpu.memory_space<hbm>>
      %dma_wait3A_121 = tpu.memref_squeeze %dma_wait3A_120 : memref<1x10000x64xf32, #tpu.memory_space<hbm>> -> memref<10000x64xf32, #tpu.memory_space<hbm>>
      %dma_wait3A_122 = arith.constant 0 : i32
      %dma_wait3A_123 = arith.constant 0 : i32
      %dma_wait3A_124 = tpu.memref_slice %dma_wait3A_121[%dma_wait3A_122, %dma_wait3A_123] : memref<10000x64xf32, #tpu.memory_space<hbm>> -> memref<10000x64xf32, #tpu.memory_space<hbm>>
      tpu.wait_indirect_dma semaphore(%arg11 : memref<!tpu.dma_semaphore, #tpu.memory_space<semaphore_mem>>) src(%dma_wait3A_124 : memref<10000x64xf32, #tpu.memory_space<hbm>>) dst(%dma_wait3A_114 : memref<128x64xf32, #tpu.memory_space<vmem>>)
      %dma_start3A_125 = arith.constant 1 : i32
      %dma_start3A_126 = arith.constant 128 : i32
      %dma_start3A_127 = arith.constant 0 : i32
      %dma_start3A_128 = tpu.memref_slice %arg9[%dma_start3A_126, %dma_start3A_127] : memref<512x64xf32, #tpu.memory_space<vmem>> -> memref<128x64xf32, #tpu.memory_space<vmem>>
      %dma_start3A_129 = arith.constant 0 : i32
      %dma_start3A_130 = tpu.memref_slice %arg8[%dma_start3A_125, %dma_start3A_129] : memref<4x128xi32, #tpu.memory_space<vmem>> -> memref<1x128xi32, #tpu.memory_space<vmem>>
      %dma_start3A_131 = tpu.memref_squeeze %dma_start3A_130 : memref<1x128xi32, #tpu.memory_space<vmem>> -> memref<128xi32, #tpu.memory_space<vmem>>
      %dma_start3A_132 = arith.constant 0 : i32
      %dma_start3A_133 = arith.constant 0 : i32
      %dma_start3A_134 = tpu.memref_slice %arg10[%dma_start3A_132, %dma_start3A_133] : memref<10240x64xf32, #tpu.memory_space<vmem_shared>> -> memref<10240x64xf32, #tpu.memory_space<vmem_shared>>
      tpu.enqueue_indirect_dma source(%dma_start3A_128 : memref<128x64xf32, #tpu.memory_space<vmem>>) target(%dma_start3A_134 : memref<10240x64xf32, #tpu.memory_space<vmem_shared>>) offsets(%dma_start3A_131 : memref<128xi32, #tpu.memory_space<vmem>>) semaphore(%arg12 : memref<!tpu.dma_semaphore, #tpu.memory_space<semaphore_mem>>) {add = true}
      %dma_wait3A_135 = arith.constant 2 : i32
      %dma_wait3A_136 = arith.constant 256 : i32
      %dma_wait3A_137 = arith.constant 0 : i32
      %dma_wait3A_138 = tpu.memref_slice %arg9[%dma_wait3A_136, %dma_wait3A_137] : memref<512x64xf32, #tpu.memory_space<vmem>> -> memref<128x64xf32, #tpu.memory_space<vmem>>
      %dma_wait3A_139 = arith.constant 0 : i32
      %dma_wait3A_140 = tpu.memref_slice %arg7[%dma_wait3A_135, %dma_wait3A_139] : memref<4x128xi32, #tpu.memory_space<vmem>> -> memref<1x128xi32, #tpu.memory_space<vmem>>
      %dma_wait3A_141 = tpu.memref_squeeze %dma_wait3A_140 : memref<1x128xi32, #tpu.memory_space<vmem>> -> memref<128xi32, #tpu.memory_space<vmem>>
      %dma_wait3A_142 = arith.constant 0 : i32
      %dma_wait3A_143 = arith.constant 0 : i32
      %dma_wait3A_144 = tpu.memref_slice %arg4[%arg0, %dma_wait3A_142, %dma_wait3A_143] : memref<2x10000x64xf32, #tpu.memory_space<hbm>> -> memref<1x10000x64xf32, #tpu.memory_space<hbm>>
      %dma_wait3A_145 = tpu.memref_squeeze %dma_wait3A_144 : memref<1x10000x64xf32, #tpu.memory_space<hbm>> -> memref<10000x64xf32, #tpu.memory_space<hbm>>
      %dma_wait3A_146 = arith.constant 0 : i32
      %dma_wait3A_147 = arith.constant 0 : i32
      %dma_wait3A_148 = tpu.memref_slice %dma_wait3A_145[%dma_wait3A_146, %dma_wait3A_147] : memref<10000x64xf32, #tpu.memory_space<hbm>> -> memref<10000x64xf32, #tpu.memory_space<hbm>>
      tpu.wait_indirect_dma semaphore(%arg11 : memref<!tpu.dma_semaphore, #tpu.memory_space<semaphore_mem>>) src(%dma_wait3A_148 : memref<10000x64xf32, #tpu.memory_space<hbm>>) dst(%dma_wait3A_138 : memref<128x64xf32, #tpu.memory_space<vmem>>)
      %dma_start3A_149 = arith.constant 2 : i32
      %dma_start3A_150 = arith.constant 256 : i32
      %dma_start3A_151 = arith.constant 0 : i32
      %dma_start3A_152 = tpu.memref_slice %arg9[%dma_start3A_150, %dma_start3A_151] : memref<512x64xf32, #tpu.memory_space<vmem>> -> memref<128x64xf32, #tpu.memory_space<vmem>>
      %dma_start3A_153 = arith.constant 0 : i32
      %dma_start3A_154 = tpu.memref_slice %arg8[%dma_start3A_149, %dma_start3A_153] : memref<4x128xi32, #tpu.memory_space<vmem>> -> memref<1x128xi32, #tpu.memory_space<vmem>>
      %dma_start3A_155 = tpu.memref_squeeze %dma_start3A_154 : memref<1x128xi32, #tpu.memory_space<vmem>> -> memref<128xi32, #tpu.memory_space<vmem>>
      %dma_start3A_156 = arith.constant 0 : i32
      %dma_start3A_157 = arith.constant 0 : i32
      %dma_start3A_158 = tpu.memref_slice %arg10[%dma_start3A_156, %dma_start3A_157] : memref<10240x64xf32, #tpu.memory_space<vmem_shared>> -> memref<10240x64xf32, #tpu.memory_space<vmem_shared>>
      tpu.enqueue_indirect_dma source(%dma_start3A_152 : memref<128x64xf32, #tpu.memory_space<vmem>>) target(%dma_start3A_158 : memref<10240x64xf32, #tpu.memory_space<vmem_shared>>) offsets(%dma_start3A_155 : memref<128xi32, #tpu.memory_space<vmem>>) semaphore(%arg12 : memref<!tpu.dma_semaphore, #tpu.memory_space<semaphore_mem>>) {add = true}
      %dma_wait3A_159 = arith.constant 3 : i32
      %dma_wait3A_160 = arith.constant 384 : i32
      %dma_wait3A_161 = arith.constant 0 : i32
      %dma_wait3A_162 = tpu.memref_slice %arg9[%dma_wait3A_160, %dma_wait3A_161] : memref<512x64xf32, #tpu.memory_space<vmem>> -> memref<128x64xf32, #tpu.memory_space<vmem>>
      %dma_wait3A_163 = arith.constant 0 : i32
      %dma_wait3A_164 = tpu.memref_slice %arg7[%dma_wait3A_159, %dma_wait3A_163] : memref<4x128xi32, #tpu.memory_space<vmem>> -> memref<1x128xi32, #tpu.memory_space<vmem>>
      %dma_wait3A_165 = tpu.memref_squeeze %dma_wait3A_164 : memref<1x128xi32, #tpu.memory_space<vmem>> -> memref<128xi32, #tpu.memory_space<vmem>>
      %dma_wait3A_166 = arith.constant 0 : i32
      %dma_wait3A_167 = arith.constant 0 : i32
      %dma_wait3A_168 = tpu.memref_slice %arg4[%arg0, %dma_wait3A_166, %dma_wait3A_167] : memref<2x10000x64xf32, #tpu.memory_space<hbm>> -> memref<1x10000x64xf32, #tpu.memory_space<hbm>>
      %dma_wait3A_169 = tpu.memref_squeeze %dma_wait3A_168 : memref<1x10000x64xf32, #tpu.memory_space<hbm>> -> memref<10000x64xf32, #tpu.memory_space<hbm>>
      %dma_wait3A_170 = arith.constant 0 : i32
      %dma_wait3A_171 = arith.constant 0 : i32
      %dma_wait3A_172 = tpu.memref_slice %dma_wait3A_169[%dma_wait3A_170, %dma_wait3A_171] : memref<10000x64xf32, #tpu.memory_space<hbm>> -> memref<10000x64xf32, #tpu.memory_space<hbm>>
      tpu.wait_indirect_dma semaphore(%arg11 : memref<!tpu.dma_semaphore, #tpu.memory_space<semaphore_mem>>) src(%dma_wait3A_172 : memref<10000x64xf32, #tpu.memory_space<hbm>>) dst(%dma_wait3A_162 : memref<128x64xf32, #tpu.memory_space<vmem>>)
      %dma_start3A_173 = arith.constant 3 : i32
      %dma_start3A_174 = arith.constant 384 : i32
      %dma_start3A_175 = arith.constant 0 : i32
      %dma_start3A_176 = tpu.memref_slice %arg9[%dma_start3A_174, %dma_start3A_175] : memref<512x64xf32, #tpu.memory_space<vmem>> -> memref<128x64xf32, #tpu.memory_space<vmem>>
      %dma_start3A_177 = arith.constant 0 : i32
      %dma_start3A_178 = tpu.memref_slice %arg8[%dma_start3A_173, %dma_start3A_177] : memref<4x128xi32, #tpu.memory_space<vmem>> -> memref<1x128xi32, #tpu.memory_space<vmem>>
      %dma_start3A_179 = tpu.memref_squeeze %dma_start3A_178 : memref<1x128xi32, #tpu.memory_space<vmem>> -> memref<128xi32, #tpu.memory_space<vmem>>
      %dma_start3A_180 = arith.constant 0 : i32
      %dma_start3A_181 = arith.constant 0 : i32
      %dma_start3A_182 = tpu.memref_slice %arg10[%dma_start3A_180, %dma_start3A_181] : memref<10240x64xf32, #tpu.memory_space<vmem_shared>> -> memref<10240x64xf32, #tpu.memory_space<vmem_shared>>
      tpu.enqueue_indirect_dma source(%dma_start3A_176 : memref<128x64xf32, #tpu.memory_space<vmem>>) target(%dma_start3A_182 : memref<10240x64xf32, #tpu.memory_space<vmem_shared>>) offsets(%dma_start3A_179 : memref<128xi32, #tpu.memory_space<vmem>>) semaphore(%arg12 : memref<!tpu.dma_semaphore, #tpu.memory_space<semaphore_mem>>) {add = true}
      %eq3A_183 = arith.constant 0 : i32
      %eq3A_184 = arith.cmpi eq, %arg0, %eq3A_183 : i32
      %convert_element_type3A_185 = arith.extui %eq3A_184 : i1 to i32
      %cond3A_186 = arith.constant 0 : i32
      %cond3A_187 = arith.cmpi ne, %convert_element_type3A_185, %cond3A_186 : i32
      scf.if %cond3A_187 {
        %dma_start3A_228 = arith.constant 0 : i32
        %dma_start3A_229 = arith.constant 0 : i32
        %dma_start3A_230 = tpu.memref_slice %arg8[%dma_start3A_228, %dma_start3A_229] : memref<4x128xi32, #tpu.memory_space<vmem>> -> memref<1x128xi32, #tpu.memory_space<vmem>>
        %dma_start3A_231 = tpu.memref_squeeze %dma_start3A_230 : memref<1x128xi32, #tpu.memory_space<vmem>> -> memref<128xi32, #tpu.memory_space<vmem>>
        %dma_start3A_232 = arith.constant 0 : i32
        %dma_start3A_233 = arith.constant 0 : i32
        %dma_start3A_234 = tpu.memref_slice %arg16[%dma_start3A_232, %dma_start3A_233] : memref<10240x16xf32, #tpu.memory_space<vmem_shared>> -> memref<10240x16xf32, #tpu.memory_space<vmem_shared>>
        tpu.enqueue_indirect_dma source(%arg13 : memref<128x16xf32, #tpu.memory_space<vmem>>) target(%dma_start3A_234 : memref<10240x16xf32, #tpu.memory_space<vmem_shared>>) offsets(%dma_start3A_231 : memref<128xi32, #tpu.memory_space<vmem>>) semaphore(%arg15 : memref<!tpu.dma_semaphore, #tpu.memory_space<semaphore_mem>>) {add = true}
        %dma_start3A_235 = arith.constant 1 : i32
        %dma_start3A_236 = arith.constant 0 : i32
        %dma_start3A_237 = tpu.memref_slice %arg8[%dma_start3A_235, %dma_start3A_236] : memref<4x128xi32, #tpu.memory_space<vmem>> -> memref<1x128xi32, #tpu.memory_space<vmem>>
        %dma_start3A_238 = tpu.memref_squeeze %dma_start3A_237 : memref<1x128xi32, #tpu.memory_space<vmem>> -> memref<128xi32, #tpu.memory_space<vmem>>
        %dma_start3A_239 = arith.constant 0 : i32
        %dma_start3A_240 = arith.constant 0 : i32
        %dma_start3A_241 = tpu.memref_slice %arg16[%dma_start3A_239, %dma_start3A_240] : memref<10240x16xf32, #tpu.memory_space<vmem_shared>> -> memref<10240x16xf32, #tpu.memory_space<vmem_shared>>
        tpu.enqueue_indirect_dma source(%arg13 : memref<128x16xf32, #tpu.memory_space<vmem>>) target(%dma_start3A_241 : memref<10240x16xf32, #tpu.memory_space<vmem_shared>>) offsets(%dma_start3A_238 : memref<128xi32, #tpu.memory_space<vmem>>) semaphore(%arg15 : memref<!tpu.dma_semaphore, #tpu.memory_space<semaphore_mem>>) {add = true}
        %dma_start3A_242 = arith.constant 2 : i32
        %dma_start3A_243 = arith.constant 0 : i32
        %dma_start3A_244 = tpu.memref_slice %arg8[%dma_start3A_242, %dma_start3A_243] : memref<4x128xi32, #tpu.memory_space<vmem>> -> memref<1x128xi32, #tpu.memory_space<vmem>>
        %dma_start3A_245 = tpu.memref_squeeze %dma_start3A_244 : memref<1x128xi32, #tpu.memory_space<vmem>> -> memref<128xi32, #tpu.memory_space<vmem>>
        %dma_start3A_246 = arith.constant 0 : i32
        %dma_start3A_247 = arith.constant 0 : i32
        %dma_start3A_248 = tpu.memref_slice %arg16[%dma_start3A_246, %dma_start3A_247] : memref<10240x16xf32, #tpu.memory_space<vmem_shared>> -> memref<10240x16xf32, #tpu.memory_space<vmem_shared>>
        tpu.enqueue_indirect_dma source(%arg13 : memref<128x16xf32, #tpu.memory_space<vmem>>) target(%dma_start3A_248 : memref<10240x16xf32, #tpu.memory_space<vmem_shared>>) offsets(%dma_start3A_245 : memref<128xi32, #tpu.memory_space<vmem>>) semaphore(%arg15 : memref<!tpu.dma_semaphore, #tpu.memory_space<semaphore_mem>>) {add = true}
        %dma_start3A_249 = arith.constant 3 : i32
        %dma_start3A_250 = arith.constant 0 : i32
        %dma_start3A_251 = tpu.memref_slice %arg8[%dma_start3A_249, %dma_start3A_250] : memref<4x128xi32, #tpu.memory_space<vmem>> -> memref<1x128xi32, #tpu.memory_space<vmem>>
        %dma_start3A_252 = tpu.memref_squeeze %dma_start3A_251 : memref<1x128xi32, #tpu.memory_space<vmem>> -> memref<128xi32, #tpu.memory_space<vmem>>
        %dma_start3A_253 = arith.constant 0 : i32
        %dma_start3A_254 = arith.constant 0 : i32
        %dma_start3A_255 = tpu.memref_slice %arg16[%dma_start3A_253, %dma_start3A_254] : memref<10240x16xf32, #tpu.memory_space<vmem_shared>> -> memref<10240x16xf32, #tpu.memory_space<vmem_shared>>
        tpu.enqueue_indirect_dma source(%arg13 : memref<128x16xf32, #tpu.memory_space<vmem>>) target(%dma_start3A_255 : memref<10240x16xf32, #tpu.memory_space<vmem_shared>>) offsets(%dma_start3A_252 : memref<128xi32, #tpu.memory_space<vmem>>) semaphore(%arg15 : memref<!tpu.dma_semaphore, #tpu.memory_space<semaphore_mem>>) {add = true}
        %dma_wait3A_256 = arith.constant 0 : i32
        %dma_wait3A_257 = arith.constant 0 : i32
        %dma_wait3A_258 = tpu.memref_slice %arg8[%dma_wait3A_256, %dma_wait3A_257] : memref<4x128xi32, #tpu.memory_space<vmem>> -> memref<1x128xi32, #tpu.memory_space<vmem>>
        %dma_wait3A_259 = tpu.memref_squeeze %dma_wait3A_258 : memref<1x128xi32, #tpu.memory_space<vmem>> -> memref<128xi32, #tpu.memory_space<vmem>>
        %dma_wait3A_260 = arith.constant 0 : i32
        %dma_wait3A_261 = arith.constant 0 : i32
        %dma_wait3A_262 = tpu.memref_slice %arg16[%dma_wait3A_260, %dma_wait3A_261] : memref<10240x16xf32, #tpu.memory_space<vmem_shared>> -> memref<10240x16xf32, #tpu.memory_space<vmem_shared>>
        tpu.wait_indirect_dma semaphore(%arg15 : memref<!tpu.dma_semaphore, #tpu.memory_space<semaphore_mem>>) src(%arg13 : memref<128x16xf32, #tpu.memory_space<vmem>>) dst(%dma_wait3A_262 : memref<10240x16xf32, #tpu.memory_space<vmem_shared>>)
        %dma_wait3A_263 = arith.constant 1 : i32
        %dma_wait3A_264 = arith.constant 0 : i32
        %dma_wait3A_265 = tpu.memref_slice %arg8[%dma_wait3A_263, %dma_wait3A_264] : memref<4x128xi32, #tpu.memory_space<vmem>> -> memref<1x128xi32, #tpu.memory_space<vmem>>
        %dma_wait3A_266 = tpu.memref_squeeze %dma_wait3A_265 : memref<1x128xi32, #tpu.memory_space<vmem>> -> memref<128xi32, #tpu.memory_space<vmem>>
        %dma_wait3A_267 = arith.constant 0 : i32
        %dma_wait3A_268 = arith.constant 0 : i32
        %dma_wait3A_269 = tpu.memref_slice %arg16[%dma_wait3A_267, %dma_wait3A_268] : memref<10240x16xf32, #tpu.memory_space<vmem_shared>> -> memref<10240x16xf32, #tpu.memory_space<vmem_shared>>
        tpu.wait_indirect_dma semaphore(%arg15 : memref<!tpu.dma_semaphore, #tpu.memory_space<semaphore_mem>>) src(%arg13 : memref<128x16xf32, #tpu.memory_space<vmem>>) dst(%dma_wait3A_269 : memref<10240x16xf32, #tpu.memory_space<vmem_shared>>)
        %dma_wait3A_270 = arith.constant 2 : i32
        %dma_wait3A_271 = arith.constant 0 : i32
        %dma_wait3A_272 = tpu.memref_slice %arg8[%dma_wait3A_270, %dma_wait3A_271] : memref<4x128xi32, #tpu.memory_space<vmem>> -> memref<1x128xi32, #tpu.memory_space<vmem>>
        %dma_wait3A_273 = tpu.memref_squeeze %dma_wait3A_272 : memref<1x128xi32, #tpu.memory_space<vmem>> -> memref<128xi32, #tpu.memory_space<vmem>>
        %dma_wait3A_274 = arith.constant 0 : i32
        %dma_wait3A_275 = arith.constant 0 : i32
        %dma_wait3A_276 = tpu.memref_slice %arg16[%dma_wait3A_274, %dma_wait3A_275] : memref<10240x16xf32, #tpu.memory_space<vmem_shared>> -> memref<10240x16xf32, #tpu.memory_space<vmem_shared>>
        tpu.wait_indirect_dma semaphore(%arg15 : memref<!tpu.dma_semaphore, #tpu.memory_space<semaphore_mem>>) src(%arg13 : memref<128x16xf32, #tpu.memory_space<vmem>>) dst(%dma_wait3A_276 : memref<10240x16xf32, #tpu.memory_space<vmem_shared>>)
        %dma_wait3A_277 = arith.constant 3 : i32
        %dma_wait3A_278 = arith.constant 0 : i32
        %dma_wait3A_279 = tpu.memref_slice %arg8[%dma_wait3A_277, %dma_wait3A_278] : memref<4x128xi32, #tpu.memory_space<vmem>> -> memref<1x128xi32, #tpu.memory_space<vmem>>
        %dma_wait3A_280 = tpu.memref_squeeze %dma_wait3A_279 : memref<1x128xi32, #tpu.memory_space<vmem>> -> memref<128xi32, #tpu.memory_space<vmem>>
        %dma_wait3A_281 = arith.constant 0 : i32
        %dma_wait3A_282 = arith.constant 0 : i32
        %dma_wait3A_283 = tpu.memref_slice %arg16[%dma_wait3A_281, %dma_wait3A_282] : memref<10240x16xf32, #tpu.memory_space<vmem_shared>> -> memref<10240x16xf32, #tpu.memory_space<vmem_shared>>
        tpu.wait_indirect_dma semaphore(%arg15 : memref<!tpu.dma_semaphore, #tpu.memory_space<semaphore_mem>>) src(%arg13 : memref<128x16xf32, #tpu.memory_space<vmem>>) dst(%dma_wait3A_283 : memref<10240x16xf32, #tpu.memory_space<vmem_shared>>)
      } else {
      }
      %dma_wait3A_188 = arith.constant 0 : i32
      %dma_wait3A_189 = arith.constant 0 : i32
      %dma_wait3A_190 = arith.constant 0 : i32
      %dma_wait3A_191 = tpu.memref_slice %arg9[%dma_wait3A_189, %dma_wait3A_190] : memref<512x64xf32, #tpu.memory_space<vmem>> -> memref<128x64xf32, #tpu.memory_space<vmem>>
      %dma_wait3A_192 = arith.constant 0 : i32
      %dma_wait3A_193 = tpu.memref_slice %arg8[%dma_wait3A_188, %dma_wait3A_192] : memref<4x128xi32, #tpu.memory_space<vmem>> -> memref<1x128xi32, #tpu.memory_space<vmem>>
      %dma_wait3A_194 = tpu.memref_squeeze %dma_wait3A_193 : memref<1x128xi32, #tpu.memory_space<vmem>> -> memref<128xi32, #tpu.memory_space<vmem>>
      %dma_wait3A_195 = arith.constant 0 : i32
      %dma_wait3A_196 = arith.constant 0 : i32
      %dma_wait3A_197 = tpu.memref_slice %arg10[%dma_wait3A_195, %dma_wait3A_196] : memref<10240x64xf32, #tpu.memory_space<vmem_shared>> -> memref<10240x64xf32, #tpu.memory_space<vmem_shared>>
      tpu.wait_indirect_dma semaphore(%arg12 : memref<!tpu.dma_semaphore, #tpu.memory_space<semaphore_mem>>) src(%dma_wait3A_191 : memref<128x64xf32, #tpu.memory_space<vmem>>) dst(%dma_wait3A_197 : memref<10240x64xf32, #tpu.memory_space<vmem_shared>>)
      %dma_wait3A_198 = arith.constant 1 : i32
      %dma_wait3A_199 = arith.constant 128 : i32
      %dma_wait3A_200 = arith.constant 0 : i32
      %dma_wait3A_201 = tpu.memref_slice %arg9[%dma_wait3A_199, %dma_wait3A_200] : memref<512x64xf32, #tpu.memory_space<vmem>> -> memref<128x64xf32, #tpu.memory_space<vmem>>
      %dma_wait3A_202 = arith.constant 0 : i32
      %dma_wait3A_203 = tpu.memref_slice %arg8[%dma_wait3A_198, %dma_wait3A_202] : memref<4x128xi32, #tpu.memory_space<vmem>> -> memref<1x128xi32, #tpu.memory_space<vmem>>
      %dma_wait3A_204 = tpu.memref_squeeze %dma_wait3A_203 : memref<1x128xi32, #tpu.memory_space<vmem>> -> memref<128xi32, #tpu.memory_space<vmem>>
      %dma_wait3A_205 = arith.constant 0 : i32
      %dma_wait3A_206 = arith.constant 0 : i32
      %dma_wait3A_207 = tpu.memref_slice %arg10[%dma_wait3A_205, %dma_wait3A_206] : memref<10240x64xf32, #tpu.memory_space<vmem_shared>> -> memref<10240x64xf32, #tpu.memory_space<vmem_shared>>
      tpu.wait_indirect_dma semaphore(%arg12 : memref<!tpu.dma_semaphore, #tpu.memory_space<semaphore_mem>>) src(%dma_wait3A_201 : memref<128x64xf32, #tpu.memory_space<vmem>>) dst(%dma_wait3A_207 : memref<10240x64xf32, #tpu.memory_space<vmem_shared>>)
      %dma_wait3A_208 = arith.constant 2 : i32
      %dma_wait3A_209 = arith.constant 256 : i32
      %dma_wait3A_210 = arith.constant 0 : i32
      %dma_wait3A_211 = tpu.memref_slice %arg9[%dma_wait3A_209, %dma_wait3A_210] : memref<512x64xf32, #tpu.memory_space<vmem>> -> memref<128x64xf32, #tpu.memory_space<vmem>>
      %dma_wait3A_212 = arith.constant 0 : i32
      %dma_wait3A_213 = tpu.memref_slice %arg8[%dma_wait3A_208, %dma_wait3A_212] : memref<4x128xi32, #tpu.memory_space<vmem>> -> memref<1x128xi32, #tpu.memory_space<vmem>>
      %dma_wait3A_214 = tpu.memref_squeeze %dma_wait3A_213 : memref<1x128xi32, #tpu.memory_space<vmem>> -> memref<128xi32, #tpu.memory_space<vmem>>
      %dma_wait3A_215 = arith.constant 0 : i32
      %dma_wait3A_216 = arith.constant 0 : i32
      %dma_wait3A_217 = tpu.memref_slice %arg10[%dma_wait3A_215, %dma_wait3A_216] : memref<10240x64xf32, #tpu.memory_space<vmem_shared>> -> memref<10240x64xf32, #tpu.memory_space<vmem_shared>>
      tpu.wait_indirect_dma semaphore(%arg12 : memref<!tpu.dma_semaphore, #tpu.memory_space<semaphore_mem>>) src(%dma_wait3A_211 : memref<128x64xf32, #tpu.memory_space<vmem>>) dst(%dma_wait3A_217 : memref<10240x64xf32, #tpu.memory_space<vmem_shared>>)
      %dma_wait3A_218 = arith.constant 3 : i32
      %dma_wait3A_219 = arith.constant 384 : i32
      %dma_wait3A_220 = arith.constant 0 : i32
      %dma_wait3A_221 = tpu.memref_slice %arg9[%dma_wait3A_219, %dma_wait3A_220] : memref<512x64xf32, #tpu.memory_space<vmem>> -> memref<128x64xf32, #tpu.memory_space<vmem>>
      %dma_wait3A_222 = arith.constant 0 : i32
      %dma_wait3A_223 = tpu.memref_slice %arg8[%dma_wait3A_218, %dma_wait3A_222] : memref<4x128xi32, #tpu.memory_space<vmem>> -> memref<1x128xi32, #tpu.memory_space<vmem>>
      %dma_wait3A_224 = tpu.memref_squeeze %dma_wait3A_223 : memref<1x128xi32, #tpu.memory_space<vmem>> -> memref<128xi32, #tpu.memory_space<vmem>>
      %dma_wait3A_225 = arith.constant 0 : i32
      %dma_wait3A_226 = arith.constant 0 : i32
      %dma_wait3A_227 = tpu.memref_slice %arg10[%dma_wait3A_225, %dma_wait3A_226] : memref<10240x64xf32, #tpu.memory_space<vmem_shared>> -> memref<10240x64xf32, #tpu.memory_space<vmem_shared>>
      tpu.wait_indirect_dma semaphore(%arg12 : memref<!tpu.dma_semaphore, #tpu.memory_space<semaphore_mem>>) src(%dma_wait3A_221 : memref<128x64xf32, #tpu.memory_space<vmem>>) dst(%dma_wait3A_227 : memref<10240x64xf32, #tpu.memory_space<vmem_shared>>)
    }
    %scan3A_17 = arith.constant 39 : i32
    %eq3A_18 = arith.constant 15 : i32
    %eq3A_19 = arith.cmpi eq, %arg1, %eq3A_18 : i32
    %convert_element_type3A_20 = arith.extui %eq3A_19 : i1 to i32
    %cond3A_21 = arith.constant 0 : i32
    %cond3A_22 = arith.cmpi ne, %convert_element_type3A_20, %cond3A_21 : i32
    scf.if %cond3A_22 {
      "tpu.region"() ({
        %run_scoped3A = tpu.sem_alloc : memref<!tpu.dma_semaphore, #tpu.memory_space<semaphore_mem>>
        %dma_start3A_224 = arith.constant 2496 : i32
        %dma_start3A_225 = arith.constant 0 : i32
        %dma_start3A_226 = tpu.memref_slice %arg2[%dma_start3A_224, %dma_start3A_225] : memref<2500x128xi32, #tpu.memory_space<hbm>> -> memref<4x128xi32, #tpu.memory_space<hbm>>
        %dma_start3A_227 = arith.constant 2496 : i32
        %dma_start3A_228 = arith.constant 0 : i32
        %dma_start3A_229 = tpu.memref_slice %arg2[%dma_start3A_227, %dma_start3A_228] : memref<2500x128xi32, #tpu.memory_space<hbm>> -> memref<4x128xi32, #tpu.memory_space<hbm>>
        tpu.enqueue_dma source(%dma_start3A_229 : memref<4x128xi32, #tpu.memory_space<hbm>>) target(%arg7 : memref<4x128xi32, #tpu.memory_space<vmem>>) target_semaphore(%run_scoped3A : memref<!tpu.dma_semaphore, #tpu.memory_space<semaphore_mem>>)
        %dma_wait3A_230 = arith.constant 2496 : i32
        %dma_wait3A_231 = arith.constant 0 : i32
        %dma_wait3A_232 = tpu.memref_slice %arg2[%dma_wait3A_230, %dma_wait3A_231] : memref<2500x128xi32, #tpu.memory_space<hbm>> -> memref<4x128xi32, #tpu.memory_space<hbm>>
        %dma_wait3A_233 = arith.constant 2496 : i32
        %dma_wait3A_234 = arith.constant 0 : i32
        %dma_wait3A_235 = tpu.memref_slice %arg2[%dma_wait3A_233, %dma_wait3A_234] : memref<2500x128xi32, #tpu.memory_space<hbm>> -> memref<4x128xi32, #tpu.memory_space<hbm>>
        tpu.wait_dma2 semaphore(%run_scoped3A : memref<!tpu.dma_semaphore, #tpu.memory_space<semaphore_mem>>) src(%dma_wait3A_235 : memref<4x128xi32, #tpu.memory_space<hbm>>) dst(%arg7 : memref<4x128xi32, #tpu.memory_space<vmem>>)
        tpu.yield
      }) : () -> ()
      "tpu.region"() ({
        %run_scoped3A = tpu.sem_alloc : memref<!tpu.dma_semaphore, #tpu.memory_space<semaphore_mem>>
        %dma_start3A_224 = arith.constant 2496 : i32
        %dma_start3A_225 = arith.constant 0 : i32
        %dma_start3A_226 = tpu.memref_slice %arg3[%dma_start3A_224, %dma_start3A_225] : memref<2500x128xi32, #tpu.memory_space<hbm>> -> memref<4x128xi32, #tpu.memory_space<hbm>>
        %dma_start3A_227 = arith.constant 2496 : i32
        %dma_start3A_228 = arith.constant 0 : i32
        %dma_start3A_229 = tpu.memref_slice %arg3[%dma_start3A_227, %dma_start3A_228] : memref<2500x128xi32, #tpu.memory_space<hbm>> -> memref<4x128xi32, #tpu.memory_space<hbm>>
        tpu.enqueue_dma source(%dma_start3A_229 : memref<4x128xi32, #tpu.memory_space<hbm>>) target(%arg8 : memref<4x128xi32, #tpu.memory_space<vmem>>) target_semaphore(%run_scoped3A : memref<!tpu.dma_semaphore, #tpu.memory_space<semaphore_mem>>)
        %dma_wait3A_230 = arith.constant 2496 : i32
        %dma_wait3A_231 = arith.constant 0 : i32
        %dma_wait3A_232 = tpu.memref_slice %arg3[%dma_wait3A_230, %dma_wait3A_231] : memref<2500x128xi32, #tpu.memory_space<hbm>> -> memref<4x128xi32, #tpu.memory_space<hbm>>
        %dma_wait3A_233 = arith.constant 2496 : i32
        %dma_wait3A_234 = arith.constant 0 : i32
        %dma_wait3A_235 = tpu.memref_slice %arg3[%dma_wait3A_233, %dma_wait3A_234] : memref<2500x128xi32, #tpu.memory_space<hbm>> -> memref<4x128xi32, #tpu.memory_space<hbm>>
        tpu.wait_dma2 semaphore(%run_scoped3A : memref<!tpu.dma_semaphore, #tpu.memory_space<semaphore_mem>>) src(%dma_wait3A_235 : memref<4x128xi32, #tpu.memory_space<hbm>>) dst(%arg8 : memref<4x128xi32, #tpu.memory_space<vmem>>)
        tpu.yield
      }) : () -> ()
      %dma_start3A = arith.constant 0 : i32
      %dma_start3A_29 = arith.constant 0 : i32
      %dma_start3A_30 = arith.constant 0 : i32
      %dma_start3A_31 = tpu.memref_slice %arg9[%dma_start3A_29, %dma_start3A_30] : memref<512x64xf32, #tpu.memory_space<vmem>> -> memref<128x64xf32, #tpu.memory_space<vmem>>
      %dma_start3A_32 = arith.constant 0 : i32
      %dma_start3A_33 = tpu.memref_slice %arg7[%dma_start3A, %dma_start3A_32] : memref<4x128xi32, #tpu.memory_space<vmem>> -> memref<1x128xi32, #tpu.memory_space<vmem>>
      %dma_start3A_34 = tpu.memref_squeeze %dma_start3A_33 : memref<1x128xi32, #tpu.memory_space<vmem>> -> memref<128xi32, #tpu.memory_space<vmem>>
      %dma_start3A_35 = arith.constant 0 : i32
      %dma_start3A_36 = arith.constant 0 : i32
      %dma_start3A_37 = tpu.memref_slice %arg4[%arg0, %dma_start3A_35, %dma_start3A_36] : memref<2x10000x64xf32, #tpu.memory_space<hbm>> -> memref<1x10000x64xf32, #tpu.memory_space<hbm>>
      %dma_start3A_38 = tpu.memref_squeeze %dma_start3A_37 : memref<1x10000x64xf32, #tpu.memory_space<hbm>> -> memref<10000x64xf32, #tpu.memory_space<hbm>>
      %dma_start3A_39 = arith.constant 0 : i32
      %dma_start3A_40 = arith.constant 0 : i32
      %dma_start3A_41 = tpu.memref_slice %dma_start3A_38[%dma_start3A_39, %dma_start3A_40] : memref<10000x64xf32, #tpu.memory_space<hbm>> -> memref<10000x64xf32, #tpu.memory_space<hbm>>
      tpu.enqueue_indirect_dma source(%dma_start3A_41 : memref<10000x64xf32, #tpu.memory_space<hbm>>) target(%dma_start3A_31 : memref<128x64xf32, #tpu.memory_space<vmem>>) offsets(%dma_start3A_34 : memref<128xi32, #tpu.memory_space<vmem>>) semaphore(%arg11 : memref<!tpu.dma_semaphore, #tpu.memory_space<semaphore_mem>>)
      %dma_start3A_42 = arith.constant 1 : i32
      %dma_start3A_43 = arith.constant 128 : i32
      %dma_start3A_44 = arith.constant 0 : i32
      %dma_start3A_45 = tpu.memref_slice %arg9[%dma_start3A_43, %dma_start3A_44] : memref<512x64xf32, #tpu.memory_space<vmem>> -> memref<128x64xf32, #tpu.memory_space<vmem>>
      %dma_start3A_46 = arith.constant 0 : i32
      %dma_start3A_47 = tpu.memref_slice %arg7[%dma_start3A_42, %dma_start3A_46] : memref<4x128xi32, #tpu.memory_space<vmem>> -> memref<1x128xi32, #tpu.memory_space<vmem>>
      %dma_start3A_48 = tpu.memref_squeeze %dma_start3A_47 : memref<1x128xi32, #tpu.memory_space<vmem>> -> memref<128xi32, #tpu.memory_space<vmem>>
      %dma_start3A_49 = arith.constant 0 : i32
      %dma_start3A_50 = arith.constant 0 : i32
      %dma_start3A_51 = tpu.memref_slice %arg4[%arg0, %dma_start3A_49, %dma_start3A_50] : memref<2x10000x64xf32, #tpu.memory_space<hbm>> -> memref<1x10000x64xf32, #tpu.memory_space<hbm>>
      %dma_start3A_52 = tpu.memref_squeeze %dma_start3A_51 : memref<1x10000x64xf32, #tpu.memory_space<hbm>> -> memref<10000x64xf32, #tpu.memory_space<hbm>>
      %dma_start3A_53 = arith.constant 0 : i32
      %dma_start3A_54 = arith.constant 0 : i32
      %dma_start3A_55 = tpu.memref_slice %dma_start3A_52[%dma_start3A_53, %dma_start3A_54] : memref<10000x64xf32, #tpu.memory_space<hbm>> -> memref<10000x64xf32, #tpu.memory_space<hbm>>
      tpu.enqueue_indirect_dma source(%dma_start3A_55 : memref<10000x64xf32, #tpu.memory_space<hbm>>) target(%dma_start3A_45 : memref<128x64xf32, #tpu.memory_space<vmem>>) offsets(%dma_start3A_48 : memref<128xi32, #tpu.memory_space<vmem>>) semaphore(%arg11 : memref<!tpu.dma_semaphore, #tpu.memory_space<semaphore_mem>>)
      %dma_start3A_56 = arith.constant 2 : i32
      %dma_start3A_57 = arith.constant 256 : i32
      %dma_start3A_58 = arith.constant 0 : i32
      %dma_start3A_59 = tpu.memref_slice %arg9[%dma_start3A_57, %dma_start3A_58] : memref<512x64xf32, #tpu.memory_space<vmem>> -> memref<128x64xf32, #tpu.memory_space<vmem>>
      %dma_start3A_60 = arith.constant 0 : i32
      %dma_start3A_61 = tpu.memref_slice %arg7[%dma_start3A_56, %dma_start3A_60] : memref<4x128xi32, #tpu.memory_space<vmem>> -> memref<1x128xi32, #tpu.memory_space<vmem>>
      %dma_start3A_62 = tpu.memref_squeeze %dma_start3A_61 : memref<1x128xi32, #tpu.memory_space<vmem>> -> memref<128xi32, #tpu.memory_space<vmem>>
      %dma_start3A_63 = arith.constant 0 : i32
      %dma_start3A_64 = arith.constant 0 : i32
      %dma_start3A_65 = tpu.memref_slice %arg4[%arg0, %dma_start3A_63, %dma_start3A_64] : memref<2x10000x64xf32, #tpu.memory_space<hbm>> -> memref<1x10000x64xf32, #tpu.memory_space<hbm>>
      %dma_start3A_66 = tpu.memref_squeeze %dma_start3A_65 : memref<1x10000x64xf32, #tpu.memory_space<hbm>> -> memref<10000x64xf32, #tpu.memory_space<hbm>>
      %dma_start3A_67 = arith.constant 0 : i32
      %dma_start3A_68 = arith.constant 0 : i32
      %dma_start3A_69 = tpu.memref_slice %dma_start3A_66[%dma_start3A_67, %dma_start3A_68] : memref<10000x64xf32, #tpu.memory_space<hbm>> -> memref<10000x64xf32, #tpu.memory_space<hbm>>
      tpu.enqueue_indirect_dma source(%dma_start3A_69 : memref<10000x64xf32, #tpu.memory_space<hbm>>) target(%dma_start3A_59 : memref<128x64xf32, #tpu.memory_space<vmem>>) offsets(%dma_start3A_62 : memref<128xi32, #tpu.memory_space<vmem>>) semaphore(%arg11 : memref<!tpu.dma_semaphore, #tpu.memory_space<semaphore_mem>>)
      %dma_start3A_70 = arith.constant 3 : i32
      %dma_start3A_71 = arith.constant 384 : i32
      %dma_start3A_72 = arith.constant 0 : i32
      %dma_start3A_73 = tpu.memref_slice %arg9[%dma_start3A_71, %dma_start3A_72] : memref<512x64xf32, #tpu.memory_space<vmem>> -> memref<128x64xf32, #tpu.memory_space<vmem>>
      %dma_start3A_74 = arith.constant 0 : i32
      %dma_start3A_75 = tpu.memref_slice %arg7[%dma_start3A_70, %dma_start3A_74] : memref<4x128xi32, #tpu.memory_space<vmem>> -> memref<1x128xi32, #tpu.memory_space<vmem>>
      %dma_start3A_76 = tpu.memref_squeeze %dma_start3A_75 : memref<1x128xi32, #tpu.memory_space<vmem>> -> memref<128xi32, #tpu.memory_space<vmem>>
      %dma_start3A_77 = arith.constant 0 : i32
      %dma_start3A_78 = arith.constant 0 : i32
      %dma_start3A_79 = tpu.memref_slice %arg4[%arg0, %dma_start3A_77, %dma_start3A_78] : memref<2x10000x64xf32, #tpu.memory_space<hbm>> -> memref<1x10000x64xf32, #tpu.memory_space<hbm>>
      %dma_start3A_80 = tpu.memref_squeeze %dma_start3A_79 : memref<1x10000x64xf32, #tpu.memory_space<hbm>> -> memref<10000x64xf32, #tpu.memory_space<hbm>>
      %dma_start3A_81 = arith.constant 0 : i32
      %dma_start3A_82 = arith.constant 0 : i32
      %dma_start3A_83 = tpu.memref_slice %dma_start3A_80[%dma_start3A_81, %dma_start3A_82] : memref<10000x64xf32, #tpu.memory_space<hbm>> -> memref<10000x64xf32, #tpu.memory_space<hbm>>
      tpu.enqueue_indirect_dma source(%dma_start3A_83 : memref<10000x64xf32, #tpu.memory_space<hbm>>) target(%dma_start3A_73 : memref<128x64xf32, #tpu.memory_space<vmem>>) offsets(%dma_start3A_76 : memref<128xi32, #tpu.memory_space<vmem>>) semaphore(%arg11 : memref<!tpu.dma_semaphore, #tpu.memory_space<semaphore_mem>>)
      %dma_wait3A = arith.constant 0 : i32
      %dma_wait3A_84 = arith.constant 0 : i32
      %dma_wait3A_85 = arith.constant 0 : i32
      %dma_wait3A_86 = tpu.memref_slice %arg9[%dma_wait3A_84, %dma_wait3A_85] : memref<512x64xf32, #tpu.memory_space<vmem>> -> memref<128x64xf32, #tpu.memory_space<vmem>>
      %dma_wait3A_87 = arith.constant 0 : i32
      %dma_wait3A_88 = tpu.memref_slice %arg7[%dma_wait3A, %dma_wait3A_87] : memref<4x128xi32, #tpu.memory_space<vmem>> -> memref<1x128xi32, #tpu.memory_space<vmem>>
      %dma_wait3A_89 = tpu.memref_squeeze %dma_wait3A_88 : memref<1x128xi32, #tpu.memory_space<vmem>> -> memref<128xi32, #tpu.memory_space<vmem>>
      %dma_wait3A_90 = arith.constant 0 : i32
      %dma_wait3A_91 = arith.constant 0 : i32
      %dma_wait3A_92 = tpu.memref_slice %arg4[%arg0, %dma_wait3A_90, %dma_wait3A_91] : memref<2x10000x64xf32, #tpu.memory_space<hbm>> -> memref<1x10000x64xf32, #tpu.memory_space<hbm>>
      %dma_wait3A_93 = tpu.memref_squeeze %dma_wait3A_92 : memref<1x10000x64xf32, #tpu.memory_space<hbm>> -> memref<10000x64xf32, #tpu.memory_space<hbm>>
      %dma_wait3A_94 = arith.constant 0 : i32
      %dma_wait3A_95 = arith.constant 0 : i32
      %dma_wait3A_96 = tpu.memref_slice %dma_wait3A_93[%dma_wait3A_94, %dma_wait3A_95] : memref<10000x64xf32, #tpu.memory_space<hbm>> -> memref<10000x64xf32, #tpu.memory_space<hbm>>
      tpu.wait_indirect_dma semaphore(%arg11 : memref<!tpu.dma_semaphore, #tpu.memory_space<semaphore_mem>>) src(%dma_wait3A_96 : memref<10000x64xf32, #tpu.memory_space<hbm>>) dst(%dma_wait3A_86 : memref<128x64xf32, #tpu.memory_space<vmem>>)
      %dma_start3A_97 = arith.constant 0 : i32
      %dma_start3A_98 = arith.constant 0 : i32
      %dma_start3A_99 = arith.constant 0 : i32
      %dma_start3A_100 = tpu.memref_slice %arg9[%dma_start3A_98, %dma_start3A_99] : memref<512x64xf32, #tpu.memory_space<vmem>> -> memref<128x64xf32, #tpu.memory_space<vmem>>
      %dma_start3A_101 = arith.constant 0 : i32
      %dma_start3A_102 = tpu.memref_slice %arg8[%dma_start3A_97, %dma_start3A_101] : memref<4x128xi32, #tpu.memory_space<vmem>> -> memref<1x128xi32, #tpu.memory_space<vmem>>
      %dma_start3A_103 = tpu.memref_squeeze %dma_start3A_102 : memref<1x128xi32, #tpu.memory_space<vmem>> -> memref<128xi32, #tpu.memory_space<vmem>>
      %dma_start3A_104 = arith.constant 0 : i32
      %dma_start3A_105 = arith.constant 0 : i32
      %dma_start3A_106 = tpu.memref_slice %arg10[%dma_start3A_104, %dma_start3A_105] : memref<10240x64xf32, #tpu.memory_space<vmem_shared>> -> memref<10240x64xf32, #tpu.memory_space<vmem_shared>>
      tpu.enqueue_indirect_dma source(%dma_start3A_100 : memref<128x64xf32, #tpu.memory_space<vmem>>) target(%dma_start3A_106 : memref<10240x64xf32, #tpu.memory_space<vmem_shared>>) offsets(%dma_start3A_103 : memref<128xi32, #tpu.memory_space<vmem>>) semaphore(%arg12 : memref<!tpu.dma_semaphore, #tpu.memory_space<semaphore_mem>>) {add = true}
      %dma_wait3A_107 = arith.constant 1 : i32
      %dma_wait3A_108 = arith.constant 128 : i32
      %dma_wait3A_109 = arith.constant 0 : i32
      %dma_wait3A_110 = tpu.memref_slice %arg9[%dma_wait3A_108, %dma_wait3A_109] : memref<512x64xf32, #tpu.memory_space<vmem>> -> memref<128x64xf32, #tpu.memory_space<vmem>>
      %dma_wait3A_111 = arith.constant 0 : i32
      %dma_wait3A_112 = tpu.memref_slice %arg7[%dma_wait3A_107, %dma_wait3A_111] : memref<4x128xi32, #tpu.memory_space<vmem>> -> memref<1x128xi32, #tpu.memory_space<vmem>>
      %dma_wait3A_113 = tpu.memref_squeeze %dma_wait3A_112 : memref<1x128xi32, #tpu.memory_space<vmem>> -> memref<128xi32, #tpu.memory_space<vmem>>
      %dma_wait3A_114 = arith.constant 0 : i32
      %dma_wait3A_115 = arith.constant 0 : i32
      %dma_wait3A_116 = tpu.memref_slice %arg4[%arg0, %dma_wait3A_114, %dma_wait3A_115] : memref<2x10000x64xf32, #tpu.memory_space<hbm>> -> memref<1x10000x64xf32, #tpu.memory_space<hbm>>
      %dma_wait3A_117 = tpu.memref_squeeze %dma_wait3A_116 : memref<1x10000x64xf32, #tpu.memory_space<hbm>> -> memref<10000x64xf32, #tpu.memory_space<hbm>>
      %dma_wait3A_118 = arith.constant 0 : i32
      %dma_wait3A_119 = arith.constant 0 : i32
      %dma_wait3A_120 = tpu.memref_slice %dma_wait3A_117[%dma_wait3A_118, %dma_wait3A_119] : memref<10000x64xf32, #tpu.memory_space<hbm>> -> memref<10000x64xf32, #tpu.memory_space<hbm>>
      tpu.wait_indirect_dma semaphore(%arg11 : memref<!tpu.dma_semaphore, #tpu.memory_space<semaphore_mem>>) src(%dma_wait3A_120 : memref<10000x64xf32, #tpu.memory_space<hbm>>) dst(%dma_wait3A_110 : memref<128x64xf32, #tpu.memory_space<vmem>>)
      %dma_start3A_121 = arith.constant 1 : i32
      %dma_start3A_122 = arith.constant 128 : i32
      %dma_start3A_123 = arith.constant 0 : i32
      %dma_start3A_124 = tpu.memref_slice %arg9[%dma_start3A_122, %dma_start3A_123] : memref<512x64xf32, #tpu.memory_space<vmem>> -> memref<128x64xf32, #tpu.memory_space<vmem>>
      %dma_start3A_125 = arith.constant 0 : i32
      %dma_start3A_126 = tpu.memref_slice %arg8[%dma_start3A_121, %dma_start3A_125] : memref<4x128xi32, #tpu.memory_space<vmem>> -> memref<1x128xi32, #tpu.memory_space<vmem>>
      %dma_start3A_127 = tpu.memref_squeeze %dma_start3A_126 : memref<1x128xi32, #tpu.memory_space<vmem>> -> memref<128xi32, #tpu.memory_space<vmem>>
      %dma_start3A_128 = arith.constant 0 : i32
      %dma_start3A_129 = arith.constant 0 : i32
      %dma_start3A_130 = tpu.memref_slice %arg10[%dma_start3A_128, %dma_start3A_129] : memref<10240x64xf32, #tpu.memory_space<vmem_shared>> -> memref<10240x64xf32, #tpu.memory_space<vmem_shared>>
      tpu.enqueue_indirect_dma source(%dma_start3A_124 : memref<128x64xf32, #tpu.memory_space<vmem>>) target(%dma_start3A_130 : memref<10240x64xf32, #tpu.memory_space<vmem_shared>>) offsets(%dma_start3A_127 : memref<128xi32, #tpu.memory_space<vmem>>) semaphore(%arg12 : memref<!tpu.dma_semaphore, #tpu.memory_space<semaphore_mem>>) {add = true}
      %dma_wait3A_131 = arith.constant 2 : i32
      %dma_wait3A_132 = arith.constant 256 : i32
      %dma_wait3A_133 = arith.constant 0 : i32
      %dma_wait3A_134 = tpu.memref_slice %arg9[%dma_wait3A_132, %dma_wait3A_133] : memref<512x64xf32, #tpu.memory_space<vmem>> -> memref<128x64xf32, #tpu.memory_space<vmem>>
      %dma_wait3A_135 = arith.constant 0 : i32
      %dma_wait3A_136 = tpu.memref_slice %arg7[%dma_wait3A_131, %dma_wait3A_135] : memref<4x128xi32, #tpu.memory_space<vmem>> -> memref<1x128xi32, #tpu.memory_space<vmem>>
      %dma_wait3A_137 = tpu.memref_squeeze %dma_wait3A_136 : memref<1x128xi32, #tpu.memory_space<vmem>> -> memref<128xi32, #tpu.memory_space<vmem>>
      %dma_wait3A_138 = arith.constant 0 : i32
      %dma_wait3A_139 = arith.constant 0 : i32
      %dma_wait3A_140 = tpu.memref_slice %arg4[%arg0, %dma_wait3A_138, %dma_wait3A_139] : memref<2x10000x64xf32, #tpu.memory_space<hbm>> -> memref<1x10000x64xf32, #tpu.memory_space<hbm>>
      %dma_wait3A_141 = tpu.memref_squeeze %dma_wait3A_140 : memref<1x10000x64xf32, #tpu.memory_space<hbm>> -> memref<10000x64xf32, #tpu.memory_space<hbm>>
      %dma_wait3A_142 = arith.constant 0 : i32
      %dma_wait3A_143 = arith.constant 0 : i32
      %dma_wait3A_144 = tpu.memref_slice %dma_wait3A_141[%dma_wait3A_142, %dma_wait3A_143] : memref<10000x64xf32, #tpu.memory_space<hbm>> -> memref<10000x64xf32, #tpu.memory_space<hbm>>
      tpu.wait_indirect_dma semaphore(%arg11 : memref<!tpu.dma_semaphore, #tpu.memory_space<semaphore_mem>>) src(%dma_wait3A_144 : memref<10000x64xf32, #tpu.memory_space<hbm>>) dst(%dma_wait3A_134 : memref<128x64xf32, #tpu.memory_space<vmem>>)
      %dma_start3A_145 = arith.constant 2 : i32
      %dma_start3A_146 = arith.constant 256 : i32
      %dma_start3A_147 = arith.constant 0 : i32
      %dma_start3A_148 = tpu.memref_slice %arg9[%dma_start3A_146, %dma_start3A_147] : memref<512x64xf32, #tpu.memory_space<vmem>> -> memref<128x64xf32, #tpu.memory_space<vmem>>
      %dma_start3A_149 = arith.constant 0 : i32
      %dma_start3A_150 = tpu.memref_slice %arg8[%dma_start3A_145, %dma_start3A_149] : memref<4x128xi32, #tpu.memory_space<vmem>> -> memref<1x128xi32, #tpu.memory_space<vmem>>
      %dma_start3A_151 = tpu.memref_squeeze %dma_start3A_150 : memref<1x128xi32, #tpu.memory_space<vmem>> -> memref<128xi32, #tpu.memory_space<vmem>>
      %dma_start3A_152 = arith.constant 0 : i32
      %dma_start3A_153 = arith.constant 0 : i32
      %dma_start3A_154 = tpu.memref_slice %arg10[%dma_start3A_152, %dma_start3A_153] : memref<10240x64xf32, #tpu.memory_space<vmem_shared>> -> memref<10240x64xf32, #tpu.memory_space<vmem_shared>>
      tpu.enqueue_indirect_dma source(%dma_start3A_148 : memref<128x64xf32, #tpu.memory_space<vmem>>) target(%dma_start3A_154 : memref<10240x64xf32, #tpu.memory_space<vmem_shared>>) offsets(%dma_start3A_151 : memref<128xi32, #tpu.memory_space<vmem>>) semaphore(%arg12 : memref<!tpu.dma_semaphore, #tpu.memory_space<semaphore_mem>>) {add = true}
      %dma_wait3A_155 = arith.constant 3 : i32
      %dma_wait3A_156 = arith.constant 384 : i32
      %dma_wait3A_157 = arith.constant 0 : i32
      %dma_wait3A_158 = tpu.memref_slice %arg9[%dma_wait3A_156, %dma_wait3A_157] : memref<512x64xf32, #tpu.memory_space<vmem>> -> memref<128x64xf32, #tpu.memory_space<vmem>>
      %dma_wait3A_159 = arith.constant 0 : i32
      %dma_wait3A_160 = tpu.memref_slice %arg7[%dma_wait3A_155, %dma_wait3A_159] : memref<4x128xi32, #tpu.memory_space<vmem>> -> memref<1x128xi32, #tpu.memory_space<vmem>>
      %dma_wait3A_161 = tpu.memref_squeeze %dma_wait3A_160 : memref<1x128xi32, #tpu.memory_space<vmem>> -> memref<128xi32, #tpu.memory_space<vmem>>
      %dma_wait3A_162 = arith.constant 0 : i32
      %dma_wait3A_163 = arith.constant 0 : i32
      %dma_wait3A_164 = tpu.memref_slice %arg4[%arg0, %dma_wait3A_162, %dma_wait3A_163] : memref<2x10000x64xf32, #tpu.memory_space<hbm>> -> memref<1x10000x64xf32, #tpu.memory_space<hbm>>
      %dma_wait3A_165 = tpu.memref_squeeze %dma_wait3A_164 : memref<1x10000x64xf32, #tpu.memory_space<hbm>> -> memref<10000x64xf32, #tpu.memory_space<hbm>>
      %dma_wait3A_166 = arith.constant 0 : i32
      %dma_wait3A_167 = arith.constant 0 : i32
      %dma_wait3A_168 = tpu.memref_slice %dma_wait3A_165[%dma_wait3A_166, %dma_wait3A_167] : memref<10000x64xf32, #tpu.memory_space<hbm>> -> memref<10000x64xf32, #tpu.memory_space<hbm>>
      tpu.wait_indirect_dma semaphore(%arg11 : memref<!tpu.dma_semaphore, #tpu.memory_space<semaphore_mem>>) src(%dma_wait3A_168 : memref<10000x64xf32, #tpu.memory_space<hbm>>) dst(%dma_wait3A_158 : memref<128x64xf32, #tpu.memory_space<vmem>>)
      %dma_start3A_169 = arith.constant 3 : i32
      %dma_start3A_170 = arith.constant 384 : i32
      %dma_start3A_171 = arith.constant 0 : i32
      %dma_start3A_172 = tpu.memref_slice %arg9[%dma_start3A_170, %dma_start3A_171] : memref<512x64xf32, #tpu.memory_space<vmem>> -> memref<128x64xf32, #tpu.memory_space<vmem>>
      %dma_start3A_173 = arith.constant 0 : i32
      %dma_start3A_174 = tpu.memref_slice %arg8[%dma_start3A_169, %dma_start3A_173] : memref<4x128xi32, #tpu.memory_space<vmem>> -> memref<1x128xi32, #tpu.memory_space<vmem>>
      %dma_start3A_175 = tpu.memref_squeeze %dma_start3A_174 : memref<1x128xi32, #tpu.memory_space<vmem>> -> memref<128xi32, #tpu.memory_space<vmem>>
      %dma_start3A_176 = arith.constant 0 : i32
      %dma_start3A_177 = arith.constant 0 : i32
      %dma_start3A_178 = tpu.memref_slice %arg10[%dma_start3A_176, %dma_start3A_177] : memref<10240x64xf32, #tpu.memory_space<vmem_shared>> -> memref<10240x64xf32, #tpu.memory_space<vmem_shared>>
      tpu.enqueue_indirect_dma source(%dma_start3A_172 : memref<128x64xf32, #tpu.memory_space<vmem>>) target(%dma_start3A_178 : memref<10240x64xf32, #tpu.memory_space<vmem_shared>>) offsets(%dma_start3A_175 : memref<128xi32, #tpu.memory_space<vmem>>) semaphore(%arg12 : memref<!tpu.dma_semaphore, #tpu.memory_space<semaphore_mem>>) {add = true}
      %eq3A_179 = arith.constant 0 : i32
      %eq3A_180 = arith.cmpi eq, %arg0, %eq3A_179 : i32
      %convert_element_type3A_181 = arith.extui %eq3A_180 : i1 to i32
      %cond3A_182 = arith.constant 0 : i32
      %cond3A_183 = arith.cmpi ne, %convert_element_type3A_181, %cond3A_182 : i32
      scf.if %cond3A_183 {
        %dma_start3A_224 = arith.constant 0 : i32
        %dma_start3A_225 = arith.constant 0 : i32
        %dma_start3A_226 = tpu.memref_slice %arg8[%dma_start3A_224, %dma_start3A_225] : memref<4x128xi32, #tpu.memory_space<vmem>> -> memref<1x128xi32, #tpu.memory_space<vmem>>
        %dma_start3A_227 = tpu.memref_squeeze %dma_start3A_226 : memref<1x128xi32, #tpu.memory_space<vmem>> -> memref<128xi32, #tpu.memory_space<vmem>>
        %dma_start3A_228 = arith.constant 0 : i32
        %dma_start3A_229 = arith.constant 0 : i32
        %dma_start3A_230 = tpu.memref_slice %arg16[%dma_start3A_228, %dma_start3A_229] : memref<10240x16xf32, #tpu.memory_space<vmem_shared>> -> memref<10240x16xf32, #tpu.memory_space<vmem_shared>>
        tpu.enqueue_indirect_dma source(%arg13 : memref<128x16xf32, #tpu.memory_space<vmem>>) target(%dma_start3A_230 : memref<10240x16xf32, #tpu.memory_space<vmem_shared>>) offsets(%dma_start3A_227 : memref<128xi32, #tpu.memory_space<vmem>>) semaphore(%arg15 : memref<!tpu.dma_semaphore, #tpu.memory_space<semaphore_mem>>) {add = true}
        %dma_start3A_231 = arith.constant 1 : i32
        %dma_start3A_232 = arith.constant 0 : i32
        %dma_start3A_233 = tpu.memref_slice %arg8[%dma_start3A_231, %dma_start3A_232] : memref<4x128xi32, #tpu.memory_space<vmem>> -> memref<1x128xi32, #tpu.memory_space<vmem>>
        %dma_start3A_234 = tpu.memref_squeeze %dma_start3A_233 : memref<1x128xi32, #tpu.memory_space<vmem>> -> memref<128xi32, #tpu.memory_space<vmem>>
        %dma_start3A_235 = arith.constant 0 : i32
        %dma_start3A_236 = arith.constant 0 : i32
        %dma_start3A_237 = tpu.memref_slice %arg16[%dma_start3A_235, %dma_start3A_236] : memref<10240x16xf32, #tpu.memory_space<vmem_shared>> -> memref<10240x16xf32, #tpu.memory_space<vmem_shared>>
        tpu.enqueue_indirect_dma source(%arg13 : memref<128x16xf32, #tpu.memory_space<vmem>>) target(%dma_start3A_237 : memref<10240x16xf32, #tpu.memory_space<vmem_shared>>) offsets(%dma_start3A_234 : memref<128xi32, #tpu.memory_space<vmem>>) semaphore(%arg15 : memref<!tpu.dma_semaphore, #tpu.memory_space<semaphore_mem>>) {add = true}
        %dma_start3A_238 = arith.constant 2 : i32
        %dma_start3A_239 = arith.constant 0 : i32
        %dma_start3A_240 = tpu.memref_slice %arg8[%dma_start3A_238, %dma_start3A_239] : memref<4x128xi32, #tpu.memory_space<vmem>> -> memref<1x128xi32, #tpu.memory_space<vmem>>
        %dma_start3A_241 = tpu.memref_squeeze %dma_start3A_240 : memref<1x128xi32, #tpu.memory_space<vmem>> -> memref<128xi32, #tpu.memory_space<vmem>>
        %dma_start3A_242 = arith.constant 0 : i32
        %dma_start3A_243 = arith.constant 0 : i32
        %dma_start3A_244 = tpu.memref_slice %arg16[%dma_start3A_242, %dma_start3A_243] : memref<10240x16xf32, #tpu.memory_space<vmem_shared>> -> memref<10240x16xf32, #tpu.memory_space<vmem_shared>>
        tpu.enqueue_indirect_dma source(%arg13 : memref<128x16xf32, #tpu.memory_space<vmem>>) target(%dma_start3A_244 : memref<10240x16xf32, #tpu.memory_space<vmem_shared>>) offsets(%dma_start3A_241 : memref<128xi32, #tpu.memory_space<vmem>>) semaphore(%arg15 : memref<!tpu.dma_semaphore, #tpu.memory_space<semaphore_mem>>) {add = true}
        %dma_start3A_245 = arith.constant 3 : i32
        %dma_start3A_246 = arith.constant 0 : i32
        %dma_start3A_247 = tpu.memref_slice %arg8[%dma_start3A_245, %dma_start3A_246] : memref<4x128xi32, #tpu.memory_space<vmem>> -> memref<1x128xi32, #tpu.memory_space<vmem>>
        %dma_start3A_248 = tpu.memref_squeeze %dma_start3A_247 : memref<1x128xi32, #tpu.memory_space<vmem>> -> memref<128xi32, #tpu.memory_space<vmem>>
        %dma_start3A_249 = arith.constant 0 : i32
        %dma_start3A_250 = arith.constant 0 : i32
        %dma_start3A_251 = tpu.memref_slice %arg16[%dma_start3A_249, %dma_start3A_250] : memref<10240x16xf32, #tpu.memory_space<vmem_shared>> -> memref<10240x16xf32, #tpu.memory_space<vmem_shared>>
        tpu.enqueue_indirect_dma source(%arg13 : memref<128x16xf32, #tpu.memory_space<vmem>>) target(%dma_start3A_251 : memref<10240x16xf32, #tpu.memory_space<vmem_shared>>) offsets(%dma_start3A_248 : memref<128xi32, #tpu.memory_space<vmem>>) semaphore(%arg15 : memref<!tpu.dma_semaphore, #tpu.memory_space<semaphore_mem>>) {add = true}
        %dma_wait3A_252 = arith.constant 0 : i32
        %dma_wait3A_253 = arith.constant 0 : i32
        %dma_wait3A_254 = tpu.memref_slice %arg8[%dma_wait3A_252, %dma_wait3A_253] : memref<4x128xi32, #tpu.memory_space<vmem>> -> memref<1x128xi32, #tpu.memory_space<vmem>>
        %dma_wait3A_255 = tpu.memref_squeeze %dma_wait3A_254 : memref<1x128xi32, #tpu.memory_space<vmem>> -> memref<128xi32, #tpu.memory_space<vmem>>
        %dma_wait3A_256 = arith.constant 0 : i32
        %dma_wait3A_257 = arith.constant 0 : i32
        %dma_wait3A_258 = tpu.memref_slice %arg16[%dma_wait3A_256, %dma_wait3A_257] : memref<10240x16xf32, #tpu.memory_space<vmem_shared>> -> memref<10240x16xf32, #tpu.memory_space<vmem_shared>>
        tpu.wait_indirect_dma semaphore(%arg15 : memref<!tpu.dma_semaphore, #tpu.memory_space<semaphore_mem>>) src(%arg13 : memref<128x16xf32, #tpu.memory_space<vmem>>) dst(%dma_wait3A_258 : memref<10240x16xf32, #tpu.memory_space<vmem_shared>>)
        %dma_wait3A_259 = arith.constant 1 : i32
        %dma_wait3A_260 = arith.constant 0 : i32
        %dma_wait3A_261 = tpu.memref_slice %arg8[%dma_wait3A_259, %dma_wait3A_260] : memref<4x128xi32, #tpu.memory_space<vmem>> -> memref<1x128xi32, #tpu.memory_space<vmem>>
        %dma_wait3A_262 = tpu.memref_squeeze %dma_wait3A_261 : memref<1x128xi32, #tpu.memory_space<vmem>> -> memref<128xi32, #tpu.memory_space<vmem>>
        %dma_wait3A_263 = arith.constant 0 : i32
        %dma_wait3A_264 = arith.constant 0 : i32
        %dma_wait3A_265 = tpu.memref_slice %arg16[%dma_wait3A_263, %dma_wait3A_264] : memref<10240x16xf32, #tpu.memory_space<vmem_shared>> -> memref<10240x16xf32, #tpu.memory_space<vmem_shared>>
        tpu.wait_indirect_dma semaphore(%arg15 : memref<!tpu.dma_semaphore, #tpu.memory_space<semaphore_mem>>) src(%arg13 : memref<128x16xf32, #tpu.memory_space<vmem>>) dst(%dma_wait3A_265 : memref<10240x16xf32, #tpu.memory_space<vmem_shared>>)
        %dma_wait3A_266 = arith.constant 2 : i32
        %dma_wait3A_267 = arith.constant 0 : i32
        %dma_wait3A_268 = tpu.memref_slice %arg8[%dma_wait3A_266, %dma_wait3A_267] : memref<4x128xi32, #tpu.memory_space<vmem>> -> memref<1x128xi32, #tpu.memory_space<vmem>>
        %dma_wait3A_269 = tpu.memref_squeeze %dma_wait3A_268 : memref<1x128xi32, #tpu.memory_space<vmem>> -> memref<128xi32, #tpu.memory_space<vmem>>
        %dma_wait3A_270 = arith.constant 0 : i32
        %dma_wait3A_271 = arith.constant 0 : i32
        %dma_wait3A_272 = tpu.memref_slice %arg16[%dma_wait3A_270, %dma_wait3A_271] : memref<10240x16xf32, #tpu.memory_space<vmem_shared>> -> memref<10240x16xf32, #tpu.memory_space<vmem_shared>>
        tpu.wait_indirect_dma semaphore(%arg15 : memref<!tpu.dma_semaphore, #tpu.memory_space<semaphore_mem>>) src(%arg13 : memref<128x16xf32, #tpu.memory_space<vmem>>) dst(%dma_wait3A_272 : memref<10240x16xf32, #tpu.memory_space<vmem_shared>>)
        %dma_wait3A_273 = arith.constant 3 : i32
        %dma_wait3A_274 = arith.constant 0 : i32
        %dma_wait3A_275 = tpu.memref_slice %arg8[%dma_wait3A_273, %dma_wait3A_274] : memref<4x128xi32, #tpu.memory_space<vmem>> -> memref<1x128xi32, #tpu.memory_space<vmem>>
        %dma_wait3A_276 = tpu.memref_squeeze %dma_wait3A_275 : memref<1x128xi32, #tpu.memory_space<vmem>> -> memref<128xi32, #tpu.memory_space<vmem>>
        %dma_wait3A_277 = arith.constant 0 : i32
        %dma_wait3A_278 = arith.constant 0 : i32
        %dma_wait3A_279 = tpu.memref_slice %arg16[%dma_wait3A_277, %dma_wait3A_278] : memref<10240x16xf32, #tpu.memory_space<vmem_shared>> -> memref<10240x16xf32, #tpu.memory_space<vmem_shared>>
        tpu.wait_indirect_dma semaphore(%arg15 : memref<!tpu.dma_semaphore, #tpu.memory_space<semaphore_mem>>) src(%arg13 : memref<128x16xf32, #tpu.memory_space<vmem>>) dst(%dma_wait3A_279 : memref<10240x16xf32, #tpu.memory_space<vmem_shared>>)
      } else {
      }
      %dma_wait3A_184 = arith.constant 0 : i32
      %dma_wait3A_185 = arith.constant 0 : i32
      %dma_wait3A_186 = arith.constant 0 : i32
      %dma_wait3A_187 = tpu.memref_slice %arg9[%dma_wait3A_185, %dma_wait3A_186] : memref<512x64xf32, #tpu.memory_space<vmem>> -> memref<128x64xf32, #tpu.memory_space<vmem>>
      %dma_wait3A_188 = arith.constant 0 : i32
      %dma_wait3A_189 = tpu.memref_slice %arg8[%dma_wait3A_184, %dma_wait3A_188] : memref<4x128xi32, #tpu.memory_space<vmem>> -> memref<1x128xi32, #tpu.memory_space<vmem>>
      %dma_wait3A_190 = tpu.memref_squeeze %dma_wait3A_189 : memref<1x128xi32, #tpu.memory_space<vmem>> -> memref<128xi32, #tpu.memory_space<vmem>>
      %dma_wait3A_191 = arith.constant 0 : i32
      %dma_wait3A_192 = arith.constant 0 : i32
      %dma_wait3A_193 = tpu.memref_slice %arg10[%dma_wait3A_191, %dma_wait3A_192] : memref<10240x64xf32, #tpu.memory_space<vmem_shared>> -> memref<10240x64xf32, #tpu.memory_space<vmem_shared>>
      tpu.wait_indirect_dma semaphore(%arg12 : memref<!tpu.dma_semaphore, #tpu.memory_space<semaphore_mem>>) src(%dma_wait3A_187 : memref<128x64xf32, #tpu.memory_space<vmem>>) dst(%dma_wait3A_193 : memref<10240x64xf32, #tpu.memory_space<vmem_shared>>)
      %dma_wait3A_194 = arith.constant 1 : i32
      %dma_wait3A_195 = arith.constant 128 : i32
      %dma_wait3A_196 = arith.constant 0 : i32
      %dma_wait3A_197 = tpu.memref_slice %arg9[%dma_wait3A_195, %dma_wait3A_196] : memref<512x64xf32, #tpu.memory_space<vmem>> -> memref<128x64xf32, #tpu.memory_space<vmem>>
      %dma_wait3A_198 = arith.constant 0 : i32
      %dma_wait3A_199 = tpu.memref_slice %arg8[%dma_wait3A_194, %dma_wait3A_198] : memref<4x128xi32, #tpu.memory_space<vmem>> -> memref<1x128xi32, #tpu.memory_space<vmem>>
      %dma_wait3A_200 = tpu.memref_squeeze %dma_wait3A_199 : memref<1x128xi32, #tpu.memory_space<vmem>> -> memref<128xi32, #tpu.memory_space<vmem>>
      %dma_wait3A_201 = arith.constant 0 : i32
      %dma_wait3A_202 = arith.constant 0 : i32
      %dma_wait3A_203 = tpu.memref_slice %arg10[%dma_wait3A_201, %dma_wait3A_202] : memref<10240x64xf32, #tpu.memory_space<vmem_shared>> -> memref<10240x64xf32, #tpu.memory_space<vmem_shared>>
      tpu.wait_indirect_dma semaphore(%arg12 : memref<!tpu.dma_semaphore, #tpu.memory_space<semaphore_mem>>) src(%dma_wait3A_197 : memref<128x64xf32, #tpu.memory_space<vmem>>) dst(%dma_wait3A_203 : memref<10240x64xf32, #tpu.memory_space<vmem_shared>>)
      %dma_wait3A_204 = arith.constant 2 : i32
      %dma_wait3A_205 = arith.constant 256 : i32
      %dma_wait3A_206 = arith.constant 0 : i32
      %dma_wait3A_207 = tpu.memref_slice %arg9[%dma_wait3A_205, %dma_wait3A_206] : memref<512x64xf32, #tpu.memory_space<vmem>> -> memref<128x64xf32, #tpu.memory_space<vmem>>
      %dma_wait3A_208 = arith.constant 0 : i32
      %dma_wait3A_209 = tpu.memref_slice %arg8[%dma_wait3A_204, %dma_wait3A_208] : memref<4x128xi32, #tpu.memory_space<vmem>> -> memref<1x128xi32, #tpu.memory_space<vmem>>
      %dma_wait3A_210 = tpu.memref_squeeze %dma_wait3A_209 : memref<1x128xi32, #tpu.memory_space<vmem>> -> memref<128xi32, #tpu.memory_space<vmem>>
      %dma_wait3A_211 = arith.constant 0 : i32
      %dma_wait3A_212 = arith.constant 0 : i32
      %dma_wait3A_213 = tpu.memref_slice %arg10[%dma_wait3A_211, %dma_wait3A_212] : memref<10240x64xf32, #tpu.memory_space<vmem_shared>> -> memref<10240x64xf32, #tpu.memory_space<vmem_shared>>
      tpu.wait_indirect_dma semaphore(%arg12 : memref<!tpu.dma_semaphore, #tpu.memory_space<semaphore_mem>>) src(%dma_wait3A_207 : memref<128x64xf32, #tpu.memory_space<vmem>>) dst(%dma_wait3A_213 : memref<10240x64xf32, #tpu.memory_space<vmem_shared>>)
      %dma_wait3A_214 = arith.constant 3 : i32
      %dma_wait3A_215 = arith.constant 384 : i32
      %dma_wait3A_216 = arith.constant 0 : i32
      %dma_wait3A_217 = tpu.memref_slice %arg9[%dma_wait3A_215, %dma_wait3A_216] : memref<512x64xf32, #tpu.memory_space<vmem>> -> memref<128x64xf32, #tpu.memory_space<vmem>>
      %dma_wait3A_218 = arith.constant 0 : i32
      %dma_wait3A_219 = tpu.memref_slice %arg8[%dma_wait3A_214, %dma_wait3A_218] : memref<4x128xi32, #tpu.memory_space<vmem>> -> memref<1x128xi32, #tpu.memory_space<vmem>>
      %dma_wait3A_220 = tpu.memref_squeeze %dma_wait3A_219 : memref<1x128xi32, #tpu.memory_space<vmem>> -> memref<128xi32, #tpu.memory_space<vmem>>
      %dma_wait3A_221 = arith.constant 0 : i32
      %dma_wait3A_222 = arith.constant 0 : i32
      %dma_wait3A_223 = tpu.memref_slice %arg10[%dma_wait3A_221, %dma_wait3A_222] : memref<10240x64xf32, #tpu.memory_space<vmem_shared>> -> memref<10240x64xf32, #tpu.memory_space<vmem_shared>>
      tpu.wait_indirect_dma semaphore(%arg12 : memref<!tpu.dma_semaphore, #tpu.memory_space<semaphore_mem>>) src(%dma_wait3A_217 : memref<128x64xf32, #tpu.memory_space<vmem>>) dst(%dma_wait3A_223 : memref<10240x64xf32, #tpu.memory_space<vmem_shared>>)
    } else {
    }
    %barrier3A_23 = arith.constant 0 : index
    tpu.barrier barrier_id(%barrier3A_23)
    "tpu.region"() ({
      %run_scoped3A = tpu.sem_alloc : memref<!tpu.dma_semaphore, #tpu.memory_space<semaphore_mem>>
      %dma_start3A = arith.constant 0 : i32
      %dma_start3A_29 = tpu.memref_slice %arg5[%arg0, %mul3A_2, %dma_start3A] : memref<2x10240x64xf32, #tpu.memory_space<hbm>> -> memref<1x640x64xf32, #tpu.memory_space<hbm>>
      %dma_start3A_30 = tpu.memref_squeeze %dma_start3A_29 : memref<1x640x64xf32, #tpu.memory_space<hbm>> -> memref<640x64xf32, #tpu.memory_space<hbm>>
      %dma_start3A_31 = arith.constant 0 : i32
      %dma_start3A_32 = tpu.memref_slice %arg10[%mul3A_2, %dma_start3A_31] : memref<10240x64xf32, #tpu.memory_space<vmem_shared>> -> memref<640x64xf32, #tpu.memory_space<vmem_shared>>
      tpu.enqueue_dma source(%dma_start3A_32 : memref<640x64xf32, #tpu.memory_space<vmem_shared>>) target(%dma_start3A_30 : memref<640x64xf32, #tpu.memory_space<hbm>>) target_semaphore(%run_scoped3A : memref<!tpu.dma_semaphore, #tpu.memory_space<semaphore_mem>>)
      %dma_wait3A = arith.constant 0 : i32
      %dma_wait3A_33 = tpu.memref_slice %arg5[%arg0, %mul3A_2, %dma_wait3A] : memref<2x10240x64xf32, #tpu.memory_space<hbm>> -> memref<1x640x64xf32, #tpu.memory_space<hbm>>
      %dma_wait3A_34 = tpu.memref_squeeze %dma_wait3A_33 : memref<1x640x64xf32, #tpu.memory_space<hbm>> -> memref<640x64xf32, #tpu.memory_space<hbm>>
      %dma_wait3A_35 = arith.constant 0 : i32
      %dma_wait3A_36 = tpu.memref_slice %arg10[%mul3A_2, %dma_wait3A_35] : memref<10240x64xf32, #tpu.memory_space<vmem_shared>> -> memref<640x64xf32, #tpu.memory_space<vmem_shared>>
      tpu.wait_dma2 semaphore(%run_scoped3A : memref<!tpu.dma_semaphore, #tpu.memory_space<semaphore_mem>>) src(%dma_wait3A_36 : memref<640x64xf32, #tpu.memory_space<vmem_shared>>) dst(%dma_wait3A_34 : memref<640x64xf32, #tpu.memory_space<hbm>>)
      tpu.yield
    }) : () -> ()
    %eq3A_24 = arith.constant 0 : i32
    %eq3A_25 = arith.cmpi eq, %arg0, %eq3A_24 : i32
    %convert_element_type3A_26 = arith.extui %eq3A_25 : i1 to i32
    %cond3A_27 = arith.constant 0 : i32
    %cond3A_28 = arith.cmpi ne, %convert_element_type3A_26, %cond3A_27 : i32
    scf.if %cond3A_28 {
      "tpu.region"() ({
        %run_scoped3A = tpu.sem_alloc : memref<!tpu.dma_semaphore, #tpu.memory_space<semaphore_mem>>
        %dma_start3A = arith.constant 0 : i32
        %dma_start3A_29 = tpu.memref_slice %arg6[%mul3A_2, %dma_start3A] : memref<10240x16xf32, #tpu.memory_space<hbm>> -> memref<640x16xf32, #tpu.memory_space<hbm>>
        %dma_start3A_30 = arith.constant 0 : i32
        %dma_start3A_31 = tpu.memref_slice %arg16[%mul3A_2, %dma_start3A_30] : memref<10240x16xf32, #tpu.memory_space<vmem_shared>> -> memref<640x16xf32, #tpu.memory_space<vmem_shared>>
        tpu.enqueue_dma source(%dma_start3A_31 : memref<640x16xf32, #tpu.memory_space<vmem_shared>>) target(%dma_start3A_29 : memref<640x16xf32, #tpu.memory_space<hbm>>) target_semaphore(%run_scoped3A : memref<!tpu.dma_semaphore, #tpu.memory_space<semaphore_mem>>)
        %dma_wait3A = arith.constant 0 : i32
        %dma_wait3A_32 = tpu.memref_slice %arg6[%mul3A_2, %dma_wait3A] : memref<10240x16xf32, #tpu.memory_space<hbm>> -> memref<640x16xf32, #tpu.memory_space<hbm>>
        %dma_wait3A_33 = arith.constant 0 : i32
        %dma_wait3A_34 = tpu.memref_slice %arg16[%mul3A_2, %dma_wait3A_33] : memref<10240x16xf32, #tpu.memory_space<vmem_shared>> -> memref<640x16xf32, #tpu.memory_space<vmem_shared>>
        tpu.wait_dma2 semaphore(%run_scoped3A : memref<!tpu.dma_semaphore, #tpu.memory_space<semaphore_mem>>) src(%dma_wait3A_34 : memref<640x16xf32, #tpu.memory_space<vmem_shared>>) dst(%dma_wait3A_32 : memref<640x16xf32, #tpu.memory_space<hbm>>)
        tpu.yield
      }) : () -> ()
    } else {
    }
    return
  }
}

#map = affine_map<(d0, d1) -> (0, 0)>
#map1 = affine_map<(d0, d1) -> (0, 0, 0)>
module attributes {stable_mosaic.version = 14 : i64} {
  func.func @body(%arg0: i32, %arg1: i32, %arg2: memref<2500x128xi32, #tpu.memory_space<hbm>>, %arg3: memref<2500x128xi32, #tpu.memory_space<hbm>>, %arg4: memref<2x10000x64xf32, #tpu.memory_space<hbm>>, %arg5: memref<2x10240x64xf32, #tpu.memory_space<hbm>>, %arg6: memref<4x128xi32, #tpu.memory_space<vmem>>, %arg7: memref<4x128xi32, #tpu.memory_space<vmem>>, %arg8: memref<512x64xf32, #tpu.memory_space<vmem>>, %arg9: memref<10240x64xf32, #tpu.memory_space<vmem_shared>>, %arg10: memref<!tpu.dma_semaphore, #tpu.memory_space<semaphore_mem>>, %arg11: memref<!tpu.dma_semaphore, #tpu.memory_space<semaphore_mem>>) attributes {dimension_semantics = [#tpu.dimension_semantics<core_parallel>, #tpu.dimension_semantics<subcore_parallel>], iteration_bounds = array<i64: 2, 16>, scalar_prefetch = 0 : i64, scratch_operands = 6 : i64, tpu.core_type = #tpu.core_type<sc_vector_subcore>, window_params = [{transform_indices = #map}, {transform_indices = #map}, {transform_indices = #map1}, {transform_indices = #map1}]} {
    %mul3A = arith.constant 156 : i32
    %mul3A_0 = arith.muli %arg1, %mul3A : i32
    %mul3A_1 = arith.constant 640 : i32
    %mul3A_2 = arith.muli %arg1, %mul3A_1 : i32
    %broadcast_in_dim3A = arith.constant 0.000000e+00 : f32
    %broadcast_in_dim3A_3 = vector.broadcast %broadcast_in_dim3A : f32 to vector<16xf32>
    %scan3A = arith.constant 0 : i32
    %scan3A_4 = arith.constant 0 : i32
    %scan3A_5 = arith.constant 512 : i32
    %scan3A_6 = arith.addi %scan3A_4, %scan3A_5 : i32
    %scan3A_7 = arith.constant 1 : i32
    scf.for %scan3A_19 = %scan3A_4 to %scan3A_6 step %scan3A_7  : i32 {
      %swap3A = arith.index_cast %scan3A_19 : i32 to index
      %swap3A_20 = arith.constant 0 : index
      %swap3A_21 = tpu.vector_load %arg8[%swap3A, %swap3A_20] {strides = array<i32>} : memref<512x64xf32, #tpu.memory_space<vmem>>, vector<1x16xf32>,
      %swap3A_22 = vector.shape_cast %swap3A_21 : vector<1x16xf32> to vector<16xf32>
      %swap3A_23 = vector.shape_cast %broadcast_in_dim3A_3 : vector<16xf32> to vector<1x16xf32>
      tpu.vector_store %arg8[%swap3A, %swap3A_20], %swap3A_23 {strides = array<i32>} : memref<512x64xf32, #tpu.memory_space<vmem>>, vector<1x16xf32>,
      %swap3A_24 = arith.index_cast %scan3A_19 : i32 to index
      %swap3A_25 = arith.constant 16 : index
      %swap3A_26 = tpu.vector_load %arg8[%swap3A_24, %swap3A_25] {strides = array<i32>} : memref<512x64xf32, #tpu.memory_space<vmem>>, vector<1x16xf32>,
      %swap3A_27 = vector.shape_cast %swap3A_26 : vector<1x16xf32> to vector<16xf32>
      %swap3A_28 = vector.shape_cast %broadcast_in_dim3A_3 : vector<16xf32> to vector<1x16xf32>
      tpu.vector_store %arg8[%swap3A_24, %swap3A_25], %swap3A_28 {strides = array<i32>} : memref<512x64xf32, #tpu.memory_space<vmem>>, vector<1x16xf32>,
      %swap3A_29 = arith.index_cast %scan3A_19 : i32 to index
      %swap3A_30 = arith.constant 32 : index
      %swap3A_31 = tpu.vector_load %arg8[%swap3A_29, %swap3A_30] {strides = array<i32>} : memref<512x64xf32, #tpu.memory_space<vmem>>, vector<1x16xf32>,
      %swap3A_32 = vector.shape_cast %swap3A_31 : vector<1x16xf32> to vector<16xf32>
      %swap3A_33 = vector.shape_cast %broadcast_in_dim3A_3 : vector<16xf32> to vector<1x16xf32>
      tpu.vector_store %arg8[%swap3A_29, %swap3A_30], %swap3A_33 {strides = array<i32>} : memref<512x64xf32, #tpu.memory_space<vmem>>, vector<1x16xf32>,
      %swap3A_34 = arith.index_cast %scan3A_19 : i32 to index
      %swap3A_35 = arith.constant 48 : index
      %swap3A_36 = tpu.vector_load %arg8[%swap3A_34, %swap3A_35] {strides = array<i32>} : memref<512x64xf32, #tpu.memory_space<vmem>>, vector<1x16xf32>,
      %swap3A_37 = vector.shape_cast %swap3A_36 : vector<1x16xf32> to vector<16xf32>
      %swap3A_38 = vector.shape_cast %broadcast_in_dim3A_3 : vector<16xf32> to vector<1x16xf32>
      tpu.vector_store %arg8[%swap3A_34, %swap3A_35], %swap3A_38 {strides = array<i32>} : memref<512x64xf32, #tpu.memory_space<vmem>>, vector<1x16xf32>,
    }
    %scan3A_8 = arith.constant 512 : i32
    "tpu.region"() ({
      %run_scoped3A = tpu.sem_alloc : memref<!tpu.dma_semaphore, #tpu.memory_space<semaphore_mem>>
      %dma_start3A = arith.constant 0 : i32
      %dma_start3A_19 = tpu.memref_slice %arg9[%mul3A_2, %dma_start3A] : memref<10240x64xf32, #tpu.memory_space<vmem_shared>> -> memref<512x64xf32, #tpu.memory_space<vmem_shared>>
      %dma_start3A_20 = arith.constant 0 : i32
      %dma_start3A_21 = tpu.memref_slice %arg9[%mul3A_2, %dma_start3A_20] : memref<10240x64xf32, #tpu.memory_space<vmem_shared>> -> memref<512x64xf32, #tpu.memory_space<vmem_shared>>
      tpu.enqueue_dma source(%arg8 : memref<512x64xf32, #tpu.memory_space<vmem>>) target(%dma_start3A_21 : memref<512x64xf32, #tpu.memory_space<vmem_shared>>) target_semaphore(%run_scoped3A : memref<!tpu.dma_semaphore, #tpu.memory_space<semaphore_mem>>)
      %dma_wait3A = arith.constant 0 : i32
      %dma_wait3A_22 = tpu.memref_slice %arg9[%mul3A_2, %dma_wait3A] : memref<10240x64xf32, #tpu.memory_space<vmem_shared>> -> memref<512x64xf32, #tpu.memory_space<vmem_shared>>
      %dma_wait3A_23 = arith.constant 0 : i32
      %dma_wait3A_24 = tpu.memref_slice %arg9[%mul3A_2, %dma_wait3A_23] : memref<10240x64xf32, #tpu.memory_space<vmem_shared>> -> memref<512x64xf32, #tpu.memory_space<vmem_shared>>
      tpu.wait_dma2 semaphore(%run_scoped3A : memref<!tpu.dma_semaphore, #tpu.memory_space<semaphore_mem>>) src(%arg8 : memref<512x64xf32, #tpu.memory_space<vmem>>) dst(%dma_wait3A_24 : memref<512x64xf32, #tpu.memory_space<vmem_shared>>)
      tpu.yield
    }) : () -> ()
    %add3A = arith.constant 512 : i32
    %add3A_9 = arith.addi %mul3A_2, %add3A : i32
    "tpu.region"() ({
      %run_scoped3A = tpu.sem_alloc : memref<!tpu.dma_semaphore, #tpu.memory_space<semaphore_mem>>
      %dma_start3A = arith.constant 0 : i32
      %dma_start3A_19 = arith.constant 0 : i32
      %dma_start3A_20 = tpu.memref_slice %arg8[%dma_start3A, %dma_start3A_19] : memref<512x64xf32, #tpu.memory_space<vmem>> -> memref<128x64xf32, #tpu.memory_space<vmem>>
      %dma_start3A_21 = arith.constant 0 : i32
      %dma_start3A_22 = tpu.memref_slice %arg9[%add3A_9, %dma_start3A_21] : memref<10240x64xf32, #tpu.memory_space<vmem_shared>> -> memref<128x64xf32, #tpu.memory_space<vmem_shared>>
      %dma_start3A_23 = arith.constant 0 : i32
      %dma_start3A_24 = tpu.memref_slice %arg9[%add3A_9, %dma_start3A_23] : memref<10240x64xf32, #tpu.memory_space<vmem_shared>> -> memref<128x64xf32, #tpu.memory_space<vmem_shared>>
      %dma_start3A_25 = arith.constant 0 : i32
      %dma_start3A_26 = arith.constant 0 : i32
      %dma_start3A_27 = tpu.memref_slice %arg8[%dma_start3A_25, %dma_start3A_26] : memref<512x64xf32, #tpu.memory_space<vmem>> -> memref<128x64xf32, #tpu.memory_space<vmem>>
      tpu.enqueue_dma source(%dma_start3A_27 : memref<128x64xf32, #tpu.memory_space<vmem>>) target(%dma_start3A_24 : memref<128x64xf32, #tpu.memory_space<vmem_shared>>) target_semaphore(%run_scoped3A : memref<!tpu.dma_semaphore, #tpu.memory_space<semaphore_mem>>)
      %dma_wait3A = arith.constant 0 : i32
      %dma_wait3A_28 = arith.constant 0 : i32
      %dma_wait3A_29 = tpu.memref_slice %arg8[%dma_wait3A, %dma_wait3A_28] : memref<512x64xf32, #tpu.memory_space<vmem>> -> memref<128x64xf32, #tpu.memory_space<vmem>>
      %dma_wait3A_30 = arith.constant 0 : i32
      %dma_wait3A_31 = tpu.memref_slice %arg9[%add3A_9, %dma_wait3A_30] : memref<10240x64xf32, #tpu.memory_space<vmem_shared>> -> memref<128x64xf32, #tpu.memory_space<vmem_shared>>
      %dma_wait3A_32 = arith.constant 0 : i32
      %dma_wait3A_33 = tpu.memref_slice %arg9[%add3A_9, %dma_wait3A_32] : memref<10240x64xf32, #tpu.memory_space<vmem_shared>> -> memref<128x64xf32, #tpu.memory_space<vmem_shared>>
      %dma_wait3A_34 = arith.constant 0 : i32
      %dma_wait3A_35 = arith.constant 0 : i32
      %dma_wait3A_36 = tpu.memref_slice %arg8[%dma_wait3A_34, %dma_wait3A_35] : memref<512x64xf32, #tpu.memory_space<vmem>> -> memref<128x64xf32, #tpu.memory_space<vmem>>
      tpu.wait_dma2 semaphore(%run_scoped3A : memref<!tpu.dma_semaphore, #tpu.memory_space<semaphore_mem>>) src(%dma_wait3A_36 : memref<128x64xf32, #tpu.memory_space<vmem>>) dst(%dma_wait3A_33 : memref<128x64xf32, #tpu.memory_space<vmem_shared>>)
      tpu.yield
    }) : () -> ()
    %barrier3A = arith.constant 0 : index
    tpu.barrier barrier_id(%barrier3A)
    %scan3A_10 = arith.constant 0 : i32
    %scan3A_11 = arith.constant 0 : i32
    %scan3A_12 = arith.constant 39 : i32
    %scan3A_13 = arith.addi %scan3A_11, %scan3A_12 : i32
    %scan3A_14 = arith.constant 1 : i32
    scf.for %scan3A_19 = %scan3A_11 to %scan3A_13 step %scan3A_14  : i32 {
      %mul3A_20 = arith.constant 4 : i32
      %mul3A_21 = arith.muli %scan3A_19, %mul3A_20 : i32
      %add3A_22 = arith.addi %mul3A_0, %mul3A_21 : i32
      "tpu.region"() ({
        %run_scoped3A = tpu.sem_alloc : memref<!tpu.dma_semaphore, #tpu.memory_space<semaphore_mem>>
        %dma_start3A_213 = arith.constant 0 : i32
        %dma_start3A_214 = tpu.memref_slice %arg2[%add3A_22, %dma_start3A_213] : memref<2500x128xi32, #tpu.memory_space<hbm>> -> memref<4x128xi32, #tpu.memory_space<hbm>>
        %dma_start3A_215 = arith.constant 0 : i32
        %dma_start3A_216 = tpu.memref_slice %arg2[%add3A_22, %dma_start3A_215] : memref<2500x128xi32, #tpu.memory_space<hbm>> -> memref<4x128xi32, #tpu.memory_space<hbm>>
        tpu.enqueue_dma source(%dma_start3A_216 : memref<4x128xi32, #tpu.memory_space<hbm>>) target(%arg6 : memref<4x128xi32, #tpu.memory_space<vmem>>) target_semaphore(%run_scoped3A : memref<!tpu.dma_semaphore, #tpu.memory_space<semaphore_mem>>)
        %dma_wait3A_217 = arith.constant 0 : i32
        %dma_wait3A_218 = tpu.memref_slice %arg2[%add3A_22, %dma_wait3A_217] : memref<2500x128xi32, #tpu.memory_space<hbm>> -> memref<4x128xi32, #tpu.memory_space<hbm>>
        %dma_wait3A_219 = arith.constant 0 : i32
        %dma_wait3A_220 = tpu.memref_slice %arg2[%add3A_22, %dma_wait3A_219] : memref<2500x128xi32, #tpu.memory_space<hbm>> -> memref<4x128xi32, #tpu.memory_space<hbm>>
        tpu.wait_dma2 semaphore(%run_scoped3A : memref<!tpu.dma_semaphore, #tpu.memory_space<semaphore_mem>>) src(%dma_wait3A_220 : memref<4x128xi32, #tpu.memory_space<hbm>>) dst(%arg6 : memref<4x128xi32, #tpu.memory_space<vmem>>)
        tpu.yield
      }) : () -> ()
      "tpu.region"() ({
        %run_scoped3A = tpu.sem_alloc : memref<!tpu.dma_semaphore, #tpu.memory_space<semaphore_mem>>
        %dma_start3A_213 = arith.constant 0 : i32
        %dma_start3A_214 = tpu.memref_slice %arg3[%add3A_22, %dma_start3A_213] : memref<2500x128xi32, #tpu.memory_space<hbm>> -> memref<4x128xi32, #tpu.memory_space<hbm>>
        %dma_start3A_215 = arith.constant 0 : i32
        %dma_start3A_216 = tpu.memref_slice %arg3[%add3A_22, %dma_start3A_215] : memref<2500x128xi32, #tpu.memory_space<hbm>> -> memref<4x128xi32, #tpu.memory_space<hbm>>
        tpu.enqueue_dma source(%dma_start3A_216 : memref<4x128xi32, #tpu.memory_space<hbm>>) target(%arg7 : memref<4x128xi32, #tpu.memory_space<vmem>>) target_semaphore(%run_scoped3A : memref<!tpu.dma_semaphore, #tpu.memory_space<semaphore_mem>>)
        %dma_wait3A_217 = arith.constant 0 : i32
        %dma_wait3A_218 = tpu.memref_slice %arg3[%add3A_22, %dma_wait3A_217] : memref<2500x128xi32, #tpu.memory_space<hbm>> -> memref<4x128xi32, #tpu.memory_space<hbm>>
        %dma_wait3A_219 = arith.constant 0 : i32
        %dma_wait3A_220 = tpu.memref_slice %arg3[%add3A_22, %dma_wait3A_219] : memref<2500x128xi32, #tpu.memory_space<hbm>> -> memref<4x128xi32, #tpu.memory_space<hbm>>
        tpu.wait_dma2 semaphore(%run_scoped3A : memref<!tpu.dma_semaphore, #tpu.memory_space<semaphore_mem>>) src(%dma_wait3A_220 : memref<4x128xi32, #tpu.memory_space<hbm>>) dst(%arg7 : memref<4x128xi32, #tpu.memory_space<vmem>>)
        tpu.yield
      }) : () -> ()
      %dma_start3A = arith.constant 0 : i32
      %dma_start3A_23 = arith.constant 0 : i32
      %dma_start3A_24 = arith.constant 0 : i32
      %dma_start3A_25 = tpu.memref_slice %arg8[%dma_start3A_23, %dma_start3A_24] : memref<512x64xf32, #tpu.memory_space<vmem>> -> memref<128x64xf32, #tpu.memory_space<vmem>>
      %dma_start3A_26 = arith.constant 0 : i32
      %dma_start3A_27 = tpu.memref_slice %arg6[%dma_start3A, %dma_start3A_26] : memref<4x128xi32, #tpu.memory_space<vmem>> -> memref<1x128xi32, #tpu.memory_space<vmem>>
      %dma_start3A_28 = tpu.memref_squeeze %dma_start3A_27 : memref<1x128xi32, #tpu.memory_space<vmem>> -> memref<128xi32, #tpu.memory_space<vmem>>
      %dma_start3A_29 = arith.constant 0 : i32
      %dma_start3A_30 = arith.constant 0 : i32
      %dma_start3A_31 = tpu.memref_slice %arg4[%arg0, %dma_start3A_29, %dma_start3A_30] : memref<2x10000x64xf32, #tpu.memory_space<hbm>> -> memref<1x10000x64xf32, #tpu.memory_space<hbm>>
      %dma_start3A_32 = tpu.memref_squeeze %dma_start3A_31 : memref<1x10000x64xf32, #tpu.memory_space<hbm>> -> memref<10000x64xf32, #tpu.memory_space<hbm>>
      %dma_start3A_33 = arith.constant 0 : i32
      %dma_start3A_34 = arith.constant 0 : i32
      %dma_start3A_35 = tpu.memref_slice %dma_start3A_32[%dma_start3A_33, %dma_start3A_34] : memref<10000x64xf32, #tpu.memory_space<hbm>> -> memref<10000x64xf32, #tpu.memory_space<hbm>>
      tpu.enqueue_indirect_dma source(%dma_start3A_35 : memref<10000x64xf32, #tpu.memory_space<hbm>>) target(%dma_start3A_25 : memref<128x64xf32, #tpu.memory_space<vmem>>) offsets(%dma_start3A_28 : memref<128xi32, #tpu.memory_space<vmem>>) semaphore(%arg10 : memref<!tpu.dma_semaphore, #tpu.memory_space<semaphore_mem>>)
      %dma_start3A_36 = arith.constant 1 : i32
      %dma_start3A_37 = arith.constant 128 : i32
      %dma_start3A_38 = arith.constant 0 : i32
      %dma_start3A_39 = tpu.memref_slice %arg8[%dma_start3A_37, %dma_start3A_38] : memref<512x64xf32, #tpu.memory_space<vmem>> -> memref<128x64xf32, #tpu.memory_space<vmem>>
      %dma_start3A_40 = arith.constant 0 : i32
      %dma_start3A_41 = tpu.memref_slice %arg6[%dma_start3A_36, %dma_start3A_40] : memref<4x128xi32, #tpu.memory_space<vmem>> -> memref<1x128xi32, #tpu.memory_space<vmem>>
      %dma_start3A_42 = tpu.memref_squeeze %dma_start3A_41 : memref<1x128xi32, #tpu.memory_space<vmem>> -> memref<128xi32, #tpu.memory_space<vmem>>
      %dma_start3A_43 = arith.constant 0 : i32
      %dma_start3A_44 = arith.constant 0 : i32
      %dma_start3A_45 = tpu.memref_slice %arg4[%arg0, %dma_start3A_43, %dma_start3A_44] : memref<2x10000x64xf32, #tpu.memory_space<hbm>> -> memref<1x10000x64xf32, #tpu.memory_space<hbm>>
      %dma_start3A_46 = tpu.memref_squeeze %dma_start3A_45 : memref<1x10000x64xf32, #tpu.memory_space<hbm>> -> memref<10000x64xf32, #tpu.memory_space<hbm>>
      %dma_start3A_47 = arith.constant 0 : i32
      %dma_start3A_48 = arith.constant 0 : i32
      %dma_start3A_49 = tpu.memref_slice %dma_start3A_46[%dma_start3A_47, %dma_start3A_48] : memref<10000x64xf32, #tpu.memory_space<hbm>> -> memref<10000x64xf32, #tpu.memory_space<hbm>>
      tpu.enqueue_indirect_dma source(%dma_start3A_49 : memref<10000x64xf32, #tpu.memory_space<hbm>>) target(%dma_start3A_39 : memref<128x64xf32, #tpu.memory_space<vmem>>) offsets(%dma_start3A_42 : memref<128xi32, #tpu.memory_space<vmem>>) semaphore(%arg10 : memref<!tpu.dma_semaphore, #tpu.memory_space<semaphore_mem>>)
      %dma_start3A_50 = arith.constant 2 : i32
      %dma_start3A_51 = arith.constant 256 : i32
      %dma_start3A_52 = arith.constant 0 : i32
      %dma_start3A_53 = tpu.memref_slice %arg8[%dma_start3A_51, %dma_start3A_52] : memref<512x64xf32, #tpu.memory_space<vmem>> -> memref<128x64xf32, #tpu.memory_space<vmem>>
      %dma_start3A_54 = arith.constant 0 : i32
      %dma_start3A_55 = tpu.memref_slice %arg6[%dma_start3A_50, %dma_start3A_54] : memref<4x128xi32, #tpu.memory_space<vmem>> -> memref<1x128xi32, #tpu.memory_space<vmem>>
      %dma_start3A_56 = tpu.memref_squeeze %dma_start3A_55 : memref<1x128xi32, #tpu.memory_space<vmem>> -> memref<128xi32, #tpu.memory_space<vmem>>
      %dma_start3A_57 = arith.constant 0 : i32
      %dma_start3A_58 = arith.constant 0 : i32
      %dma_start3A_59 = tpu.memref_slice %arg4[%arg0, %dma_start3A_57, %dma_start3A_58] : memref<2x10000x64xf32, #tpu.memory_space<hbm>> -> memref<1x10000x64xf32, #tpu.memory_space<hbm>>
      %dma_start3A_60 = tpu.memref_squeeze %dma_start3A_59 : memref<1x10000x64xf32, #tpu.memory_space<hbm>> -> memref<10000x64xf32, #tpu.memory_space<hbm>>
      %dma_start3A_61 = arith.constant 0 : i32
      %dma_start3A_62 = arith.constant 0 : i32
      %dma_start3A_63 = tpu.memref_slice %dma_start3A_60[%dma_start3A_61, %dma_start3A_62] : memref<10000x64xf32, #tpu.memory_space<hbm>> -> memref<10000x64xf32, #tpu.memory_space<hbm>>
      tpu.enqueue_indirect_dma source(%dma_start3A_63 : memref<10000x64xf32, #tpu.memory_space<hbm>>) target(%dma_start3A_53 : memref<128x64xf32, #tpu.memory_space<vmem>>) offsets(%dma_start3A_56 : memref<128xi32, #tpu.memory_space<vmem>>) semaphore(%arg10 : memref<!tpu.dma_semaphore, #tpu.memory_space<semaphore_mem>>)
      %dma_start3A_64 = arith.constant 3 : i32
      %dma_start3A_65 = arith.constant 384 : i32
      %dma_start3A_66 = arith.constant 0 : i32
      %dma_start3A_67 = tpu.memref_slice %arg8[%dma_start3A_65, %dma_start3A_66] : memref<512x64xf32, #tpu.memory_space<vmem>> -> memref<128x64xf32, #tpu.memory_space<vmem>>
      %dma_start3A_68 = arith.constant 0 : i32
      %dma_start3A_69 = tpu.memref_slice %arg6[%dma_start3A_64, %dma_start3A_68] : memref<4x128xi32, #tpu.memory_space<vmem>> -> memref<1x128xi32, #tpu.memory_space<vmem>>
      %dma_start3A_70 = tpu.memref_squeeze %dma_start3A_69 : memref<1x128xi32, #tpu.memory_space<vmem>> -> memref<128xi32, #tpu.memory_space<vmem>>
      %dma_start3A_71 = arith.constant 0 : i32
      %dma_start3A_72 = arith.constant 0 : i32
      %dma_start3A_73 = tpu.memref_slice %arg4[%arg0, %dma_start3A_71, %dma_start3A_72] : memref<2x10000x64xf32, #tpu.memory_space<hbm>> -> memref<1x10000x64xf32, #tpu.memory_space<hbm>>
      %dma_start3A_74 = tpu.memref_squeeze %dma_start3A_73 : memref<1x10000x64xf32, #tpu.memory_space<hbm>> -> memref<10000x64xf32, #tpu.memory_space<hbm>>
      %dma_start3A_75 = arith.constant 0 : i32
      %dma_start3A_76 = arith.constant 0 : i32
      %dma_start3A_77 = tpu.memref_slice %dma_start3A_74[%dma_start3A_75, %dma_start3A_76] : memref<10000x64xf32, #tpu.memory_space<hbm>> -> memref<10000x64xf32, #tpu.memory_space<hbm>>
      tpu.enqueue_indirect_dma source(%dma_start3A_77 : memref<10000x64xf32, #tpu.memory_space<hbm>>) target(%dma_start3A_67 : memref<128x64xf32, #tpu.memory_space<vmem>>) offsets(%dma_start3A_70 : memref<128xi32, #tpu.memory_space<vmem>>) semaphore(%arg10 : memref<!tpu.dma_semaphore, #tpu.memory_space<semaphore_mem>>)
      %dma_wait3A = arith.constant 0 : i32
      %dma_wait3A_78 = arith.constant 0 : i32
      %dma_wait3A_79 = arith.constant 0 : i32
      %dma_wait3A_80 = tpu.memref_slice %arg8[%dma_wait3A_78, %dma_wait3A_79] : memref<512x64xf32, #tpu.memory_space<vmem>> -> memref<128x64xf32, #tpu.memory_space<vmem>>
      %dma_wait3A_81 = arith.constant 0 : i32
      %dma_wait3A_82 = tpu.memref_slice %arg6[%dma_wait3A, %dma_wait3A_81] : memref<4x128xi32, #tpu.memory_space<vmem>> -> memref<1x128xi32, #tpu.memory_space<vmem>>
      %dma_wait3A_83 = tpu.memref_squeeze %dma_wait3A_82 : memref<1x128xi32, #tpu.memory_space<vmem>> -> memref<128xi32, #tpu.memory_space<vmem>>
      %dma_wait3A_84 = arith.constant 0 : i32
      %dma_wait3A_85 = arith.constant 0 : i32
      %dma_wait3A_86 = tpu.memref_slice %arg4[%arg0, %dma_wait3A_84, %dma_wait3A_85] : memref<2x10000x64xf32, #tpu.memory_space<hbm>> -> memref<1x10000x64xf32, #tpu.memory_space<hbm>>
      %dma_wait3A_87 = tpu.memref_squeeze %dma_wait3A_86 : memref<1x10000x64xf32, #tpu.memory_space<hbm>> -> memref<10000x64xf32, #tpu.memory_space<hbm>>
      %dma_wait3A_88 = arith.constant 0 : i32
      %dma_wait3A_89 = arith.constant 0 : i32
      %dma_wait3A_90 = tpu.memref_slice %dma_wait3A_87[%dma_wait3A_88, %dma_wait3A_89] : memref<10000x64xf32, #tpu.memory_space<hbm>> -> memref<10000x64xf32, #tpu.memory_space<hbm>>
      tpu.wait_indirect_dma semaphore(%arg10 : memref<!tpu.dma_semaphore, #tpu.memory_space<semaphore_mem>>) src(%dma_wait3A_90 : memref<10000x64xf32, #tpu.memory_space<hbm>>) dst(%dma_wait3A_80 : memref<128x64xf32, #tpu.memory_space<vmem>>)
      %dma_start3A_91 = arith.constant 0 : i32
      %dma_start3A_92 = arith.constant 0 : i32
      %dma_start3A_93 = arith.constant 0 : i32
      %dma_start3A_94 = tpu.memref_slice %arg8[%dma_start3A_92, %dma_start3A_93] : memref<512x64xf32, #tpu.memory_space<vmem>> -> memref<128x64xf32, #tpu.memory_space<vmem>>
      %dma_start3A_95 = arith.constant 0 : i32
      %dma_start3A_96 = tpu.memref_slice %arg7[%dma_start3A_91, %dma_start3A_95] : memref<4x128xi32, #tpu.memory_space<vmem>> -> memref<1x128xi32, #tpu.memory_space<vmem>>
      %dma_start3A_97 = tpu.memref_squeeze %dma_start3A_96 : memref<1x128xi32, #tpu.memory_space<vmem>> -> memref<128xi32, #tpu.memory_space<vmem>>
      %dma_start3A_98 = arith.constant 0 : i32
      %dma_start3A_99 = arith.constant 0 : i32
      %dma_start3A_100 = tpu.memref_slice %arg9[%dma_start3A_98, %dma_start3A_99] : memref<10240x64xf32, #tpu.memory_space<vmem_shared>> -> memref<10240x64xf32, #tpu.memory_space<vmem_shared>>
      tpu.enqueue_indirect_dma source(%dma_start3A_94 : memref<128x64xf32, #tpu.memory_space<vmem>>) target(%dma_start3A_100 : memref<10240x64xf32, #tpu.memory_space<vmem_shared>>) offsets(%dma_start3A_97 : memref<128xi32, #tpu.memory_space<vmem>>) semaphore(%arg11 : memref<!tpu.dma_semaphore, #tpu.memory_space<semaphore_mem>>) {add = true}
      %dma_wait3A_101 = arith.constant 1 : i32
      %dma_wait3A_102 = arith.constant 128 : i32
      %dma_wait3A_103 = arith.constant 0 : i32
      %dma_wait3A_104 = tpu.memref_slice %arg8[%dma_wait3A_102, %dma_wait3A_103] : memref<512x64xf32, #tpu.memory_space<vmem>> -> memref<128x64xf32, #tpu.memory_space<vmem>>
      %dma_wait3A_105 = arith.constant 0 : i32
      %dma_wait3A_106 = tpu.memref_slice %arg6[%dma_wait3A_101, %dma_wait3A_105] : memref<4x128xi32, #tpu.memory_space<vmem>> -> memref<1x128xi32, #tpu.memory_space<vmem>>
      %dma_wait3A_107 = tpu.memref_squeeze %dma_wait3A_106 : memref<1x128xi32, #tpu.memory_space<vmem>> -> memref<128xi32, #tpu.memory_space<vmem>>
      %dma_wait3A_108 = arith.constant 0 : i32
      %dma_wait3A_109 = arith.constant 0 : i32
      %dma_wait3A_110 = tpu.memref_slice %arg4[%arg0, %dma_wait3A_108, %dma_wait3A_109] : memref<2x10000x64xf32, #tpu.memory_space<hbm>> -> memref<1x10000x64xf32, #tpu.memory_space<hbm>>
      %dma_wait3A_111 = tpu.memref_squeeze %dma_wait3A_110 : memref<1x10000x64xf32, #tpu.memory_space<hbm>> -> memref<10000x64xf32, #tpu.memory_space<hbm>>
      %dma_wait3A_112 = arith.constant 0 : i32
      %dma_wait3A_113 = arith.constant 0 : i32
      %dma_wait3A_114 = tpu.memref_slice %dma_wait3A_111[%dma_wait3A_112, %dma_wait3A_113] : memref<10000x64xf32, #tpu.memory_space<hbm>> -> memref<10000x64xf32, #tpu.memory_space<hbm>>
      tpu.wait_indirect_dma semaphore(%arg10 : memref<!tpu.dma_semaphore, #tpu.memory_space<semaphore_mem>>) src(%dma_wait3A_114 : memref<10000x64xf32, #tpu.memory_space<hbm>>) dst(%dma_wait3A_104 : memref<128x64xf32, #tpu.memory_space<vmem>>)
      %dma_start3A_115 = arith.constant 1 : i32
      %dma_start3A_116 = arith.constant 128 : i32
      %dma_start3A_117 = arith.constant 0 : i32
      %dma_start3A_118 = tpu.memref_slice %arg8[%dma_start3A_116, %dma_start3A_117] : memref<512x64xf32, #tpu.memory_space<vmem>> -> memref<128x64xf32, #tpu.memory_space<vmem>>
      %dma_start3A_119 = arith.constant 0 : i32
      %dma_start3A_120 = tpu.memref_slice %arg7[%dma_start3A_115, %dma_start3A_119] : memref<4x128xi32, #tpu.memory_space<vmem>> -> memref<1x128xi32, #tpu.memory_space<vmem>>
      %dma_start3A_121 = tpu.memref_squeeze %dma_start3A_120 : memref<1x128xi32, #tpu.memory_space<vmem>> -> memref<128xi32, #tpu.memory_space<vmem>>
      %dma_start3A_122 = arith.constant 0 : i32
      %dma_start3A_123 = arith.constant 0 : i32
      %dma_start3A_124 = tpu.memref_slice %arg9[%dma_start3A_122, %dma_start3A_123] : memref<10240x64xf32, #tpu.memory_space<vmem_shared>> -> memref<10240x64xf32, #tpu.memory_space<vmem_shared>>
      tpu.enqueue_indirect_dma source(%dma_start3A_118 : memref<128x64xf32, #tpu.memory_space<vmem>>) target(%dma_start3A_124 : memref<10240x64xf32, #tpu.memory_space<vmem_shared>>) offsets(%dma_start3A_121 : memref<128xi32, #tpu.memory_space<vmem>>) semaphore(%arg11 : memref<!tpu.dma_semaphore, #tpu.memory_space<semaphore_mem>>) {add = true}
      %dma_wait3A_125 = arith.constant 2 : i32
      %dma_wait3A_126 = arith.constant 256 : i32
      %dma_wait3A_127 = arith.constant 0 : i32
      %dma_wait3A_128 = tpu.memref_slice %arg8[%dma_wait3A_126, %dma_wait3A_127] : memref<512x64xf32, #tpu.memory_space<vmem>> -> memref<128x64xf32, #tpu.memory_space<vmem>>
      %dma_wait3A_129 = arith.constant 0 : i32
      %dma_wait3A_130 = tpu.memref_slice %arg6[%dma_wait3A_125, %dma_wait3A_129] : memref<4x128xi32, #tpu.memory_space<vmem>> -> memref<1x128xi32, #tpu.memory_space<vmem>>
      %dma_wait3A_131 = tpu.memref_squeeze %dma_wait3A_130 : memref<1x128xi32, #tpu.memory_space<vmem>> -> memref<128xi32, #tpu.memory_space<vmem>>
      %dma_wait3A_132 = arith.constant 0 : i32
      %dma_wait3A_133 = arith.constant 0 : i32
      %dma_wait3A_134 = tpu.memref_slice %arg4[%arg0, %dma_wait3A_132, %dma_wait3A_133] : memref<2x10000x64xf32, #tpu.memory_space<hbm>> -> memref<1x10000x64xf32, #tpu.memory_space<hbm>>
      %dma_wait3A_135 = tpu.memref_squeeze %dma_wait3A_134 : memref<1x10000x64xf32, #tpu.memory_space<hbm>> -> memref<10000x64xf32, #tpu.memory_space<hbm>>
      %dma_wait3A_136 = arith.constant 0 : i32
      %dma_wait3A_137 = arith.constant 0 : i32
      %dma_wait3A_138 = tpu.memref_slice %dma_wait3A_135[%dma_wait3A_136, %dma_wait3A_137] : memref<10000x64xf32, #tpu.memory_space<hbm>> -> memref<10000x64xf32, #tpu.memory_space<hbm>>
      tpu.wait_indirect_dma semaphore(%arg10 : memref<!tpu.dma_semaphore, #tpu.memory_space<semaphore_mem>>) src(%dma_wait3A_138 : memref<10000x64xf32, #tpu.memory_space<hbm>>) dst(%dma_wait3A_128 : memref<128x64xf32, #tpu.memory_space<vmem>>)
      %dma_start3A_139 = arith.constant 2 : i32
      %dma_start3A_140 = arith.constant 256 : i32
      %dma_start3A_141 = arith.constant 0 : i32
      %dma_start3A_142 = tpu.memref_slice %arg8[%dma_start3A_140, %dma_start3A_141] : memref<512x64xf32, #tpu.memory_space<vmem>> -> memref<128x64xf32, #tpu.memory_space<vmem>>
      %dma_start3A_143 = arith.constant 0 : i32
      %dma_start3A_144 = tpu.memref_slice %arg7[%dma_start3A_139, %dma_start3A_143] : memref<4x128xi32, #tpu.memory_space<vmem>> -> memref<1x128xi32, #tpu.memory_space<vmem>>
      %dma_start3A_145 = tpu.memref_squeeze %dma_start3A_144 : memref<1x128xi32, #tpu.memory_space<vmem>> -> memref<128xi32, #tpu.memory_space<vmem>>
      %dma_start3A_146 = arith.constant 0 : i32
      %dma_start3A_147 = arith.constant 0 : i32
      %dma_start3A_148 = tpu.memref_slice %arg9[%dma_start3A_146, %dma_start3A_147] : memref<10240x64xf32, #tpu.memory_space<vmem_shared>> -> memref<10240x64xf32, #tpu.memory_space<vmem_shared>>
      tpu.enqueue_indirect_dma source(%dma_start3A_142 : memref<128x64xf32, #tpu.memory_space<vmem>>) target(%dma_start3A_148 : memref<10240x64xf32, #tpu.memory_space<vmem_shared>>) offsets(%dma_start3A_145 : memref<128xi32, #tpu.memory_space<vmem>>) semaphore(%arg11 : memref<!tpu.dma_semaphore, #tpu.memory_space<semaphore_mem>>) {add = true}
      %dma_wait3A_149 = arith.constant 3 : i32
      %dma_wait3A_150 = arith.constant 384 : i32
      %dma_wait3A_151 = arith.constant 0 : i32
      %dma_wait3A_152 = tpu.memref_slice %arg8[%dma_wait3A_150, %dma_wait3A_151] : memref<512x64xf32, #tpu.memory_space<vmem>> -> memref<128x64xf32, #tpu.memory_space<vmem>>
      %dma_wait3A_153 = arith.constant 0 : i32
      %dma_wait3A_154 = tpu.memref_slice %arg6[%dma_wait3A_149, %dma_wait3A_153] : memref<4x128xi32, #tpu.memory_space<vmem>> -> memref<1x128xi32, #tpu.memory_space<vmem>>
      %dma_wait3A_155 = tpu.memref_squeeze %dma_wait3A_154 : memref<1x128xi32, #tpu.memory_space<vmem>> -> memref<128xi32, #tpu.memory_space<vmem>>
      %dma_wait3A_156 = arith.constant 0 : i32
      %dma_wait3A_157 = arith.constant 0 : i32
      %dma_wait3A_158 = tpu.memref_slice %arg4[%arg0, %dma_wait3A_156, %dma_wait3A_157] : memref<2x10000x64xf32, #tpu.memory_space<hbm>> -> memref<1x10000x64xf32, #tpu.memory_space<hbm>>
      %dma_wait3A_159 = tpu.memref_squeeze %dma_wait3A_158 : memref<1x10000x64xf32, #tpu.memory_space<hbm>> -> memref<10000x64xf32, #tpu.memory_space<hbm>>
      %dma_wait3A_160 = arith.constant 0 : i32
      %dma_wait3A_161 = arith.constant 0 : i32
      %dma_wait3A_162 = tpu.memref_slice %dma_wait3A_159[%dma_wait3A_160, %dma_wait3A_161] : memref<10000x64xf32, #tpu.memory_space<hbm>> -> memref<10000x64xf32, #tpu.memory_space<hbm>>
      tpu.wait_indirect_dma semaphore(%arg10 : memref<!tpu.dma_semaphore, #tpu.memory_space<semaphore_mem>>) src(%dma_wait3A_162 : memref<10000x64xf32, #tpu.memory_space<hbm>>) dst(%dma_wait3A_152 : memref<128x64xf32, #tpu.memory_space<vmem>>)
      %dma_start3A_163 = arith.constant 3 : i32
      %dma_start3A_164 = arith.constant 384 : i32
      %dma_start3A_165 = arith.constant 0 : i32
      %dma_start3A_166 = tpu.memref_slice %arg8[%dma_start3A_164, %dma_start3A_165] : memref<512x64xf32, #tpu.memory_space<vmem>> -> memref<128x64xf32, #tpu.memory_space<vmem>>
      %dma_start3A_167 = arith.constant 0 : i32
      %dma_start3A_168 = tpu.memref_slice %arg7[%dma_start3A_163, %dma_start3A_167] : memref<4x128xi32, #tpu.memory_space<vmem>> -> memref<1x128xi32, #tpu.memory_space<vmem>>
      %dma_start3A_169 = tpu.memref_squeeze %dma_start3A_168 : memref<1x128xi32, #tpu.memory_space<vmem>> -> memref<128xi32, #tpu.memory_space<vmem>>
      %dma_start3A_170 = arith.constant 0 : i32
      %dma_start3A_171 = arith.constant 0 : i32
      %dma_start3A_172 = tpu.memref_slice %arg9[%dma_start3A_170, %dma_start3A_171] : memref<10240x64xf32, #tpu.memory_space<vmem_shared>> -> memref<10240x64xf32, #tpu.memory_space<vmem_shared>>
      tpu.enqueue_indirect_dma source(%dma_start3A_166 : memref<128x64xf32, #tpu.memory_space<vmem>>) target(%dma_start3A_172 : memref<10240x64xf32, #tpu.memory_space<vmem_shared>>) offsets(%dma_start3A_169 : memref<128xi32, #tpu.memory_space<vmem>>) semaphore(%arg11 : memref<!tpu.dma_semaphore, #tpu.memory_space<semaphore_mem>>) {add = true}
      %dma_wait3A_173 = arith.constant 0 : i32
      %dma_wait3A_174 = arith.constant 0 : i32
      %dma_wait3A_175 = arith.constant 0 : i32
      %dma_wait3A_176 = tpu.memref_slice %arg8[%dma_wait3A_174, %dma_wait3A_175] : memref<512x64xf32, #tpu.memory_space<vmem>> -> memref<128x64xf32, #tpu.memory_space<vmem>>
      %dma_wait3A_177 = arith.constant 0 : i32
      %dma_wait3A_178 = tpu.memref_slice %arg7[%dma_wait3A_173, %dma_wait3A_177] : memref<4x128xi32, #tpu.memory_space<vmem>> -> memref<1x128xi32, #tpu.memory_space<vmem>>
      %dma_wait3A_179 = tpu.memref_squeeze %dma_wait3A_178 : memref<1x128xi32, #tpu.memory_space<vmem>> -> memref<128xi32, #tpu.memory_space<vmem>>
      %dma_wait3A_180 = arith.constant 0 : i32
      %dma_wait3A_181 = arith.constant 0 : i32
      %dma_wait3A_182 = tpu.memref_slice %arg9[%dma_wait3A_180, %dma_wait3A_181] : memref<10240x64xf32, #tpu.memory_space<vmem_shared>> -> memref<10240x64xf32, #tpu.memory_space<vmem_shared>>
      tpu.wait_indirect_dma semaphore(%arg11 : memref<!tpu.dma_semaphore, #tpu.memory_space<semaphore_mem>>) src(%dma_wait3A_176 : memref<128x64xf32, #tpu.memory_space<vmem>>) dst(%dma_wait3A_182 : memref<10240x64xf32, #tpu.memory_space<vmem_shared>>)
      %dma_wait3A_183 = arith.constant 1 : i32
      %dma_wait3A_184 = arith.constant 128 : i32
      %dma_wait3A_185 = arith.constant 0 : i32
      %dma_wait3A_186 = tpu.memref_slice %arg8[%dma_wait3A_184, %dma_wait3A_185] : memref<512x64xf32, #tpu.memory_space<vmem>> -> memref<128x64xf32, #tpu.memory_space<vmem>>
      %dma_wait3A_187 = arith.constant 0 : i32
      %dma_wait3A_188 = tpu.memref_slice %arg7[%dma_wait3A_183, %dma_wait3A_187] : memref<4x128xi32, #tpu.memory_space<vmem>> -> memref<1x128xi32, #tpu.memory_space<vmem>>
      %dma_wait3A_189 = tpu.memref_squeeze %dma_wait3A_188 : memref<1x128xi32, #tpu.memory_space<vmem>> -> memref<128xi32, #tpu.memory_space<vmem>>
      %dma_wait3A_190 = arith.constant 0 : i32
      %dma_wait3A_191 = arith.constant 0 : i32
      %dma_wait3A_192 = tpu.memref_slice %arg9[%dma_wait3A_190, %dma_wait3A_191] : memref<10240x64xf32, #tpu.memory_space<vmem_shared>> -> memref<10240x64xf32, #tpu.memory_space<vmem_shared>>
      tpu.wait_indirect_dma semaphore(%arg11 : memref<!tpu.dma_semaphore, #tpu.memory_space<semaphore_mem>>) src(%dma_wait3A_186 : memref<128x64xf32, #tpu.memory_space<vmem>>) dst(%dma_wait3A_192 : memref<10240x64xf32, #tpu.memory_space<vmem_shared>>)
      %dma_wait3A_193 = arith.constant 2 : i32
      %dma_wait3A_194 = arith.constant 256 : i32
      %dma_wait3A_195 = arith.constant 0 : i32
      %dma_wait3A_196 = tpu.memref_slice %arg8[%dma_wait3A_194, %dma_wait3A_195] : memref<512x64xf32, #tpu.memory_space<vmem>> -> memref<128x64xf32, #tpu.memory_space<vmem>>
      %dma_wait3A_197 = arith.constant 0 : i32
      %dma_wait3A_198 = tpu.memref_slice %arg7[%dma_wait3A_193, %dma_wait3A_197] : memref<4x128xi32, #tpu.memory_space<vmem>> -> memref<1x128xi32, #tpu.memory_space<vmem>>
      %dma_wait3A_199 = tpu.memref_squeeze %dma_wait3A_198 : memref<1x128xi32, #tpu.memory_space<vmem>> -> memref<128xi32, #tpu.memory_space<vmem>>
      %dma_wait3A_200 = arith.constant 0 : i32
      %dma_wait3A_201 = arith.constant 0 : i32
      %dma_wait3A_202 = tpu.memref_slice %arg9[%dma_wait3A_200, %dma_wait3A_201] : memref<10240x64xf32, #tpu.memory_space<vmem_shared>> -> memref<10240x64xf32, #tpu.memory_space<vmem_shared>>
      tpu.wait_indirect_dma semaphore(%arg11 : memref<!tpu.dma_semaphore, #tpu.memory_space<semaphore_mem>>) src(%dma_wait3A_196 : memref<128x64xf32, #tpu.memory_space<vmem>>) dst(%dma_wait3A_202 : memref<10240x64xf32, #tpu.memory_space<vmem_shared>>)
      %dma_wait3A_203 = arith.constant 3 : i32
      %dma_wait3A_204 = arith.constant 384 : i32
      %dma_wait3A_205 = arith.constant 0 : i32
      %dma_wait3A_206 = tpu.memref_slice %arg8[%dma_wait3A_204, %dma_wait3A_205] : memref<512x64xf32, #tpu.memory_space<vmem>> -> memref<128x64xf32, #tpu.memory_space<vmem>>
      %dma_wait3A_207 = arith.constant 0 : i32
      %dma_wait3A_208 = tpu.memref_slice %arg7[%dma_wait3A_203, %dma_wait3A_207] : memref<4x128xi32, #tpu.memory_space<vmem>> -> memref<1x128xi32, #tpu.memory_space<vmem>>
      %dma_wait3A_209 = tpu.memref_squeeze %dma_wait3A_208 : memref<1x128xi32, #tpu.memory_space<vmem>> -> memref<128xi32, #tpu.memory_space<vmem>>
      %dma_wait3A_210 = arith.constant 0 : i32
      %dma_wait3A_211 = arith.constant 0 : i32
      %dma_wait3A_212 = tpu.memref_slice %arg9[%dma_wait3A_210, %dma_wait3A_211] : memref<10240x64xf32, #tpu.memory_space<vmem_shared>> -> memref<10240x64xf32, #tpu.memory_space<vmem_shared>>
      tpu.wait_indirect_dma semaphore(%arg11 : memref<!tpu.dma_semaphore, #tpu.memory_space<semaphore_mem>>) src(%dma_wait3A_206 : memref<128x64xf32, #tpu.memory_space<vmem>>) dst(%dma_wait3A_212 : memref<10240x64xf32, #tpu.memory_space<vmem_shared>>)
    }
    %scan3A_15 = arith.constant 39 : i32
    %eq3A = arith.constant 15 : i32
    %eq3A_16 = arith.cmpi eq, %arg1, %eq3A : i32
    %convert_element_type3A = arith.extui %eq3A_16 : i1 to i32
    %cond3A = arith.constant 0 : i32
    %cond3A_17 = arith.cmpi ne, %convert_element_type3A, %cond3A : i32
    scf.if %cond3A_17 {
      "tpu.region"() ({
        %run_scoped3A = tpu.sem_alloc : memref<!tpu.dma_semaphore, #tpu.memory_space<semaphore_mem>>
        %dma_start3A_209 = arith.constant 2496 : i32
        %dma_start3A_210 = arith.constant 0 : i32
        %dma_start3A_211 = tpu.memref_slice %arg2[%dma_start3A_209, %dma_start3A_210] : memref<2500x128xi32, #tpu.memory_space<hbm>> -> memref<4x128xi32, #tpu.memory_space<hbm>>
        %dma_start3A_212 = arith.constant 2496 : i32
        %dma_start3A_213 = arith.constant 0 : i32
        %dma_start3A_214 = tpu.memref_slice %arg2[%dma_start3A_212, %dma_start3A_213] : memref<2500x128xi32, #tpu.memory_space<hbm>> -> memref<4x128xi32, #tpu.memory_space<hbm>>
        tpu.enqueue_dma source(%dma_start3A_214 : memref<4x128xi32, #tpu.memory_space<hbm>>) target(%arg6 : memref<4x128xi32, #tpu.memory_space<vmem>>) target_semaphore(%run_scoped3A : memref<!tpu.dma_semaphore, #tpu.memory_space<semaphore_mem>>)
        %dma_wait3A_215 = arith.constant 2496 : i32
        %dma_wait3A_216 = arith.constant 0 : i32
        %dma_wait3A_217 = tpu.memref_slice %arg2[%dma_wait3A_215, %dma_wait3A_216] : memref<2500x128xi32, #tpu.memory_space<hbm>> -> memref<4x128xi32, #tpu.memory_space<hbm>>
        %dma_wait3A_218 = arith.constant 2496 : i32
        %dma_wait3A_219 = arith.constant 0 : i32
        %dma_wait3A_220 = tpu.memref_slice %arg2[%dma_wait3A_218, %dma_wait3A_219] : memref<2500x128xi32, #tpu.memory_space<hbm>> -> memref<4x128xi32, #tpu.memory_space<hbm>>
        tpu.wait_dma2 semaphore(%run_scoped3A : memref<!tpu.dma_semaphore, #tpu.memory_space<semaphore_mem>>) src(%dma_wait3A_220 : memref<4x128xi32, #tpu.memory_space<hbm>>) dst(%arg6 : memref<4x128xi32, #tpu.memory_space<vmem>>)
        tpu.yield
      }) : () -> ()
      "tpu.region"() ({
        %run_scoped3A = tpu.sem_alloc : memref<!tpu.dma_semaphore, #tpu.memory_space<semaphore_mem>>
        %dma_start3A_209 = arith.constant 2496 : i32
        %dma_start3A_210 = arith.constant 0 : i32
        %dma_start3A_211 = tpu.memref_slice %arg3[%dma_start3A_209, %dma_start3A_210] : memref<2500x128xi32, #tpu.memory_space<hbm>> -> memref<4x128xi32, #tpu.memory_space<hbm>>
        %dma_start3A_212 = arith.constant 2496 : i32
        %dma_start3A_213 = arith.constant 0 : i32
        %dma_start3A_214 = tpu.memref_slice %arg3[%dma_start3A_212, %dma_start3A_213] : memref<2500x128xi32, #tpu.memory_space<hbm>> -> memref<4x128xi32, #tpu.memory_space<hbm>>
        tpu.enqueue_dma source(%dma_start3A_214 : memref<4x128xi32, #tpu.memory_space<hbm>>) target(%arg7 : memref<4x128xi32, #tpu.memory_space<vmem>>) target_semaphore(%run_scoped3A : memref<!tpu.dma_semaphore, #tpu.memory_space<semaphore_mem>>)
        %dma_wait3A_215 = arith.constant 2496 : i32
        %dma_wait3A_216 = arith.constant 0 : i32
        %dma_wait3A_217 = tpu.memref_slice %arg3[%dma_wait3A_215, %dma_wait3A_216] : memref<2500x128xi32, #tpu.memory_space<hbm>> -> memref<4x128xi32, #tpu.memory_space<hbm>>
        %dma_wait3A_218 = arith.constant 2496 : i32
        %dma_wait3A_219 = arith.constant 0 : i32
        %dma_wait3A_220 = tpu.memref_slice %arg3[%dma_wait3A_218, %dma_wait3A_219] : memref<2500x128xi32, #tpu.memory_space<hbm>> -> memref<4x128xi32, #tpu.memory_space<hbm>>
        tpu.wait_dma2 semaphore(%run_scoped3A : memref<!tpu.dma_semaphore, #tpu.memory_space<semaphore_mem>>) src(%dma_wait3A_220 : memref<4x128xi32, #tpu.memory_space<hbm>>) dst(%arg7 : memref<4x128xi32, #tpu.memory_space<vmem>>)
        tpu.yield
      }) : () -> ()
      %dma_start3A = arith.constant 0 : i32
      %dma_start3A_19 = arith.constant 0 : i32
      %dma_start3A_20 = arith.constant 0 : i32
      %dma_start3A_21 = tpu.memref_slice %arg8[%dma_start3A_19, %dma_start3A_20] : memref<512x64xf32, #tpu.memory_space<vmem>> -> memref<128x64xf32, #tpu.memory_space<vmem>>
      %dma_start3A_22 = arith.constant 0 : i32
      %dma_start3A_23 = tpu.memref_slice %arg6[%dma_start3A, %dma_start3A_22] : memref<4x128xi32, #tpu.memory_space<vmem>> -> memref<1x128xi32, #tpu.memory_space<vmem>>
      %dma_start3A_24 = tpu.memref_squeeze %dma_start3A_23 : memref<1x128xi32, #tpu.memory_space<vmem>> -> memref<128xi32, #tpu.memory_space<vmem>>
      %dma_start3A_25 = arith.constant 0 : i32
      %dma_start3A_26 = arith.constant 0 : i32
      %dma_start3A_27 = tpu.memref_slice %arg4[%arg0, %dma_start3A_25, %dma_start3A_26] : memref<2x10000x64xf32, #tpu.memory_space<hbm>> -> memref<1x10000x64xf32, #tpu.memory_space<hbm>>
      %dma_start3A_28 = tpu.memref_squeeze %dma_start3A_27 : memref<1x10000x64xf32, #tpu.memory_space<hbm>> -> memref<10000x64xf32, #tpu.memory_space<hbm>>
      %dma_start3A_29 = arith.constant 0 : i32
      %dma_start3A_30 = arith.constant 0 : i32
      %dma_start3A_31 = tpu.memref_slice %dma_start3A_28[%dma_start3A_29, %dma_start3A_30] : memref<10000x64xf32, #tpu.memory_space<hbm>> -> memref<10000x64xf32, #tpu.memory_space<hbm>>
      tpu.enqueue_indirect_dma source(%dma_start3A_31 : memref<10000x64xf32, #tpu.memory_space<hbm>>) target(%dma_start3A_21 : memref<128x64xf32, #tpu.memory_space<vmem>>) offsets(%dma_start3A_24 : memref<128xi32, #tpu.memory_space<vmem>>) semaphore(%arg10 : memref<!tpu.dma_semaphore, #tpu.memory_space<semaphore_mem>>)
      %dma_start3A_32 = arith.constant 1 : i32
      %dma_start3A_33 = arith.constant 128 : i32
      %dma_start3A_34 = arith.constant 0 : i32
      %dma_start3A_35 = tpu.memref_slice %arg8[%dma_start3A_33, %dma_start3A_34] : memref<512x64xf32, #tpu.memory_space<vmem>> -> memref<128x64xf32, #tpu.memory_space<vmem>>
      %dma_start3A_36 = arith.constant 0 : i32
      %dma_start3A_37 = tpu.memref_slice %arg6[%dma_start3A_32, %dma_start3A_36] : memref<4x128xi32, #tpu.memory_space<vmem>> -> memref<1x128xi32, #tpu.memory_space<vmem>>
      %dma_start3A_38 = tpu.memref_squeeze %dma_start3A_37 : memref<1x128xi32, #tpu.memory_space<vmem>> -> memref<128xi32, #tpu.memory_space<vmem>>
      %dma_start3A_39 = arith.constant 0 : i32
      %dma_start3A_40 = arith.constant 0 : i32
      %dma_start3A_41 = tpu.memref_slice %arg4[%arg0, %dma_start3A_39, %dma_start3A_40] : memref<2x10000x64xf32, #tpu.memory_space<hbm>> -> memref<1x10000x64xf32, #tpu.memory_space<hbm>>
      %dma_start3A_42 = tpu.memref_squeeze %dma_start3A_41 : memref<1x10000x64xf32, #tpu.memory_space<hbm>> -> memref<10000x64xf32, #tpu.memory_space<hbm>>
      %dma_start3A_43 = arith.constant 0 : i32
      %dma_start3A_44 = arith.constant 0 : i32
      %dma_start3A_45 = tpu.memref_slice %dma_start3A_42[%dma_start3A_43, %dma_start3A_44] : memref<10000x64xf32, #tpu.memory_space<hbm>> -> memref<10000x64xf32, #tpu.memory_space<hbm>>
      tpu.enqueue_indirect_dma source(%dma_start3A_45 : memref<10000x64xf32, #tpu.memory_space<hbm>>) target(%dma_start3A_35 : memref<128x64xf32, #tpu.memory_space<vmem>>) offsets(%dma_start3A_38 : memref<128xi32, #tpu.memory_space<vmem>>) semaphore(%arg10 : memref<!tpu.dma_semaphore, #tpu.memory_space<semaphore_mem>>)
      %dma_start3A_46 = arith.constant 2 : i32
      %dma_start3A_47 = arith.constant 256 : i32
      %dma_start3A_48 = arith.constant 0 : i32
      %dma_start3A_49 = tpu.memref_slice %arg8[%dma_start3A_47, %dma_start3A_48] : memref<512x64xf32, #tpu.memory_space<vmem>> -> memref<128x64xf32, #tpu.memory_space<vmem>>
      %dma_start3A_50 = arith.constant 0 : i32
      %dma_start3A_51 = tpu.memref_slice %arg6[%dma_start3A_46, %dma_start3A_50] : memref<4x128xi32, #tpu.memory_space<vmem>> -> memref<1x128xi32, #tpu.memory_space<vmem>>
      %dma_start3A_52 = tpu.memref_squeeze %dma_start3A_51 : memref<1x128xi32, #tpu.memory_space<vmem>> -> memref<128xi32, #tpu.memory_space<vmem>>
      %dma_start3A_53 = arith.constant 0 : i32
      %dma_start3A_54 = arith.constant 0 : i32
      %dma_start3A_55 = tpu.memref_slice %arg4[%arg0, %dma_start3A_53, %dma_start3A_54] : memref<2x10000x64xf32, #tpu.memory_space<hbm>> -> memref<1x10000x64xf32, #tpu.memory_space<hbm>>
      %dma_start3A_56 = tpu.memref_squeeze %dma_start3A_55 : memref<1x10000x64xf32, #tpu.memory_space<hbm>> -> memref<10000x64xf32, #tpu.memory_space<hbm>>
      %dma_start3A_57 = arith.constant 0 : i32
      %dma_start3A_58 = arith.constant 0 : i32
      %dma_start3A_59 = tpu.memref_slice %dma_start3A_56[%dma_start3A_57, %dma_start3A_58] : memref<10000x64xf32, #tpu.memory_space<hbm>> -> memref<10000x64xf32, #tpu.memory_space<hbm>>
      tpu.enqueue_indirect_dma source(%dma_start3A_59 : memref<10000x64xf32, #tpu.memory_space<hbm>>) target(%dma_start3A_49 : memref<128x64xf32, #tpu.memory_space<vmem>>) offsets(%dma_start3A_52 : memref<128xi32, #tpu.memory_space<vmem>>) semaphore(%arg10 : memref<!tpu.dma_semaphore, #tpu.memory_space<semaphore_mem>>)
      %dma_start3A_60 = arith.constant 3 : i32
      %dma_start3A_61 = arith.constant 384 : i32
      %dma_start3A_62 = arith.constant 0 : i32
      %dma_start3A_63 = tpu.memref_slice %arg8[%dma_start3A_61, %dma_start3A_62] : memref<512x64xf32, #tpu.memory_space<vmem>> -> memref<128x64xf32, #tpu.memory_space<vmem>>
      %dma_start3A_64 = arith.constant 0 : i32
      %dma_start3A_65 = tpu.memref_slice %arg6[%dma_start3A_60, %dma_start3A_64] : memref<4x128xi32, #tpu.memory_space<vmem>> -> memref<1x128xi32, #tpu.memory_space<vmem>>
      %dma_start3A_66 = tpu.memref_squeeze %dma_start3A_65 : memref<1x128xi32, #tpu.memory_space<vmem>> -> memref<128xi32, #tpu.memory_space<vmem>>
      %dma_start3A_67 = arith.constant 0 : i32
      %dma_start3A_68 = arith.constant 0 : i32
      %dma_start3A_69 = tpu.memref_slice %arg4[%arg0, %dma_start3A_67, %dma_start3A_68] : memref<2x10000x64xf32, #tpu.memory_space<hbm>> -> memref<1x10000x64xf32, #tpu.memory_space<hbm>>
      %dma_start3A_70 = tpu.memref_squeeze %dma_start3A_69 : memref<1x10000x64xf32, #tpu.memory_space<hbm>> -> memref<10000x64xf32, #tpu.memory_space<hbm>>
      %dma_start3A_71 = arith.constant 0 : i32
      %dma_start3A_72 = arith.constant 0 : i32
      %dma_start3A_73 = tpu.memref_slice %dma_start3A_70[%dma_start3A_71, %dma_start3A_72] : memref<10000x64xf32, #tpu.memory_space<hbm>> -> memref<10000x64xf32, #tpu.memory_space<hbm>>
      tpu.enqueue_indirect_dma source(%dma_start3A_73 : memref<10000x64xf32, #tpu.memory_space<hbm>>) target(%dma_start3A_63 : memref<128x64xf32, #tpu.memory_space<vmem>>) offsets(%dma_start3A_66 : memref<128xi32, #tpu.memory_space<vmem>>) semaphore(%arg10 : memref<!tpu.dma_semaphore, #tpu.memory_space<semaphore_mem>>)
      %dma_wait3A = arith.constant 0 : i32
      %dma_wait3A_74 = arith.constant 0 : i32
      %dma_wait3A_75 = arith.constant 0 : i32
      %dma_wait3A_76 = tpu.memref_slice %arg8[%dma_wait3A_74, %dma_wait3A_75] : memref<512x64xf32, #tpu.memory_space<vmem>> -> memref<128x64xf32, #tpu.memory_space<vmem>>
      %dma_wait3A_77 = arith.constant 0 : i32
      %dma_wait3A_78 = tpu.memref_slice %arg6[%dma_wait3A, %dma_wait3A_77] : memref<4x128xi32, #tpu.memory_space<vmem>> -> memref<1x128xi32, #tpu.memory_space<vmem>>
      %dma_wait3A_79 = tpu.memref_squeeze %dma_wait3A_78 : memref<1x128xi32, #tpu.memory_space<vmem>> -> memref<128xi32, #tpu.memory_space<vmem>>
      %dma_wait3A_80 = arith.constant 0 : i32
      %dma_wait3A_81 = arith.constant 0 : i32
      %dma_wait3A_82 = tpu.memref_slice %arg4[%arg0, %dma_wait3A_80, %dma_wait3A_81] : memref<2x10000x64xf32, #tpu.memory_space<hbm>> -> memref<1x10000x64xf32, #tpu.memory_space<hbm>>
      %dma_wait3A_83 = tpu.memref_squeeze %dma_wait3A_82 : memref<1x10000x64xf32, #tpu.memory_space<hbm>> -> memref<10000x64xf32, #tpu.memory_space<hbm>>
      %dma_wait3A_84 = arith.constant 0 : i32
      %dma_wait3A_85 = arith.constant 0 : i32
      %dma_wait3A_86 = tpu.memref_slice %dma_wait3A_83[%dma_wait3A_84, %dma_wait3A_85] : memref<10000x64xf32, #tpu.memory_space<hbm>> -> memref<10000x64xf32, #tpu.memory_space<hbm>>
      tpu.wait_indirect_dma semaphore(%arg10 : memref<!tpu.dma_semaphore, #tpu.memory_space<semaphore_mem>>) src(%dma_wait3A_86 : memref<10000x64xf32, #tpu.memory_space<hbm>>) dst(%dma_wait3A_76 : memref<128x64xf32, #tpu.memory_space<vmem>>)
      %dma_start3A_87 = arith.constant 0 : i32
      %dma_start3A_88 = arith.constant 0 : i32
      %dma_start3A_89 = arith.constant 0 : i32
      %dma_start3A_90 = tpu.memref_slice %arg8[%dma_start3A_88, %dma_start3A_89] : memref<512x64xf32, #tpu.memory_space<vmem>> -> memref<128x64xf32, #tpu.memory_space<vmem>>
      %dma_start3A_91 = arith.constant 0 : i32
      %dma_start3A_92 = tpu.memref_slice %arg7[%dma_start3A_87, %dma_start3A_91] : memref<4x128xi32, #tpu.memory_space<vmem>> -> memref<1x128xi32, #tpu.memory_space<vmem>>
      %dma_start3A_93 = tpu.memref_squeeze %dma_start3A_92 : memref<1x128xi32, #tpu.memory_space<vmem>> -> memref<128xi32, #tpu.memory_space<vmem>>
      %dma_start3A_94 = arith.constant 0 : i32
      %dma_start3A_95 = arith.constant 0 : i32
      %dma_start3A_96 = tpu.memref_slice %arg9[%dma_start3A_94, %dma_start3A_95] : memref<10240x64xf32, #tpu.memory_space<vmem_shared>> -> memref<10240x64xf32, #tpu.memory_space<vmem_shared>>
      tpu.enqueue_indirect_dma source(%dma_start3A_90 : memref<128x64xf32, #tpu.memory_space<vmem>>) target(%dma_start3A_96 : memref<10240x64xf32, #tpu.memory_space<vmem_shared>>) offsets(%dma_start3A_93 : memref<128xi32, #tpu.memory_space<vmem>>) semaphore(%arg11 : memref<!tpu.dma_semaphore, #tpu.memory_space<semaphore_mem>>) {add = true}
      %dma_wait3A_97 = arith.constant 1 : i32
      %dma_wait3A_98 = arith.constant 128 : i32
      %dma_wait3A_99 = arith.constant 0 : i32
      %dma_wait3A_100 = tpu.memref_slice %arg8[%dma_wait3A_98, %dma_wait3A_99] : memref<512x64xf32, #tpu.memory_space<vmem>> -> memref<128x64xf32, #tpu.memory_space<vmem>>
      %dma_wait3A_101 = arith.constant 0 : i32
      %dma_wait3A_102 = tpu.memref_slice %arg6[%dma_wait3A_97, %dma_wait3A_101] : memref<4x128xi32, #tpu.memory_space<vmem>> -> memref<1x128xi32, #tpu.memory_space<vmem>>
      %dma_wait3A_103 = tpu.memref_squeeze %dma_wait3A_102 : memref<1x128xi32, #tpu.memory_space<vmem>> -> memref<128xi32, #tpu.memory_space<vmem>>
      %dma_wait3A_104 = arith.constant 0 : i32
      %dma_wait3A_105 = arith.constant 0 : i32
      %dma_wait3A_106 = tpu.memref_slice %arg4[%arg0, %dma_wait3A_104, %dma_wait3A_105] : memref<2x10000x64xf32, #tpu.memory_space<hbm>> -> memref<1x10000x64xf32, #tpu.memory_space<hbm>>
      %dma_wait3A_107 = tpu.memref_squeeze %dma_wait3A_106 : memref<1x10000x64xf32, #tpu.memory_space<hbm>> -> memref<10000x64xf32, #tpu.memory_space<hbm>>
      %dma_wait3A_108 = arith.constant 0 : i32
      %dma_wait3A_109 = arith.constant 0 : i32
      %dma_wait3A_110 = tpu.memref_slice %dma_wait3A_107[%dma_wait3A_108, %dma_wait3A_109] : memref<10000x64xf32, #tpu.memory_space<hbm>> -> memref<10000x64xf32, #tpu.memory_space<hbm>>
      tpu.wait_indirect_dma semaphore(%arg10 : memref<!tpu.dma_semaphore, #tpu.memory_space<semaphore_mem>>) src(%dma_wait3A_110 : memref<10000x64xf32, #tpu.memory_space<hbm>>) dst(%dma_wait3A_100 : memref<128x64xf32, #tpu.memory_space<vmem>>)
      %dma_start3A_111 = arith.constant 1 : i32
      %dma_start3A_112 = arith.constant 128 : i32
      %dma_start3A_113 = arith.constant 0 : i32
      %dma_start3A_114 = tpu.memref_slice %arg8[%dma_start3A_112, %dma_start3A_113] : memref<512x64xf32, #tpu.memory_space<vmem>> -> memref<128x64xf32, #tpu.memory_space<vmem>>
      %dma_start3A_115 = arith.constant 0 : i32
      %dma_start3A_116 = tpu.memref_slice %arg7[%dma_start3A_111, %dma_start3A_115] : memref<4x128xi32, #tpu.memory_space<vmem>> -> memref<1x128xi32, #tpu.memory_space<vmem>>
      %dma_start3A_117 = tpu.memref_squeeze %dma_start3A_116 : memref<1x128xi32, #tpu.memory_space<vmem>> -> memref<128xi32, #tpu.memory_space<vmem>>
      %dma_start3A_118 = arith.constant 0 : i32
      %dma_start3A_119 = arith.constant 0 : i32
      %dma_start3A_120 = tpu.memref_slice %arg9[%dma_start3A_118, %dma_start3A_119] : memref<10240x64xf32, #tpu.memory_space<vmem_shared>> -> memref<10240x64xf32, #tpu.memory_space<vmem_shared>>
      tpu.enqueue_indirect_dma source(%dma_start3A_114 : memref<128x64xf32, #tpu.memory_space<vmem>>) target(%dma_start3A_120 : memref<10240x64xf32, #tpu.memory_space<vmem_shared>>) offsets(%dma_start3A_117 : memref<128xi32, #tpu.memory_space<vmem>>) semaphore(%arg11 : memref<!tpu.dma_semaphore, #tpu.memory_space<semaphore_mem>>) {add = true}
      %dma_wait3A_121 = arith.constant 2 : i32
      %dma_wait3A_122 = arith.constant 256 : i32
      %dma_wait3A_123 = arith.constant 0 : i32
      %dma_wait3A_124 = tpu.memref_slice %arg8[%dma_wait3A_122, %dma_wait3A_123] : memref<512x64xf32, #tpu.memory_space<vmem>> -> memref<128x64xf32, #tpu.memory_space<vmem>>
      %dma_wait3A_125 = arith.constant 0 : i32
      %dma_wait3A_126 = tpu.memref_slice %arg6[%dma_wait3A_121, %dma_wait3A_125] : memref<4x128xi32, #tpu.memory_space<vmem>> -> memref<1x128xi32, #tpu.memory_space<vmem>>
      %dma_wait3A_127 = tpu.memref_squeeze %dma_wait3A_126 : memref<1x128xi32, #tpu.memory_space<vmem>> -> memref<128xi32, #tpu.memory_space<vmem>>
      %dma_wait3A_128 = arith.constant 0 : i32
      %dma_wait3A_129 = arith.constant 0 : i32
      %dma_wait3A_130 = tpu.memref_slice %arg4[%arg0, %dma_wait3A_128, %dma_wait3A_129] : memref<2x10000x64xf32, #tpu.memory_space<hbm>> -> memref<1x10000x64xf32, #tpu.memory_space<hbm>>
      %dma_wait3A_131 = tpu.memref_squeeze %dma_wait3A_130 : memref<1x10000x64xf32, #tpu.memory_space<hbm>> -> memref<10000x64xf32, #tpu.memory_space<hbm>>
      %dma_wait3A_132 = arith.constant 0 : i32
      %dma_wait3A_133 = arith.constant 0 : i32
      %dma_wait3A_134 = tpu.memref_slice %dma_wait3A_131[%dma_wait3A_132, %dma_wait3A_133] : memref<10000x64xf32, #tpu.memory_space<hbm>> -> memref<10000x64xf32, #tpu.memory_space<hbm>>
      tpu.wait_indirect_dma semaphore(%arg10 : memref<!tpu.dma_semaphore, #tpu.memory_space<semaphore_mem>>) src(%dma_wait3A_134 : memref<10000x64xf32, #tpu.memory_space<hbm>>) dst(%dma_wait3A_124 : memref<128x64xf32, #tpu.memory_space<vmem>>)
      %dma_start3A_135 = arith.constant 2 : i32
      %dma_start3A_136 = arith.constant 256 : i32
      %dma_start3A_137 = arith.constant 0 : i32
      %dma_start3A_138 = tpu.memref_slice %arg8[%dma_start3A_136, %dma_start3A_137] : memref<512x64xf32, #tpu.memory_space<vmem>> -> memref<128x64xf32, #tpu.memory_space<vmem>>
      %dma_start3A_139 = arith.constant 0 : i32
      %dma_start3A_140 = tpu.memref_slice %arg7[%dma_start3A_135, %dma_start3A_139] : memref<4x128xi32, #tpu.memory_space<vmem>> -> memref<1x128xi32, #tpu.memory_space<vmem>>
      %dma_start3A_141 = tpu.memref_squeeze %dma_start3A_140 : memref<1x128xi32, #tpu.memory_space<vmem>> -> memref<128xi32, #tpu.memory_space<vmem>>
      %dma_start3A_142 = arith.constant 0 : i32
      %dma_start3A_143 = arith.constant 0 : i32
      %dma_start3A_144 = tpu.memref_slice %arg9[%dma_start3A_142, %dma_start3A_143] : memref<10240x64xf32, #tpu.memory_space<vmem_shared>> -> memref<10240x64xf32, #tpu.memory_space<vmem_shared>>
      tpu.enqueue_indirect_dma source(%dma_start3A_138 : memref<128x64xf32, #tpu.memory_space<vmem>>) target(%dma_start3A_144 : memref<10240x64xf32, #tpu.memory_space<vmem_shared>>) offsets(%dma_start3A_141 : memref<128xi32, #tpu.memory_space<vmem>>) semaphore(%arg11 : memref<!tpu.dma_semaphore, #tpu.memory_space<semaphore_mem>>) {add = true}
      %dma_wait3A_145 = arith.constant 3 : i32
      %dma_wait3A_146 = arith.constant 384 : i32
      %dma_wait3A_147 = arith.constant 0 : i32
      %dma_wait3A_148 = tpu.memref_slice %arg8[%dma_wait3A_146, %dma_wait3A_147] : memref<512x64xf32, #tpu.memory_space<vmem>> -> memref<128x64xf32, #tpu.memory_space<vmem>>
      %dma_wait3A_149 = arith.constant 0 : i32
      %dma_wait3A_150 = tpu.memref_slice %arg6[%dma_wait3A_145, %dma_wait3A_149] : memref<4x128xi32, #tpu.memory_space<vmem>> -> memref<1x128xi32, #tpu.memory_space<vmem>>
      %dma_wait3A_151 = tpu.memref_squeeze %dma_wait3A_150 : memref<1x128xi32, #tpu.memory_space<vmem>> -> memref<128xi32, #tpu.memory_space<vmem>>
      %dma_wait3A_152 = arith.constant 0 : i32
      %dma_wait3A_153 = arith.constant 0 : i32
      %dma_wait3A_154 = tpu.memref_slice %arg4[%arg0, %dma_wait3A_152, %dma_wait3A_153] : memref<2x10000x64xf32, #tpu.memory_space<hbm>> -> memref<1x10000x64xf32, #tpu.memory_space<hbm>>
      %dma_wait3A_155 = tpu.memref_squeeze %dma_wait3A_154 : memref<1x10000x64xf32, #tpu.memory_space<hbm>> -> memref<10000x64xf32, #tpu.memory_space<hbm>>
      %dma_wait3A_156 = arith.constant 0 : i32
      %dma_wait3A_157 = arith.constant 0 : i32
      %dma_wait3A_158 = tpu.memref_slice %dma_wait3A_155[%dma_wait3A_156, %dma_wait3A_157] : memref<10000x64xf32, #tpu.memory_space<hbm>> -> memref<10000x64xf32, #tpu.memory_space<hbm>>
      tpu.wait_indirect_dma semaphore(%arg10 : memref<!tpu.dma_semaphore, #tpu.memory_space<semaphore_mem>>) src(%dma_wait3A_158 : memref<10000x64xf32, #tpu.memory_space<hbm>>) dst(%dma_wait3A_148 : memref<128x64xf32, #tpu.memory_space<vmem>>)
      %dma_start3A_159 = arith.constant 3 : i32
      %dma_start3A_160 = arith.constant 384 : i32
      %dma_start3A_161 = arith.constant 0 : i32
      %dma_start3A_162 = tpu.memref_slice %arg8[%dma_start3A_160, %dma_start3A_161] : memref<512x64xf32, #tpu.memory_space<vmem>> -> memref<128x64xf32, #tpu.memory_space<vmem>>
      %dma_start3A_163 = arith.constant 0 : i32
      %dma_start3A_164 = tpu.memref_slice %arg7[%dma_start3A_159, %dma_start3A_163] : memref<4x128xi32, #tpu.memory_space<vmem>> -> memref<1x128xi32, #tpu.memory_space<vmem>>
      %dma_start3A_165 = tpu.memref_squeeze %dma_start3A_164 : memref<1x128xi32, #tpu.memory_space<vmem>> -> memref<128xi32, #tpu.memory_space<vmem>>
      %dma_start3A_166 = arith.constant 0 : i32
      %dma_start3A_167 = arith.constant 0 : i32
      %dma_start3A_168 = tpu.memref_slice %arg9[%dma_start3A_166, %dma_start3A_167] : memref<10240x64xf32, #tpu.memory_space<vmem_shared>> -> memref<10240x64xf32, #tpu.memory_space<vmem_shared>>
      tpu.enqueue_indirect_dma source(%dma_start3A_162 : memref<128x64xf32, #tpu.memory_space<vmem>>) target(%dma_start3A_168 : memref<10240x64xf32, #tpu.memory_space<vmem_shared>>) offsets(%dma_start3A_165 : memref<128xi32, #tpu.memory_space<vmem>>) semaphore(%arg11 : memref<!tpu.dma_semaphore, #tpu.memory_space<semaphore_mem>>) {add = true}
      %dma_wait3A_169 = arith.constant 0 : i32
      %dma_wait3A_170 = arith.constant 0 : i32
      %dma_wait3A_171 = arith.constant 0 : i32
      %dma_wait3A_172 = tpu.memref_slice %arg8[%dma_wait3A_170, %dma_wait3A_171] : memref<512x64xf32, #tpu.memory_space<vmem>> -> memref<128x64xf32, #tpu.memory_space<vmem>>
      %dma_wait3A_173 = arith.constant 0 : i32
      %dma_wait3A_174 = tpu.memref_slice %arg7[%dma_wait3A_169, %dma_wait3A_173] : memref<4x128xi32, #tpu.memory_space<vmem>> -> memref<1x128xi32, #tpu.memory_space<vmem>>
      %dma_wait3A_175 = tpu.memref_squeeze %dma_wait3A_174 : memref<1x128xi32, #tpu.memory_space<vmem>> -> memref<128xi32, #tpu.memory_space<vmem>>
      %dma_wait3A_176 = arith.constant 0 : i32
      %dma_wait3A_177 = arith.constant 0 : i32
      %dma_wait3A_178 = tpu.memref_slice %arg9[%dma_wait3A_176, %dma_wait3A_177] : memref<10240x64xf32, #tpu.memory_space<vmem_shared>> -> memref<10240x64xf32, #tpu.memory_space<vmem_shared>>
      tpu.wait_indirect_dma semaphore(%arg11 : memref<!tpu.dma_semaphore, #tpu.memory_space<semaphore_mem>>) src(%dma_wait3A_172 : memref<128x64xf32, #tpu.memory_space<vmem>>) dst(%dma_wait3A_178 : memref<10240x64xf32, #tpu.memory_space<vmem_shared>>)
      %dma_wait3A_179 = arith.constant 1 : i32
      %dma_wait3A_180 = arith.constant 128 : i32
      %dma_wait3A_181 = arith.constant 0 : i32
      %dma_wait3A_182 = tpu.memref_slice %arg8[%dma_wait3A_180, %dma_wait3A_181] : memref<512x64xf32, #tpu.memory_space<vmem>> -> memref<128x64xf32, #tpu.memory_space<vmem>>
      %dma_wait3A_183 = arith.constant 0 : i32
      %dma_wait3A_184 = tpu.memref_slice %arg7[%dma_wait3A_179, %dma_wait3A_183] : memref<4x128xi32, #tpu.memory_space<vmem>> -> memref<1x128xi32, #tpu.memory_space<vmem>>
      %dma_wait3A_185 = tpu.memref_squeeze %dma_wait3A_184 : memref<1x128xi32, #tpu.memory_space<vmem>> -> memref<128xi32, #tpu.memory_space<vmem>>
      %dma_wait3A_186 = arith.constant 0 : i32
      %dma_wait3A_187 = arith.constant 0 : i32
      %dma_wait3A_188 = tpu.memref_slice %arg9[%dma_wait3A_186, %dma_wait3A_187] : memref<10240x64xf32, #tpu.memory_space<vmem_shared>> -> memref<10240x64xf32, #tpu.memory_space<vmem_shared>>
      tpu.wait_indirect_dma semaphore(%arg11 : memref<!tpu.dma_semaphore, #tpu.memory_space<semaphore_mem>>) src(%dma_wait3A_182 : memref<128x64xf32, #tpu.memory_space<vmem>>) dst(%dma_wait3A_188 : memref<10240x64xf32, #tpu.memory_space<vmem_shared>>)
      %dma_wait3A_189 = arith.constant 2 : i32
      %dma_wait3A_190 = arith.constant 256 : i32
      %dma_wait3A_191 = arith.constant 0 : i32
      %dma_wait3A_192 = tpu.memref_slice %arg8[%dma_wait3A_190, %dma_wait3A_191] : memref<512x64xf32, #tpu.memory_space<vmem>> -> memref<128x64xf32, #tpu.memory_space<vmem>>
      %dma_wait3A_193 = arith.constant 0 : i32
      %dma_wait3A_194 = tpu.memref_slice %arg7[%dma_wait3A_189, %dma_wait3A_193] : memref<4x128xi32, #tpu.memory_space<vmem>> -> memref<1x128xi32, #tpu.memory_space<vmem>>
      %dma_wait3A_195 = tpu.memref_squeeze %dma_wait3A_194 : memref<1x128xi32, #tpu.memory_space<vmem>> -> memref<128xi32, #tpu.memory_space<vmem>>
      %dma_wait3A_196 = arith.constant 0 : i32
      %dma_wait3A_197 = arith.constant 0 : i32
      %dma_wait3A_198 = tpu.memref_slice %arg9[%dma_wait3A_196, %dma_wait3A_197] : memref<10240x64xf32, #tpu.memory_space<vmem_shared>> -> memref<10240x64xf32, #tpu.memory_space<vmem_shared>>
      tpu.wait_indirect_dma semaphore(%arg11 : memref<!tpu.dma_semaphore, #tpu.memory_space<semaphore_mem>>) src(%dma_wait3A_192 : memref<128x64xf32, #tpu.memory_space<vmem>>) dst(%dma_wait3A_198 : memref<10240x64xf32, #tpu.memory_space<vmem_shared>>)
      %dma_wait3A_199 = arith.constant 3 : i32
      %dma_wait3A_200 = arith.constant 384 : i32
      %dma_wait3A_201 = arith.constant 0 : i32
      %dma_wait3A_202 = tpu.memref_slice %arg8[%dma_wait3A_200, %dma_wait3A_201] : memref<512x64xf32, #tpu.memory_space<vmem>> -> memref<128x64xf32, #tpu.memory_space<vmem>>
      %dma_wait3A_203 = arith.constant 0 : i32
      %dma_wait3A_204 = tpu.memref_slice %arg7[%dma_wait3A_199, %dma_wait3A_203] : memref<4x128xi32, #tpu.memory_space<vmem>> -> memref<1x128xi32, #tpu.memory_space<vmem>>
      %dma_wait3A_205 = tpu.memref_squeeze %dma_wait3A_204 : memref<1x128xi32, #tpu.memory_space<vmem>> -> memref<128xi32, #tpu.memory_space<vmem>>
      %dma_wait3A_206 = arith.constant 0 : i32
      %dma_wait3A_207 = arith.constant 0 : i32
      %dma_wait3A_208 = tpu.memref_slice %arg9[%dma_wait3A_206, %dma_wait3A_207] : memref<10240x64xf32, #tpu.memory_space<vmem_shared>> -> memref<10240x64xf32, #tpu.memory_space<vmem_shared>>
      tpu.wait_indirect_dma semaphore(%arg11 : memref<!tpu.dma_semaphore, #tpu.memory_space<semaphore_mem>>) src(%dma_wait3A_202 : memref<128x64xf32, #tpu.memory_space<vmem>>) dst(%dma_wait3A_208 : memref<10240x64xf32, #tpu.memory_space<vmem_shared>>)
    } else {
    }
    %barrier3A_18 = arith.constant 0 : index
    tpu.barrier barrier_id(%barrier3A_18)
    "tpu.region"() ({
      %run_scoped3A = tpu.sem_alloc : memref<!tpu.dma_semaphore, #tpu.memory_space<semaphore_mem>>
      %dma_start3A = arith.constant 0 : i32
      %dma_start3A_19 = tpu.memref_slice %arg5[%arg0, %mul3A_2, %dma_start3A] : memref<2x10240x64xf32, #tpu.memory_space<hbm>> -> memref<1x640x64xf32, #tpu.memory_space<hbm>>
      %dma_start3A_20 = tpu.memref_squeeze %dma_start3A_19 : memref<1x640x64xf32, #tpu.memory_space<hbm>> -> memref<640x64xf32, #tpu.memory_space<hbm>>
      %dma_start3A_21 = arith.constant 0 : i32
      %dma_start3A_22 = tpu.memref_slice %arg9[%mul3A_2, %dma_start3A_21] : memref<10240x64xf32, #tpu.memory_space<vmem_shared>> -> memref<640x64xf32, #tpu.memory_space<vmem_shared>>
      tpu.enqueue_dma source(%dma_start3A_22 : memref<640x64xf32, #tpu.memory_space<vmem_shared>>) target(%dma_start3A_20 : memref<640x64xf32, #tpu.memory_space<hbm>>) target_semaphore(%run_scoped3A : memref<!tpu.dma_semaphore, #tpu.memory_space<semaphore_mem>>)
      %dma_wait3A = arith.constant 0 : i32
      %dma_wait3A_23 = tpu.memref_slice %arg5[%arg0, %mul3A_2, %dma_wait3A] : memref<2x10240x64xf32, #tpu.memory_space<hbm>> -> memref<1x640x64xf32, #tpu.memory_space<hbm>>
      %dma_wait3A_24 = tpu.memref_squeeze %dma_wait3A_23 : memref<1x640x64xf32, #tpu.memory_space<hbm>> -> memref<640x64xf32, #tpu.memory_space<hbm>>
      %dma_wait3A_25 = arith.constant 0 : i32
      %dma_wait3A_26 = tpu.memref_slice %arg9[%mul3A_2, %dma_wait3A_25] : memref<10240x64xf32, #tpu.memory_space<vmem_shared>> -> memref<640x64xf32, #tpu.memory_space<vmem_shared>>
      tpu.wait_dma2 semaphore(%run_scoped3A : memref<!tpu.dma_semaphore, #tpu.memory_space<semaphore_mem>>) src(%dma_wait3A_26 : memref<640x64xf32, #tpu.memory_space<vmem_shared>>) dst(%dma_wait3A_24 : memref<640x64xf32, #tpu.memory_space<hbm>>)
      tpu.yield
    }) : () -> ()
    return
  }
}

module attributes {stable_mosaic.version = 14 : i64} {
  func.func @_tc_body(%arg0: i32, %arg1: memref<2x1000x64xf32, #tpu.memory_space<vmem>>, %arg2: memref<1000x16xf32, #tpu.memory_space<vmem>>, %arg3: memref<2x1000x64xf32, #tpu.memory_space<vmem>>, %arg4: memref<128x128xf32, #tpu.memory_space<vmem>>, %arg5: memref<128x128xf32, #tpu.memory_space<vmem>>, %arg6: memref<1x128xf32, #tpu.memory_space<vmem>>, %arg7: memref<1000x128xf32, #tpu.memory_space<vmem>>, %arg8: memref<2x1000x64xf32, #tpu.memory_space<vmem>>) attributes {dimension_semantics = [#tpu.dimension_semantics<arbitrary>], iteration_bounds = array<i64: 10>, scalar_prefetch = 0 : i64, scratch_operands = 0 : i64, tpu.core_type = #tpu.core_type<tc>, window_params = [{transform_indices = @transform_0, window_bounds = array<i64: 2, 1000, 64>}, {transform_indices = @transform_1, window_bounds = array<i64: 1000, 16>}, {transform_indices = @transform_2, window_bounds = array<i64: 2, 1000, 64>}, {pipeline_mode = #tpu.pipeline_mode<synchronous>, transform_indices = @transform_3, window_bounds = array<i64: 128, 128>}, {pipeline_mode = #tpu.pipeline_mode<synchronous>, transform_indices = @transform_4, window_bounds = array<i64: 128, 128>}, {pipeline_mode = #tpu.pipeline_mode<synchronous>, transform_indices = @transform_5, window_bounds = array<i64: 1, 128>}, {transform_indices = @transform_6, window_bounds = array<i64: 1000, 128>}, {transform_indices = @transform_7, window_bounds = array<i64: 2, 1000, 64>}]} {
    %get3A = arith.constant 0 : index
    %get3A_0 = arith.constant 0 : index
    %get3A_1 = vector.load %arg2[%get3A, %get3A_0] : memref<1000x16xf32, #tpu.memory_space<vmem>>, vector<1000x1xf32>
    %get3A_2 = vector.shape_cast %get3A_1 : vector<1000x1xf32> to vector<1000xf32>
    %max3A = arith.constant 1.000000e+00 : f32
    %max3A_3 = vector.broadcast %max3A : f32 to vector<1000xf32>
    %max3A_4 = arith.maximumf %get3A_2, %max3A_3 : vector<1000xf32>
    %div3A = arith.constant 1.000000e+00 : f32
    %div3A_5 = vector.broadcast %div3A : f32 to vector<1000xf32>
    %div3A_6 = arith.divf %div3A_5, %max3A_4 : vector<1000xf32>
    %get3A_7 = arith.constant 0 : index
    %get3A_8 = arith.constant 0 : index
    %get3A_9 = arith.constant 0 : index
    %get3A_10 = vector.load %arg1[%get3A_7, %get3A_8, %get3A_9] : memref<2x1000x64xf32, #tpu.memory_space<vmem>>, vector<1x1000x64xf32>
    %get3A_11 = vector.shape_cast %get3A_10 : vector<1x1000x64xf32> to vector<1000x64xf32>
    %get3A_12 = arith.constant 1 : index
    %get3A_13 = arith.constant 0 : index
    %get3A_14 = arith.constant 0 : index
    %get3A_15 = vector.load %arg1[%get3A_12, %get3A_13, %get3A_14] : memref<2x1000x64xf32, #tpu.memory_space<vmem>>, vector<1x1000x64xf32>
    %get3A_16 = vector.shape_cast %get3A_15 : vector<1x1000x64xf32> to vector<1000x64xf32>
    %concatenate3A = tpu.concatenate %get3A_11, %get3A_16 in 1 : vector<1000x64xf32>, vector<1000x64xf32> -> vector<1000x128xf32>
    %broadcast_in_dim3A = vector.shape_cast %div3A_6 : vector<1000xf32> to vector<1000x1xf32>
    %mul3A = vector.broadcast %broadcast_in_dim3A : vector<1000x1xf32> to vector<1000x128xf32>
    %mul3A_17 = arith.mulf %concatenate3A, %mul3A : vector<1000x128xf32>
    %get3A_18 = arith.constant 0 : index
    %get3A_19 = arith.constant 0 : index
    %get3A_20 = arith.constant 0 : index
    %get3A_21 = vector.load %arg3[%get3A_18, %get3A_19, %get3A_20] : memref<2x1000x64xf32, #tpu.memory_space<vmem>>, vector<1x1000x64xf32>
    %get3A_22 = vector.shape_cast %get3A_21 : vector<1x1000x64xf32> to vector<1000x64xf32>
    %get3A_23 = arith.constant 1 : index
    %get3A_24 = arith.constant 0 : index
    %get3A_25 = arith.constant 0 : index
    %get3A_26 = vector.load %arg3[%get3A_23, %get3A_24, %get3A_25] : memref<2x1000x64xf32, #tpu.memory_space<vmem>>, vector<1x1000x64xf32>
    %get3A_27 = vector.shape_cast %get3A_26 : vector<1x1000x64xf32> to vector<1000x64xf32>
    %concatenate3A_28 = tpu.concatenate %get3A_22, %get3A_27 in 1 : vector<1000x64xf32>, vector<1000x64xf32> -> vector<1000x128xf32>
    %get3A_29 = arith.constant 0 : index
    %get3A_30 = arith.constant 0 : index
    %get3A_31 = vector.load %arg4[%get3A_29, %get3A_30] : memref<128x128xf32, #tpu.memory_space<vmem>>, vector<128x128xf32>
    %dot_general3A = arith.constant dense<0.000000e+00> : vector<1000x128xf32>
    %dot_general3A_32 = tpu.matmul %mul3A_17, %get3A_31, %dot_general3A {dimension_numbers = #tpu.dot_dimension_numbers<[1], [1], [0], [0], [0, 0, 1, 0], [], []>, transpose_lhs_hint = false} : vector<1000x128xf32>, vector<128x128xf32>, vector<1000x128xf32> -> vector<1000x128xf32>
    %get3A_33 = arith.constant 0 : index
    %get3A_34 = arith.constant 0 : index
    %get3A_35 = vector.load %arg5[%get3A_33, %get3A_34] : memref<128x128xf32, #tpu.memory_space<vmem>>, vector<128x128xf32>
    %dot_general3A_36 = arith.constant dense<0.000000e+00> : vector<1000x128xf32>
    %dot_general3A_37 = tpu.matmul %concatenate3A_28, %get3A_35, %dot_general3A_36 {dimension_numbers = #tpu.dot_dimension_numbers<[1], [1], [0], [0], [0, 0, 1, 0], [], []>, transpose_lhs_hint = false} : vector<1000x128xf32>, vector<128x128xf32>, vector<1000x128xf32> -> vector<1000x128xf32>
    %add3A = arith.addf %dot_general3A_32, %dot_general3A_37 : vector<1000x128xf32>
    %get3A_38 = arith.constant 0 : index
    %get3A_39 = arith.constant 0 : index
    %get3A_40 = vector.load %arg6[%get3A_38, %get3A_39] : memref<1x128xf32, #tpu.memory_space<vmem>>, vector<1x128xf32>
    %add3A_41 = vector.broadcast %get3A_40 : vector<1x128xf32> to vector<1000x128xf32>
    %add3A_42 = arith.addf %add3A, %add3A_41 : vector<1000x128xf32>
    %max3A_43 = arith.constant 0.000000e+00 : f32
    %max3A_44 = vector.broadcast %max3A_43 : f32 to vector<1000x128xf32>
    %max3A_45 = arith.maximumf %add3A_42, %max3A_44 : vector<1000x128xf32>
    %swap3A = arith.constant 0 : index
    %swap3A_46 = arith.constant 0 : index
    %swap3A_47 = vector.load %arg7[%swap3A, %swap3A_46] : memref<1000x128xf32, #tpu.memory_space<vmem>>, vector<1000x128xf32>
    tpu.vector_store %arg7[%swap3A, %swap3A_46], %max3A_45 {strides = array<i32>} : memref<1000x128xf32, #tpu.memory_space<vmem>>, vector<1000x128xf32>,
    %slice3A = vector.extract_strided_slice %max3A_45 {offsets = [0, 0], sizes = [1000, 64], strides = [1, 1]} : vector<1000x128xf32> to vector<1000x64xf32>
    %swap3A_48 = arith.constant 0 : index
    %swap3A_49 = arith.constant 0 : index
    %swap3A_50 = arith.constant 0 : index
    %swap3A_51 = vector.load %arg8[%swap3A_48, %swap3A_49, %swap3A_50] : memref<2x1000x64xf32, #tpu.memory_space<vmem>>, vector<1x1000x64xf32>
    %swap3A_52 = vector.shape_cast %swap3A_51 : vector<1x1000x64xf32> to vector<1000x64xf32>
    %swap3A_53 = vector.shape_cast %slice3A : vector<1000x64xf32> to vector<1x1000x64xf32>
    tpu.vector_store %arg8[%swap3A_48, %swap3A_49, %swap3A_50], %swap3A_53 {strides = array<i32>} : memref<2x1000x64xf32, #tpu.memory_space<vmem>>, vector<1x1000x64xf32>,
    %slice3A_54 = vector.extract_strided_slice %max3A_45 {offsets = [0, 64], sizes = [1000, 64], strides = [1, 1]} : vector<1000x128xf32> to vector<1000x64xf32>
    %swap3A_55 = arith.constant 1 : index
    %swap3A_56 = arith.constant 0 : index
    %swap3A_57 = arith.constant 0 : index
    %swap3A_58 = vector.load %arg8[%swap3A_55, %swap3A_56, %swap3A_57] : memref<2x1000x64xf32, #tpu.memory_space<vmem>>, vector<1x1000x64xf32>
    %swap3A_59 = vector.shape_cast %swap3A_58 : vector<1x1000x64xf32> to vector<1000x64xf32>
    %swap3A_60 = vector.shape_cast %slice3A_54 : vector<1000x64xf32> to vector<1x1000x64xf32>
    tpu.vector_store %arg8[%swap3A_55, %swap3A_56, %swap3A_57], %swap3A_60 {strides = array<i32>} : memref<2x1000x64xf32, #tpu.memory_space<vmem>>, vector<1x1000x64xf32>,
    return
  }
  func.func @transform_0(%arg0: i32) -> (i32, i32, i32) {
    %c0_i32 = arith.constant 0 : i32
    %c0_i32_0 = arith.constant 0 : i32
    %c0_i32_1 = arith.constant 0 : i32
    return %c0_i32, %arg0, %c0_i32_0 : i32, i32, i32
  }
  func.func @transform_1(%arg0: i32) -> (i32, i32) {
    %c0_i32 = arith.constant 0 : i32
    %c0_i32_0 = arith.constant 0 : i32
    return %arg0, %c0_i32 : i32, i32
  }
  func.func @transform_2(%arg0: i32) -> (i32, i32, i32) {
    %c0_i32 = arith.constant 0 : i32
    %c0_i32_0 = arith.constant 0 : i32
    %c0_i32_1 = arith.constant 0 : i32
    return %c0_i32, %arg0, %c0_i32_0 : i32, i32, i32
  }
  func.func @transform_3(%arg0: i32) -> (i32, i32) {
    %c0_i32 = arith.constant 0 : i32
    %c0_i32_0 = arith.constant 0 : i32
    %c0_i32_1 = arith.constant 0 : i32
    return %c0_i32, %c0_i32_0 : i32, i32
  }
  func.func @transform_4(%arg0: i32) -> (i32, i32) {
    %c0_i32 = arith.constant 0 : i32
    %c0_i32_0 = arith.constant 0 : i32
    %c0_i32_1 = arith.constant 0 : i32
    return %c0_i32, %c0_i32_0 : i32, i32
  }
  func.func @transform_5(%arg0: i32) -> (i32, i32) {
    %c0_i32 = arith.constant 0 : i32
    %c0_i32_0 = arith.constant 0 : i32
    %c0_i32_1 = arith.constant 0 : i32
    return %c0_i32, %c0_i32_0 : i32, i32
  }
  func.func @transform_6(%arg0: i32) -> (i32, i32) {
    %c0_i32 = arith.constant 0 : i32
    %c0_i32_0 = arith.constant 0 : i32
    return %arg0, %c0_i32 : i32, i32
  }
  func.func @transform_7(%arg0: i32) -> (i32, i32, i32) {
    %c0_i32 = arith.constant 0 : i32
    %c0_i32_0 = arith.constant 0 : i32
    %c0_i32_1 = arith.constant 0 : i32
    return %c0_i32, %arg0, %c0_i32_0 : i32, i32, i32
  }
}

module attributes {stable_mosaic.version = 14 : i64} {
  func.func @_tc_body(%arg0: i32, %arg1: memref<2x1000x64xf32, #tpu.memory_space<vmem>>, %arg2: memref<1000x16xf32, #tpu.memory_space<vmem>>, %arg3: memref<2x1000x64xf32, #tpu.memory_space<vmem>>, %arg4: memref<128x128xf32, #tpu.memory_space<vmem>>, %arg5: memref<128x128xf32, #tpu.memory_space<vmem>>, %arg6: memref<1x128xf32, #tpu.memory_space<vmem>>, %arg7: memref<1000x128xf32, #tpu.memory_space<vmem>>, %arg8: memref<2x1000x64xf32, #tpu.memory_space<vmem>>) attributes {dimension_semantics = [#tpu.dimension_semantics<arbitrary>], iteration_bounds = array<i64: 10>, scalar_prefetch = 0 : i64, scratch_operands = 0 : i64, tpu.core_type = #tpu.core_type<tc>, window_params = [{transform_indices = @transform_0, window_bounds = array<i64: 2, 1000, 64>}, {transform_indices = @transform_1, window_bounds = array<i64: 1000, 16>}, {transform_indices = @transform_2, window_bounds = array<i64: 2, 1000, 64>}, {pipeline_mode = #tpu.pipeline_mode<synchronous>, transform_indices = @transform_3, window_bounds = array<i64: 128, 128>}, {pipeline_mode = #tpu.pipeline_mode<synchronous>, transform_indices = @transform_4, window_bounds = array<i64: 128, 128>}, {pipeline_mode = #tpu.pipeline_mode<synchronous>, transform_indices = @transform_5, window_bounds = array<i64: 1, 128>}, {transform_indices = @transform_6, window_bounds = array<i64: 1000, 128>}, {transform_indices = @transform_7, window_bounds = array<i64: 2, 1000, 64>}]} {
    %get3A = arith.constant 0 : index
    %get3A_0 = arith.constant 0 : index
    %get3A_1 = vector.load %arg2[%get3A, %get3A_0] : memref<1000x16xf32, #tpu.memory_space<vmem>>, vector<1000x1xf32>
    %get3A_2 = vector.shape_cast %get3A_1 : vector<1000x1xf32> to vector<1000xf32>
    %max3A = arith.constant 1.000000e+00 : f32
    %max3A_3 = vector.broadcast %max3A : f32 to vector<1000xf32>
    %max3A_4 = arith.maximumf %get3A_2, %max3A_3 : vector<1000xf32>
    %div3A = arith.constant 1.000000e+00 : f32
    %div3A_5 = vector.broadcast %div3A : f32 to vector<1000xf32>
    %div3A_6 = arith.divf %div3A_5, %max3A_4 : vector<1000xf32>
    %get3A_7 = arith.constant 0 : index
    %get3A_8 = arith.constant 0 : index
    %get3A_9 = arith.constant 0 : index
    %get3A_10 = vector.load %arg1[%get3A_7, %get3A_8, %get3A_9] : memref<2x1000x64xf32, #tpu.memory_space<vmem>>, vector<1x1000x64xf32>
    %get3A_11 = vector.shape_cast %get3A_10 : vector<1x1000x64xf32> to vector<1000x64xf32>
    %get3A_12 = arith.constant 1 : index
    %get3A_13 = arith.constant 0 : index
    %get3A_14 = arith.constant 0 : index
    %get3A_15 = vector.load %arg1[%get3A_12, %get3A_13, %get3A_14] : memref<2x1000x64xf32, #tpu.memory_space<vmem>>, vector<1x1000x64xf32>
    %get3A_16 = vector.shape_cast %get3A_15 : vector<1x1000x64xf32> to vector<1000x64xf32>
    %concatenate3A = tpu.concatenate %get3A_11, %get3A_16 in 1 : vector<1000x64xf32>, vector<1000x64xf32> -> vector<1000x128xf32>
    %broadcast_in_dim3A = vector.shape_cast %div3A_6 : vector<1000xf32> to vector<1000x1xf32>
    %mul3A = vector.broadcast %broadcast_in_dim3A : vector<1000x1xf32> to vector<1000x128xf32>
    %mul3A_17 = arith.mulf %concatenate3A, %mul3A : vector<1000x128xf32>
    %get3A_18 = arith.constant 0 : index
    %get3A_19 = arith.constant 0 : index
    %get3A_20 = arith.constant 0 : index
    %get3A_21 = vector.load %arg3[%get3A_18, %get3A_19, %get3A_20] : memref<2x1000x64xf32, #tpu.memory_space<vmem>>, vector<1x1000x64xf32>
    %get3A_22 = vector.shape_cast %get3A_21 : vector<1x1000x64xf32> to vector<1000x64xf32>
    %get3A_23 = arith.constant 1 : index
    %get3A_24 = arith.constant 0 : index
    %get3A_25 = arith.constant 0 : index
    %get3A_26 = vector.load %arg3[%get3A_23, %get3A_24, %get3A_25] : memref<2x1000x64xf32, #tpu.memory_space<vmem>>, vector<1x1000x64xf32>
    %get3A_27 = vector.shape_cast %get3A_26 : vector<1x1000x64xf32> to vector<1000x64xf32>
    %concatenate3A_28 = tpu.concatenate %get3A_22, %get3A_27 in 1 : vector<1000x64xf32>, vector<1000x64xf32> -> vector<1000x128xf32>
    %get3A_29 = arith.constant 0 : index
    %get3A_30 = arith.constant 0 : index
    %get3A_31 = vector.load %arg4[%get3A_29, %get3A_30] : memref<128x128xf32, #tpu.memory_space<vmem>>, vector<128x128xf32>
    %dot_general3A = arith.constant dense<0.000000e+00> : vector<1000x128xf32>
    %dot_general3A_32 = tpu.matmul %mul3A_17, %get3A_31, %dot_general3A {dimension_numbers = #tpu.dot_dimension_numbers<[1], [1], [0], [0], [0, 0, 1, 0], [], []>, transpose_lhs_hint = false} : vector<1000x128xf32>, vector<128x128xf32>, vector<1000x128xf32> -> vector<1000x128xf32>
    %get3A_33 = arith.constant 0 : index
    %get3A_34 = arith.constant 0 : index
    %get3A_35 = vector.load %arg5[%get3A_33, %get3A_34] : memref<128x128xf32, #tpu.memory_space<vmem>>, vector<128x128xf32>
    %dot_general3A_36 = arith.constant dense<0.000000e+00> : vector<1000x128xf32>
    %dot_general3A_37 = tpu.matmul %concatenate3A_28, %get3A_35, %dot_general3A_36 {dimension_numbers = #tpu.dot_dimension_numbers<[1], [1], [0], [0], [0, 0, 1, 0], [], []>, transpose_lhs_hint = false} : vector<1000x128xf32>, vector<128x128xf32>, vector<1000x128xf32> -> vector<1000x128xf32>
    %add3A = arith.addf %dot_general3A_32, %dot_general3A_37 : vector<1000x128xf32>
    %get3A_38 = arith.constant 0 : index
    %get3A_39 = arith.constant 0 : index
    %get3A_40 = vector.load %arg6[%get3A_38, %get3A_39] : memref<1x128xf32, #tpu.memory_space<vmem>>, vector<1x128xf32>
    %add3A_41 = vector.broadcast %get3A_40 : vector<1x128xf32> to vector<1000x128xf32>
    %add3A_42 = arith.addf %add3A, %add3A_41 : vector<1000x128xf32>
    %swap3A = arith.constant 0 : index
    %swap3A_43 = arith.constant 0 : index
    %swap3A_44 = vector.load %arg7[%swap3A, %swap3A_43] : memref<1000x128xf32, #tpu.memory_space<vmem>>, vector<1000x128xf32>
    tpu.vector_store %arg7[%swap3A, %swap3A_43], %add3A_42 {strides = array<i32>} : memref<1000x128xf32, #tpu.memory_space<vmem>>, vector<1000x128xf32>,
    %slice3A = vector.extract_strided_slice %add3A_42 {offsets = [0, 0], sizes = [1000, 64], strides = [1, 1]} : vector<1000x128xf32> to vector<1000x64xf32>
    %swap3A_45 = arith.constant 0 : index
    %swap3A_46 = arith.constant 0 : index
    %swap3A_47 = arith.constant 0 : index
    %swap3A_48 = vector.load %arg8[%swap3A_45, %swap3A_46, %swap3A_47] : memref<2x1000x64xf32, #tpu.memory_space<vmem>>, vector<1x1000x64xf32>
    %swap3A_49 = vector.shape_cast %swap3A_48 : vector<1x1000x64xf32> to vector<1000x64xf32>
    %swap3A_50 = vector.shape_cast %slice3A : vector<1000x64xf32> to vector<1x1000x64xf32>
    tpu.vector_store %arg8[%swap3A_45, %swap3A_46, %swap3A_47], %swap3A_50 {strides = array<i32>} : memref<2x1000x64xf32, #tpu.memory_space<vmem>>, vector<1x1000x64xf32>,
    %slice3A_51 = vector.extract_strided_slice %add3A_42 {offsets = [0, 64], sizes = [1000, 64], strides = [1, 1]} : vector<1000x128xf32> to vector<1000x64xf32>
    %swap3A_52 = arith.constant 1 : index
    %swap3A_53 = arith.constant 0 : index
    %swap3A_54 = arith.constant 0 : index
    %swap3A_55 = vector.load %arg8[%swap3A_52, %swap3A_53, %swap3A_54] : memref<2x1000x64xf32, #tpu.memory_space<vmem>>, vector<1x1000x64xf32>
    %swap3A_56 = vector.shape_cast %swap3A_55 : vector<1x1000x64xf32> to vector<1000x64xf32>
    %swap3A_57 = vector.shape_cast %slice3A_51 : vector<1000x64xf32> to vector<1x1000x64xf32>
    tpu.vector_store %arg8[%swap3A_52, %swap3A_53, %swap3A_54], %swap3A_57 {strides = array<i32>} : memref<2x1000x64xf32, #tpu.memory_space<vmem>>, vector<1x1000x64xf32>,
    return
  }
  func.func @transform_0(%arg0: i32) -> (i32, i32, i32) {
    %c0_i32 = arith.constant 0 : i32
    %c0_i32_0 = arith.constant 0 : i32
    %c0_i32_1 = arith.constant 0 : i32
    return %c0_i32, %arg0, %c0_i32_0 : i32, i32, i32
  }
  func.func @transform_1(%arg0: i32) -> (i32, i32) {
    %c0_i32 = arith.constant 0 : i32
    %c0_i32_0 = arith.constant 0 : i32
    return %arg0, %c0_i32 : i32, i32
  }
  func.func @transform_2(%arg0: i32) -> (i32, i32, i32) {
    %c0_i32 = arith.constant 0 : i32
    %c0_i32_0 = arith.constant 0 : i32
    %c0_i32_1 = arith.constant 0 : i32
    return %c0_i32, %arg0, %c0_i32_0 : i32, i32, i32
  }
  func.func @transform_3(%arg0: i32) -> (i32, i32) {
    %c0_i32 = arith.constant 0 : i32
    %c0_i32_0 = arith.constant 0 : i32
    %c0_i32_1 = arith.constant 0 : i32
    return %c0_i32, %c0_i32_0 : i32, i32
  }
  func.func @transform_4(%arg0: i32) -> (i32, i32) {
    %c0_i32 = arith.constant 0 : i32
    %c0_i32_0 = arith.constant 0 : i32
    %c0_i32_1 = arith.constant 0 : i32
    return %c0_i32, %c0_i32_0 : i32, i32
  }
  func.func @transform_5(%arg0: i32) -> (i32, i32) {
    %c0_i32 = arith.constant 0 : i32
    %c0_i32_0 = arith.constant 0 : i32
    %c0_i32_1 = arith.constant 0 : i32
    return %c0_i32, %c0_i32_0 : i32, i32
  }
  func.func @transform_6(%arg0: i32) -> (i32, i32) {
    %c0_i32 = arith.constant 0 : i32
    %c0_i32_0 = arith.constant 0 : i32
    return %arg0, %c0_i32 : i32, i32
  }
  func.func @transform_7(%arg0: i32) -> (i32, i32, i32) {
    %c0_i32 = arith.constant 0 : i32
    %c0_i32_0 = arith.constant 0 : i32
    %c0_i32_1 = arith.constant 0 : i32
    return %c0_i32, %arg0, %c0_i32_0 : i32, i32, i32
  }
}

</mosaic_0001>

<sc_bundles>
// kernel: kernel.6.cloned.1.call-start
scs
__scs_entry_jumppad:
0x0: {  	(pc) =	sbr.rel $0x88, $3  }
0x1: {  	(tag) =	ssettag $0x0;
	lr =	simm.s32 $0x1  }
0x2: {  	[smem:$0x3F99] =	sst lr;
	_ =	strace $0xD0000000  }
0x3: {  	_ = 	snop  }
0x4: {  	_ = 	snop  }
0x5: {  	_ = 	snop  }
0x6: {  	_ = 	snop  }
0x7: {  	_ = 	snop  }
__scs_overlays_trampoline_lowered:
0x8: {  	[smem:$0x3FA8] =	sst s0  }
0x9: {  	[smem:$0x3FA9] =	sst s1  }
0xa: {  	[smem:$0x3FAA] =	sst s2  }
0xb: {  	[smem:$0x3FAB] =	sst s3  }
0xc: {  	[smem:$0x3FAC] =	sst s4  }
0xd: {  	[smem:$0x3FAD] =	sst s5  }
0xe: {  	[smem:$0x3FAE] =	sst s6  }
0xf: {  	[smem:$0x3FAF] =	sst s7  }
0x10: {  	[smem:$0x3FB0] =	sst s8  }
0x11: {  	[smem:$0x3FB1] =	sst s9;
	s0 =	simm.s32 @!p0 $0x0  }
0x12: {  	s1 =	sld [smem:$0x3F97];
	s0 =	simm.s32 @p0 $0x1  }
0x13: {  	[smem:$0x3FB2] =	sst s0;
	s0 =	simm.s32 @!p1 $0x0  }
0x14: {  	s2 =	sld [smem:$0x3F96];
	s0 =	simm.s32 @p1 $0x1  }
0x15: {  	[smem:$0x3FB3] =	sst s0;
	s0 =	simm.s32 @!p2 $0x0  }
0x16: {  	s3 =	sld [smem:$0x3FDB];
	s0 =	simm.s32 @p2 $0x1  }
0x17: {  	s4 =	simm.s32 $0x1BF5;
	[smem:$0x3FB5] =	sst s0  }
0x18: {  	s0 =	sld [smem:$0x3F98];
	_ =	swait.ge [sflag:s4], $0x0  }
0x19: {  	s7 =	sld [smem:$0x3F99]  }
0x1a: {  	s8 =	sadd.s32 $0xFFFFE003, lr  }
0x1b: {  	s9 =	sadd.s32 $0xFFFFFEF7, lr;
	s5 =	simm.s32 $0xFFFFFFFF;
	p2 =	slt.u32 s8, $0xFFFFF086  }
0x1c: {  	p1 =	slt.u32 s9, $0xF7A;
	s5 =	simm.s32 @!p2 $0x0  }
0x1d: {  	s5 =	simm.s32 @p1 $0x1;
	p0 =	seq.s32 s7, s2  }
0x1e: {  	s7 =	smul.u32 @!p0 $0xF7A, s2;
	p2 =	seq.s32 @!p0 s5, $0x0  }
0x1f: {  	s9 =	smul.u32 $0xF7A, s1;
	s8 =	simm.s32 @!p0 $0x1BF5;
	p2 =	por !p2, p0  }
0x20: {  	[sflag:s8] =	ssyncset.s32 @!p0 $0xFFFFF086;
	s6 =	sadd.s32 @!p0 s3, s7;
	s7 =	simm.s32 @!p0 $0x108  }
0x21: {  	s3 =	sadd.s32 s3, s9;
	s6 =	sadd.s32 @!p0 $0x88, s6;
	s7 =	simm.s32 @p2 $0x1082  }
0x22: {  	[simem:s7], [sflag:s8] =	dma.local @!p0 [hbm:s6], $0xF7A  }
0x23: {  	s9 =	sor.u32 $0xD0000000, s2;
	s6 =	simm.s32 $0x108;
	_ =	swait.ge @!p0 [sflag:s8], $0x0  }
0x24: {  	s3 =	sadd.s32 $0x88, s3;
	s6 =	simm.s32 @!p1 $0x1082;
	[sflag:s4] =	ssyncset.s32 $0xFFFFF086  }
0x25: {  	[simem:s6], [sflag:s4] =	dma.local [hbm:s3], $0xF7A  }
0x26: {  	[smem:$0x3F99] =	sst s1;
	(tag) =	ssettag s2;
	_ =	strace s9  }
0x27: {  	s1 =	sld [smem:$0x3FA9]  }
0x28: {  	s2 =	sld [smem:$0x3FAA]  }
0x29: {  	s4 =	sld [smem:$0x3FAC]  }
0x2a: {  	p0 =	seq.s32 s5, $0x0;
	s5 =	sld [smem:$0x3FAD]  }
0x2b: {  	s6 =	sld [smem:$0x3FAE]  }
0x2c: {  	s7 =	sld [smem:$0x3FAF]  }
0x2d: {  	s3 =	simm.s32 $0x108;
	s8 =	sld [smem:$0x3FB0]  }
0x2e: {  	s3 =	simm.s32 @!p0 $0x1082;
	s9 =	sld [smem:$0x3FB1]  }
0x2f: {  	lr =	sadd.s32 s0, s3;
	s0 =	sld [smem:$0x3FA8]  }
0x30: {  	s3 =	sld [smem:$0x3FAB]  }
0x31: {  	[smem:$0x3FB4] =	sst s10  }
0x32: {  	s10 =	sld [smem:$0x3FB2];
	_ =	sdelay $0x3  }
0x33: {  	p0 =	seq.s32 s10, $0x1;
	s10 =	sld [smem:$0x3FB4];
	_ =	sdelay $0x3  }
0x34: {  	[smem:$0x3FB4] =	sst s10  }
0x35: {  	s10 =	sld [smem:$0x3FB3];
	_ =	sdelay $0x3  }
0x36: {  	p1 =	seq.s32 s10, $0x1;
	s10 =	sld [smem:$0x3FB4];
	_ =	sdelay $0x3  }
0x37: {  	[smem:$0x3FB4] =	sst s10  }
0x38: {  	s10 =	sld [smem:$0x3FB5]  }
0x39: {  	_ = 	snop;
	(pc) =	sbr.ind lr, $3  }
0x3a: {  	_ = 	snop  }
0x3b: {  	_ = 	snop  }
0x3c: {  	p2 =	seq.s32 s10, $0x1;
	s10 =	sld [smem:$0x3FB4]  }
0x3d: {  	_ =	shalt  }
0x3e: {  	_ =	shalt  }
0x3f: {  	_ =	shalt  }
0x40: {  	_ =	shalt  }
0x41: {  	_ =	shalt  }
0x42: {  	_ =	shalt  }
0x43: {  	_ =	shalt  }
0x44: {  	_ =	shalt  }
0x45: {  	_ =	shalt  }
0x46: {  	_ =	shalt  }
0x47: {  	_ =	shalt  }
0x48: {  	_ =	shalt  }
0x49: {  	_ =	shalt  }
0x4a: {  	_ =	shalt  }
0x4b: {  	_ =	shalt  }
0x4c: {  	_ =	shalt  }
0x4d: {  	_ =	shalt  }
0x4e: {  	_ =	shalt  }
0x4f: {  	_ =	shalt  }
0x50: {  	_ =	shalt  }
0x51: {  	_ =	shalt  }
0x52: {  	_ =	shalt  }
0x53: {  	_ =	shalt  }
0x54: {  	_ =	shalt  }
0x55: {  	_ =	shalt  }
0x56: {  	_ =	shalt  }
0x57: {  	_ =	shalt  }
0x58: {  	_ =	shalt  }
0x59: {  	_ =	shalt  }
0x5a: {  	_ =	shalt  }
0x5b: {  	_ =	shalt  }
0x5c: {  	_ =	shalt  }
0x5d: {  	_ =	shalt  }
0x5e: {  	_ =	shalt  }
0x5f: {  	_ =	shalt  }
0x60: {  	_ =	shalt  }
0x61: {  	_ =	shalt  }
0x62: {  	_ =	shalt  }
0x63: {  	_ =	shalt  }
0x64: {  	_ =	shalt  }
0x65: {  	_ =	shalt  }
0x66: {  	_ =	shalt  }
0x67: {  	_ =	shalt  }
0x68: {  	_ =	shalt  }
0x69: {  	_ =	shalt  }
0x6a: {  	_ =	shalt  }
0x6b: {  	_ =	shalt  }
0x6c: {  	_ =	shalt  }
0x6d: {  	_ =	shalt  }
0x6e: {  	_ =	shalt  }
0x6f: {  	_ =	shalt  }
0x70: {  	_ =	shalt  }
0x71: {  	_ =	shalt  }
0x72: {  	_ =	shalt  }
0x73: {  	_ =	shalt  }
0x74: {  	_ =	shalt  }
0x75: {  	_ =	shalt  }
0x76: {  	_ =	shalt  }
0x77: {  	_ =	shalt  }
0x78: {  	_ =	shalt  }
0x79: {  	_ =	shalt  }
0x7a: {  	_ =	shalt  }
0x7b: {  	_ =	shalt  }
0x7c: {  	_ =	shalt  }
0x7d: {  	_ =	shalt  }
0x7e: {  	_ =	shalt  }
0x7f: {  	_ =	shalt  }
0x80: {  	_ =	shalt  }
0x81: {  	_ =	shalt  }
0x82: {  	_ =	shalt  }
0x83: {  	_ =	shalt  }
0x84: {  	_ =	shalt  }
0x85: {  	_ =	shalt  }
0x86: {  	_ =	shalt  }
0x87: {  	_ =	shalt  }
.Lfunc_end0:
.L_simem_size_0:
called_computation_lowered:
.L_overlay_start_0:
0x88: {  	s2 =	sld [smem:$0x3FD9]  }
0x89: {  	s3 =	sld [smem:$0x3FFE];
	_ =	sdelay $0x1  }
0x8a: {  	s1 =	srdreg.scid  }
0x8b: {  	s0 =	sand.u32 $0x1, s1  }
0x8c: {  	s17 =	sshll.u32 s0, $0xA;
	s2 =	sadd.s32 s3, s2  }
0x8d: {  	s2 =	sadd.s32 s2, s17  }
0x8e: {  	[smem:$0x3FC0] =	sst s2  }
0x8f: {  	_ = 	snop  }
0x90: {  	s2 =	sld [smem:$0x3FD0];
	(tm) =	ssettm $0x1  }
0x91: {  	s18 =	sld [smem:$0x3FFB];
	_ =	sdelay $0x3  }
0x92: {  	_ =	strace s18  }
0x93: {  	s3 =	sld [smem:$0x3FFC];
	_ =	sdelay $0x3  }
0x94: {  	_ =	strace s3  }
0x95: {  	s3 =	sld [smem:$0x3FFD];
	_ =	sdelay $0x3  }
0x96: {  	_ =	strace s3  }
0x97: {  	_ =	strace $0x8FFFFFFF  }
0x98: {  	s19 =	sld [smem:$0x3FDB];
	_ =	sdelay $0x1  }
0x99: {  	s4 =	simm.s32 $_scs_section_size  }
0x9a: {  	s5 =	simm.s32 $_size__tile_overlayer_lowered;
	s6 =	simm.s32 $_tile_overlayer_lowered  }
0x9b: {  	s22 =	simm.s32 $0x1BFF;
	s21 =	sshll.u32 s6, $0x1;
	s3 =	sadd.s32 s4, s19  }
0x9c: {  	s7 =	simm.s32 $0x0;
	s20 =	sshll.u32 s5, $0x1;
	s5 =	sadd.s32 s21, s3  }
0x9d: {  	[timem:s7], [sflag:s22] =	dma.local [hbm:s5], s20  }
0x9e: {  	_ =	swait.ge [sflag:s22], s20  }
0x9f: {  	s4 =	ssub.s32 $0x0, s20;
	[sflag:s22] =	ssyncset.done $0x0  }
0xa0: {  	[sflag:s22] =	ssyncadd.s32 s4;
	_ =	sdelay $0x1  }
0xa1: {  	s23 =	simm.s32 $0x1B8B  }
0xa2: {  	_ =	swait.ge [sflag:s23], $0x1  }
0xa3: {  	[sflag:s23] =	ssyncset.done $0x0  }
0xa4: {  	s25 =	simm.s32 $0x1B8E;
	s24 =	sld [smem:$0x3FFE];
	[sflag:s23] =	ssyncadd.s32 $0xFFFFFFFF  }
0xa5: {  	s26 =	simm.s32 $execute0_lowered;
	[smem:$0x3FD2] =	sst s25  }
0xa6: {  	s5 =	sshll.u32 s26, $0x1;
	_ =	strace $0x80000046;
	[dreg:$0x1] =	wrdreg $0xFFFFFFFF  }
0xa7: {  	s28 =	simm.s32 $_size_execute0_lowered;
	s3 =	sadd.s32 s3, s5;
	[dreg:$0x0] =	wrdreg $0x0  }
0xa8: {  	s5 =	sshll.u32 s28, $0x1;
	[dreg:$0x2] =	wrdreg s3  }
0xa9: {  	[dreg:$0x3] =	wrdreg s5  }
0xaa: {  	[dreg:$0x4] =	wrdreg $0xC0  }
0xab: {  	_ =	task [dreg:s7], $0x5FFFF  }
0xac: {  	[dreg:$0x1] =	wrdreg $0xFFFFFFFF  }
0xad: {  	[dreg:$0x0] =	wrdreg $0x60  }
0xae: {  	[dreg:$0x2] =	wrdreg s24  }
0xaf: {  	[dreg:$0x3] =	wrdreg s2  }
0xb0: {  	[dreg:$0x4] =	wrdreg $0x84000  }
0xb1: {  	[dreg:$0x5] =	wrdreg $0x130000  }
0xb2: {  	[dreg:$0x6] =	wrdreg $0x9  }
0xb3: {  	_ =	task.clear_ibuf [dreg:s7], $0x7FFFF;
	_ =	strace $0x90000046  }
0xb4: {  	s29 =	simm.s32 $0x9;
	_ =	strace $0x80000048  }
0xb5: {  	_ =	swait.ge [sflag:s29], $0x1  }
0xb6: {  	[sflag:s29] =	ssyncadd.s32 $0xFFFFFFFF  }
0xb7: {  	_ =	strace $0x90000048  }
0xb8: {  	_ =	sfence  }
0xb9: {  	s30 =	sld [smem:$0x0];
	_ =	sdelay $0x2  }
0xba: {  	s31 =	sshll.u32 s1, $0xD;
	s1 =	sshrl.u32 s1, $0x2  }
0xbb: {  	s3 =	sand.u32 $0x4000, s31;
	s1 =	sadd.s32 s1, s30  }
0xbc: {  	s0 =	sor.u32 s3, s0;
	s1 =	sshll.u32 s1, $0x11  }
0xbd: {  	s0 =	sor.u32 s1, s0  }
0xbe: {  	s0 =	sadd.s32 $0x8F2B, s0  }
0xbf: {  	[sflag:s0] =	ssyncadd.remote.s32 $0x1  }
0xc0: {  	_ =	sfence.sel $0xFFFF  }
0xc1: {  	[dreg:$0x0] =	wrdreg $0xFFFFFFFF;
	(pc) =	sbr.abs _section_cstart, $3  }
0xc2: {  	[dreg:$0x1] =	wrdreg $0xFFFFFFFF  }
0xc3: {  	_ =	task.clear_ibuf [dreg:s7], $0x2FFFF;
	_ =	strace $0x9FFFFFFF  }
0xc4: {  	(tm) =	ssettm $0x7FFFFFFF  }
0xc5: {  	_ =	shalt  }
tec
execute0_lowered:
.L_overlay_start_1:
0x0: {  	(tag) =	ssettag $0x1  }
0x1: {  	s0 =	rddreg [dreg:$0x0]  }
0x2: {  	s1 =	rddreg [dreg:$0x1]  }
0x3: {  	s2 =	rddreg [dreg:$0x2];
	s15 =	stileid.u32  }
0x4: {  	s4 =	srdreg.scid;
	s6 =	smul.u32 $0xA000, s15  }
0x5: {  	s3 =	rddreg [dreg:$0x3];
	s28 =	simm.s32 $0x4;
	s8 =	smul.u32 $0x9C0, s15  }
0x6: {  	s30 =	simm.s32 $0x200;
	s31 =	simm.s32 $0x80;
	s9 =	smul.u32 $0x2800, s15  }
0x7: {  	s5 =	sand.u32 $0x1, s4;
	s4 =	simm.s32 $0x0;
	s10 =	smul.u32 $0x280, s15  }
0x8: {  	s24 =	sadd.s32 $0x15800, s0;
	p1 =	sne.s32 s15, $0xF;
	s15 =	simm.s32 $0x380  }
0x9: {  	s7 =	smul.u32 $0xA0000, s5;
	[smem:$0x7FF] =	sst s4;
	s12 =	ssub.s32 $0x2, s5  }
0xa: {  	s21 =	smul.u32 $0x13880, s5;
	p0 =	sne.s32 s5, $0x0;
	_ =	strace $0x80000047  }
0xb: {  	s8 =	sadd.s32 s8, s0;
	s11 =	sshrl.u32 s9, $0x3;
	s10 =	sadd.s32 $0x200, s10  }
0xc: {  	s14 =	sshrl.u32 s6, $0x2;
	s18 =	sadd.s32 s6, s2;
	[dreg:$0x11] =	wrdreg s24  }
0xd: {  	s25 =	sshll.u32 s10, $0x6;
	s29 =	sadd.s32 s14, s3;
	[dreg:$0x5] =	wrdreg s18  }
0xe: {  	s13 =	sshrl.u32 s12, $0x1;
	s26 =	sadd.s32 s25, s2;
	[dreg:$0x7] =	wrdreg s29  }
0xf: {  	s7 =	sadd.s32 s6, s7;
	s14 =	sadd.s32 $0x400, s29;
	[dreg:$0x6] =	wrdreg s26  }
0x10: {  	s11 =	sadd.s32 s11, s0;
	s16 =	sadd.s32 $0x800, s29;
	[dreg:$0x8] =	wrdreg s14  }
0x11: {  	s12 =	ssub.s32 s12, s13;
	s17 =	sadd.s32 $0xC00, s29;
	[dreg:$0x9] =	wrdreg s16  }
0x12: {  	s10 =	sshll.u32 s10, $0x4;
	s19 =	sadd.s32 $0x1000, s29;
	[dreg:$0xa] =	wrdreg s17  }
0x13: {  	s24 =	sadd.s32 $0xBC00, s8;
	s20 =	sadd.s32 $0x1400, s29;
	[dreg:$0xb] =	wrdreg s19  }
0x14: {  	s13 =	simm.s32 $0x280;
	s22 =	sadd.s32 $0x1C00, s29;
	[dreg:$0xc] =	wrdreg s20  }
0x15: {  	s7 =	sshrl.u32 s7, $0x3;
	s10 =	sadd.s32 s10, s3;
	[dreg:$0xe] =	wrdreg s22  }
0x16: {  	s23 =	sadd.s32 $0x2400, s29;
	s7 =	sadd.s32 s7, s0;
	[dreg:$0xf] =	wrdreg s10  }
0x17: {  	s14 =	sadd.s32 $0x1800, s29;
	[dreg:$0x10] =	wrdreg s23;
	s17 =	sadd.s32 s1, s21  }
0x18: {  	s0 =	sadd.s32 $0xBA00, s0;
	s26 =	sadd.s32 $0x63C00, s11;
	s29 =	smax.u32 s12, $0x1  }
0x19: {  	s23 =	sadd.s32 $0x1E00, s8;
	s1 =	simm.s32 $0x2400;
	s8 =	simm.s32 $0x100  }
0x1a: {  	s10 =	simm.s32 $0x180;
	s11 =	simm.s32 $0x6400;
	[dreg:$0xd] =	wrdreg s14  }
.Ltmp0:
0x1b: {  	s12 =	simm.s32 $0x1;
	[dreg:$0x12] =	wrdreg s0;
	(pc) =	sbr.rel .LBB2_1-.Ltmp0, $4  }
0x1c: {  	s16 =	simm.s32 $0x2;
	s22 =	simm.s32 $0x0;
	[dreg:$0x14] =	wrdreg s26  }
0x1d: {  	s25 =	sadd.s32 $0x68C00, s7;
	s0 =	sadd.s32 s9, s3;
	[dreg:$0x15] =	wrdreg s29  }
0x1e: {  	s26 =	simm.s32 $0x400;
	[dreg:$0x13] =	wrdreg s25;
	s0 =	sshrl.u32 @!p0 s0, $0x3  }
0x1f: {  	v0 =	vimm.f32 $0.0e+00;
	v1 =	vimm.f32 $1.000000000e+00;
	s9 =	simm.s32 $0x4400;
	s14 =	simm.s32 $0x300;
	[dreg:$0x16] =	wrdreg s0  }
.LBB2_13:
0x20: {  	s0 =	stileid.u32;
	[bflag:$0x0] =	sbarrier.arrive $0xFFFF  }
0x21: {  	s0 =	sshll.u32 s0, $0x6;
	s18 =	rddreg [dreg:$0x5]  }
0x22: {  	s6 =	rddreg [dreg:$0x13];
	s0 =	sor.u32 $0x1C04, s0;
	s5 =	sshrl.u32 s18, $0x3  }
0x23: {  	[hbm:s6], [sflag:s0] =	dma.local [spmem:s5], $0x1400  }
0x24: {  	_ =	swait.ge [sflag:s28], $0x1400  }
0x25: {  	[sflag:s28] =	ssyncset.done $0x0;
	s5 =	rddreg [dreg:$0x14]  }
0x26: {  	s6 =	rddreg [dreg:$0x16];
	[sflag:s28] =	ssyncadd.s32 $0xFFFFEC00  }
0x27: {  	[hbm:s5], [sflag:s0] =	dma.local @!p0 [spmem:s6], $0x500  }
0x28: {  	s0 =	simm.s32 @!p0 $0x4  }
0x29: {  	_ =	swait.ge @!p0 [sflag:s0], $0x500  }
0x2a: {  	s22 =	sadd.s32 $0x1, s22;
	s29 =	rddreg [dreg:$0x15]  }
0x2b: {  	p2 =	sne.s32 s22, s29  }
.Ltmp1:
0x2c: {  	_ = 	snop;
	(pc) =	sbr.rel @!p2 .LBB2_14-.Ltmp1, $3  }
0x2d: {  	_ =	sdelay $0x1  }
0x2e: {  	[sflag:s0] =	ssyncset.done @!p0 $0x0  }
0x2f: {  	[sflag:s0] =	ssyncadd.s32 @!p0 $0xFFFFFB00  }
.LBB2_1:
0x30: {  	[dreg:$0x17] =	wrdreg s22;
	s5 =	simm.s32 $0x100;
	s0 =	simm.s32 $0x0  }
.LBB2_2:
0x31: {  	p2 =	sne.s32 s5, $0x1FF00;
	[tilespmem:s0+$0x430] =	vst v0;
	s6 =	smov.u32 s5;
	s5 =	sadd.s32 $0x100, s5  }
.Ltmp2:
0x32: {  	[tilespmem:s0+$0x420] =	vst v0;
	(pc) =	sbr.rel @p2 .LBB2_2-.Ltmp2, $3  }
0x33: {  	[tilespmem:s0+$0x400] =	vst v0  }
0x34: {  	[tilespmem:s0+$0x410] =	vst v0;
	_ =	sdelay $0x1  }
0x35: {  	s0 =	sshra.s32 s6, $0x2  }
0x36: {  	[tilespmem:s0+$0x430] =	vst v0  }
0x37: {  	[tilespmem:s0+$0x420] =	vst v0  }
0x38: {  	[tilespmem:s0+$0x400] =	vst v0  }
0x39: {  	[tilespmem:s0+$0x410] =	vst v0  }
0x3a: {  	[spmem:s18] =	stream.linear.scatter [tilespmem:s26], [sflag:$0x4], $0x8000, $0x38;
	[tilespmem:$0x15800] =	vst v63  }
0x3b: {  	_ =	swait.ge [sflag:s28], $0x8000  }
0x3c: {  	[sflag:s28] =	ssyncset.done $0x0  }
.Ltmp3:
0x3d: {  	s29 =	rddreg [dreg:$0x6];
	[sflag:s28] =	ssyncadd.s32 $0xFFFF8000;
	(pc) =	sbr.rel @p0 .LBB2_9-.Ltmp3, $4  }
0x3e: {  	[spmem:s29] =	stream.linear.scatter [tilespmem:s26], [sflag:$0x4], $0x2000, $0x38;
	[tilespmem:$0x15800] =	vst v63  }
0x3f: {  	_ =	swait.ge [sflag:s28], $0x2000  }
0x40: {  	[sflag:s28] =	ssyncset.done $0x0  }
0x41: {  	[sflag:s28] =	ssyncadd.s32 $0xFFFFE000  }
0x42: {  	s0 =	simm.s32 $0x40;
	s5 =	simm.s32 $0x0  }
.LBB2_5:
0x43: {  	p2 =	sne.s32 s0, $0xFC0;
	[tilespmem:s5+$0x12C00] =	vst v0;
	s5 =	smov.u32 s0;
	s0 =	sadd.s32 $0x40, s0  }
.Ltmp4:
0x44: {  	(pc) =	sbr.rel @p2 .LBB2_5-.Ltmp4, $2  }
0x45: {  	_ =	sdelay $0x2  }
0x46: {  	s5 =	sshra.s32 s5, $0x2  }
0x47: {  	[tilespmem:s5+$0x12C00] =	vst v0;
	s0 =	simm.s32 $0x40;
	s5 =	simm.s32 $0x0  }
.LBB2_7:
0x48: {  	p2 =	sne.s32 s0, $0x1FC0;
	[tilespmem:s5+$0x12400] =	vst v1;
	s5 =	smov.u32 s0;
	s0 =	sadd.s32 $0x40, s0  }
.Ltmp5:
0x49: {  	(pc) =	sbr.rel @p2 .LBB2_7-.Ltmp5, $2  }
0x4a: {  	_ =	sdelay $0x2  }
0x4b: {  	s5 =	sshra.s32 s5, $0x2  }
0x4c: {  	[tilespmem:s5+$0x12400] =	vst v1;
	s0 =	rddreg [dreg:$0x7];
	s5 =	simm.s32 $0x12C00  }
0x4d: {  	[spmem:s0] =	stream.linear.scatter [tilespmem:s5], [sflag:$0x4], $0x400, $0x38;
	[tilespmem:$0x15800] =	vst v63  }
0x4e: {  	_ =	swait.ge [sflag:s28], $0x400  }
0x4f: {  	[sflag:s28] =	ssyncset.done $0x0  }
0x50: {  	s6 =	rddreg [dreg:$0x8];
	[sflag:s28] =	ssyncadd.s32 $0xFFFFFC00  }
0x51: {  	[spmem:s6] =	stream.linear.scatter [tilespmem:s5], [sflag:$0x4], $0x400, $0x38;
	[tilespmem:$0x15800] =	vst v63  }
0x52: {  	_ =	swait.ge [sflag:s28], $0x400  }
0x53: {  	[sflag:s28] =	ssyncset.done $0x0  }
0x54: {  	s7 =	rddreg [dreg:$0x9];
	[sflag:s28] =	ssyncadd.s32 $0xFFFFFC00  }
0x55: {  	[spmem:s7] =	stream.linear.scatter [tilespmem:s5], [sflag:$0x4], $0x400, $0x38;
	[tilespmem:$0x15800] =	vst v63  }
0x56: {  	_ =	swait.ge [sflag:s28], $0x400  }
0x57: {  	[sflag:s28] =	ssyncset.done $0x0  }
0x58: {  	s18 =	rddreg [dreg:$0xa];
	[sflag:s28] =	ssyncadd.s32 $0xFFFFFC00  }
0x59: {  	[spmem:s18] =	stream.linear.scatter [tilespmem:s5], [sflag:$0x4], $0x400, $0x38;
	[tilespmem:$0x15800] =	vst v63  }
0x5a: {  	_ =	swait.ge [sflag:s28], $0x400  }
0x5b: {  	[sflag:s28] =	ssyncset.done $0x0  }
0x5c: {  	s19 =	rddreg [dreg:$0xb];
	[sflag:s28] =	ssyncadd.s32 $0xFFFFFC00  }
0x5d: {  	[spmem:s19] =	stream.linear.scatter [tilespmem:s5], [sflag:$0x4], $0x400, $0x38;
	[tilespmem:$0x15800] =	vst v63  }
0x5e: {  	_ =	swait.ge [sflag:s28], $0x400  }
0x5f: {  	[sflag:s28] =	ssyncset.done $0x0  }
0x60: {  	s20 =	rddreg [dreg:$0xc];
	[sflag:s28] =	ssyncadd.s32 $0xFFFFFC00  }
0x61: {  	[spmem:s20] =	stream.linear.scatter [tilespmem:s5], [sflag:$0x4], $0x400, $0x38;
	[tilespmem:$0x15800] =	vst v63  }
0x62: {  	_ =	swait.ge [sflag:s28], $0x400  }
0x63: {  	[sflag:s28] =	ssyncset.done $0x0  }
0x64: {  	s21 =	rddreg [dreg:$0xd];
	[sflag:s28] =	ssyncadd.s32 $0xFFFFFC00  }
0x65: {  	[spmem:s21] =	stream.linear.scatter [tilespmem:s5], [sflag:$0x4], $0x400, $0x38;
	[tilespmem:$0x15800] =	vst v63  }
0x66: {  	_ =	swait.ge [sflag:s28], $0x400  }
0x67: {  	[sflag:s28] =	ssyncset.done $0x0  }
0x68: {  	s22 =	rddreg [dreg:$0xe];
	[sflag:s28] =	ssyncadd.s32 $0xFFFFFC00  }
0x69: {  	[spmem:s22] =	stream.linear.scatter [tilespmem:s5], [sflag:$0x4], $0x400, $0x38;
	[tilespmem:$0x15800] =	vst v63  }
0x6a: {  	_ =	swait.ge [sflag:s28], $0x400  }
0x6b: {  	[sflag:s28] =	ssyncset.done $0x0  }
0x6c: {  	s25 =	rddreg [dreg:$0xf];
	[sflag:s28] =	ssyncadd.s32 $0xFFFFFC00  }
0x6d: {  	[spmem:s25] =	stream.linear.scatter [tilespmem:s5], [sflag:$0x4], $0x400, $0x38;
	[tilespmem:$0x15800] =	vst v63  }
0x6e: {  	_ =	swait.ge [sflag:s28], $0x400  }
0x6f: {  	[sflag:s28] =	ssyncset.done $0x0  }
0x70: {  	s29 =	rddreg [dreg:$0x10];
	[sflag:s28] =	ssyncadd.s32 $0xFFFFFC00  }
0x71: {  	[spmem:s29] =	stream.linear.scatter [tilespmem:s5], [sflag:$0x4], $0x400, $0x38;
	[tilespmem:$0x15800] =	vst v63  }
0x72: {  	_ =	swait.ge [sflag:s28], $0x400  }
0x73: {  	[sflag:s28] =	ssyncset.done $0x0  }
0x74: {  	[sflag:s28] =	ssyncadd.s32 $0xFFFFFC00  }
.LBB2_9:
0x75: {  	[bflag:$0x0] =	sbarrier.arrive $0xFFFF;
	s0 =	sadd.s32 $0x0, s24  }
0x76: {  	[tilespmem:s4], [sflag:$0x4] =	stream.linear.gather [hbm4b:s0+s4], $0x200, $0x38;
	[tilespmem:$0x15800] =	vst v63  }
0x77: {  	_ =	swait.ge [sflag:s28], $0x200  }
0x78: {  	[sflag:s28] =	ssyncset.done $0x0  }
0x79: {  	s29 =	sadd.s32 $0x0, s23;
	[sflag:s28] =	ssyncadd.s32 $0xFFFFFE00  }
0x7a: {  	[tilespmem:s30], [sflag:$0x4] =	stream.linear.gather [hbm4b:s29+s4], $0x200, $0x38;
	[tilespmem:$0x15800] =	vst v63  }
0x7b: {  	_ =	swait.ge [sflag:s28], $0x200  }
0x7c: {  	[sflag:s28] =	ssyncset.done $0x0  }
0x7d: {  	[sflag:s28] =	ssyncadd.s32 $0xFFFFFE00  }
0x7e: {  	[tilespmem:s26], [sflag:$0x1] =	stream.indirect.gather [hbm4b:s17+s31], $0x40, s4, s31, $0xb8;
	[tilespmem:$0x15800] =	vst v63  }
0x7f: {  	_ = 	snop  }
0x80: {  	[tilespmem:s1], [sflag:$0x1] =	stream.indirect.gather [hbm4b:s17+s31], $0x40, s31, s31, $0xb8;
	[tilespmem:$0x15800] =	vst v63  }
0x81: {  	_ = 	snop  }
0x82: {  	[tilespmem:s9], [sflag:$0x1] =	stream.indirect.gather [hbm4b:s17+s31], $0x40, s8, s31, $0xb8;
	[tilespmem:$0x15800] =	vst v63  }
0x83: {  	_ = 	snop  }
0x84: {  	[tilespmem:s11], [sflag:$0x1] =	stream.indirect.gather [hbm4b:s17+s31], $0x40, s10, s31, $0xb8;
	[tilespmem:$0x15800] =	vst v63  }
0x85: {  	_ =	swait.ge [sflag:s12], $0x2000  }
0x86: {  	[sflag:s12] =	ssyncset.done $0x0  }
0x87: {  	[sflag:s12] =	ssyncadd.s32 $0xFFFFE000  }
0x88: {  	[spmem:s2] =	stream.indirect.scatter.add.f32 [tilespmem:s26], [sflag:$0x2], $0x40, s30, s31, $0xb8;
	[tilespmem:$0x15800] =	vst v63  }
0x89: {  	_ =	swait.ge [sflag:s12], $0x2000  }
0x8a: {  	[sflag:s12] =	ssyncset.done $0x0  }
0x8b: {  	[sflag:s12] =	ssyncadd.s32 $0xFFFFE000  }
0x8c: {  	[spmem:s2] =	stream.indirect.scatter.add.f32 [tilespmem:s1], [sflag:$0x2], $0x40, s13, s31, $0xb8;
	[tilespmem:$0x15800] =	vst v63  }
0x8d: {  	_ =	swait.ge [sflag:s12], $0x2000  }
0x8e: {  	[sflag:s12] =	ssyncset.done $0x0  }
0x8f: {  	[sflag:s12] =	ssyncadd.s32 $0xFFFFE000  }
0x90: {  	[spmem:s2] =	stream.indirect.scatter.add.f32 [tilespmem:s9], [sflag:$0x2], $0x40, s14, s31, $0xb8;
	[tilespmem:$0x15800] =	vst v63  }
0x91: {  	_ =	swait.ge [sflag:s12], $0x2000  }
0x92: {  	[sflag:s12] =	ssyncset.done $0x0  }
0x93: {  	[sflag:s12] =	ssyncadd.s32 $0xFFFFE000  }
0x94: {  	[spmem:s2] =	stream.indirect.scatter.add.f32 [tilespmem:s11], [sflag:$0x2], $0x40, s15, s31, $0xb8;
	[tilespmem:$0x15800] =	vst v63  }
0x95: {  	s19 =	simm.s32 @!p0 $0x80;
	s7 =	simm.s32 @!p0 $0x12400;
	s0 =	simm.s32 @!p0 $0x200  }
0x96: {  	[spmem:s3] =	stream.indirect.scatter.add.f32 @!p0 [tilespmem:s7], [sflag:$0x3], $0x10, s0, s19, $0xb8;
	[tilespmem:$0x15800] =	vst v63  }
0x97: {  	s6 =	simm.s32 @!p0 $0x280  }
0x98: {  	[spmem:s3] =	stream.indirect.scatter.add.f32 @!p0 [tilespmem:s7], [sflag:$0x3], $0x10, s6, s19, $0xb8;
	[tilespmem:$0x15800] =	vst v63  }
0x99: {  	s20 =	simm.s32 @!p0 $0x300  }
0x9a: {  	[spmem:s3] =	stream.indirect.scatter.add.f32 @!p0 [tilespmem:s7], [sflag:$0x3], $0x10, s20, s19, $0xb8;
	[tilespmem:$0x15800] =	vst v63  }
0x9b: {  	s21 =	simm.s32 @!p0 $0x380;
	s22 =	simm.s32 @!p0 $0x3  }
0x9c: {  	[spmem:s3] =	stream.indirect.scatter.add.f32 @!p0 [tilespmem:s7], [sflag:$0x3], $0x10, s21, s19, $0xb8;
	[tilespmem:$0x15800] =	vst v63  }
0x9d: {  	_ =	swait.ge @!p0 [sflag:s22], $0x800  }
0x9e: {  	[sflag:s22] =	ssyncset.done @!p0 $0x0  }
0x9f: {  	[sflag:s22] =	ssyncadd.s32 @!p0 $0xFFFFF800  }
0xa0: {  	_ =	swait.ge @!p0 [sflag:s22], $0x800  }
0xa1: {  	[sflag:s22] =	ssyncset.done @!p0 $0x0  }
0xa2: {  	[sflag:s22] =	ssyncadd.s32 @!p0 $0xFFFFF800  }
0xa3: {  	_ =	swait.ge @!p0 [sflag:s22], $0x800  }
0xa4: {  	[sflag:s22] =	ssyncset.done @!p0 $0x0  }
0xa5: {  	[sflag:s22] =	ssyncadd.s32 @!p0 $0xFFFFF800  }
0xa6: {  	_ =	swait.ge @!p0 [sflag:s22], $0x800  }
0xa7: {  	[sflag:s22] =	ssyncset.done @!p0 $0x0  }
0xa8: {  	[sflag:s22] =	ssyncadd.s32 @!p0 $0xFFFFF800  }
0xa9: {  	_ =	swait.ge [sflag:s16], $0x2000  }
0xaa: {  	[sflag:s16] =	ssyncset.done $0x0  }
0xab: {  	[sflag:s16] =	ssyncadd.s32 $0xFFFFE000  }
0xac: {  	_ =	swait.ge [sflag:s16], $0x2000  }
0xad: {  	[sflag:s16] =	ssyncset.done $0x0  }
0xae: {  	[sflag:s16] =	ssyncadd.s32 $0xFFFFE000  }
0xaf: {  	_ =	swait.ge [sflag:s16], $0x2000  }
0xb0: {  	[sflag:s16] =	ssyncset.done $0x0  }
0xb1: {  	[sflag:s16] =	ssyncadd.s32 $0xFFFFE000  }
0xb2: {  	_ =	swait.ge [sflag:s16], $0x2000  }
0xb3: {  	s25 =	simm.s32 $0x40;
	s5 =	simm.s32 $0x80;
	[sflag:s16] =	ssyncset.done $0x0  }
.LBB2_10:
0xb4: {  	s29 =	sadd.s32 s25, s24  }
0xb5: {  	[sflag:s16] =	ssyncadd.s32 $0xFFFFE000;
	s18 =	smov.u32 s5;
	s5 =	sadd.s32 $0x40, s5  }
0xb6: {  	[tilespmem:s4], [sflag:$0x4] =	stream.linear.gather [hbm4b:s29+s4], $0x200, $0x38;
	[tilespmem:$0x15800] =	vst v63  }
0xb7: {  	p2 =	sne.s32 s5, $0x9C0;
	_ =	swait.ge [sflag:s28], $0x200  }
0xb8: {  	[sflag:s28] =	ssyncset.done $0x0  }
0xb9: {  	s29 =	sadd.s32 s25, s23;
	s25 =	smov.u32 s18;
	[sflag:s28] =	ssyncadd.s32 $0xFFFFFE00  }
0xba: {  	[tilespmem:s30], [sflag:$0x4] =	stream.linear.gather [hbm4b:s29+s4], $0x200, $0x38;
	[tilespmem:$0x15800] =	vst v63  }
0xbb: {  	_ =	swait.ge [sflag:s28], $0x200  }
0xbc: {  	[sflag:s28] =	ssyncset.done $0x0  }
0xbd: {  	[sflag:s28] =	ssyncadd.s32 $0xFFFFFE00  }
0xbe: {  	[tilespmem:s26], [sflag:$0x1] =	stream.indirect.gather [hbm4b:s17+s31], $0x40, s4, s31, $0xb8;
	[tilespmem:$0x15800] =	vst v63  }
0xbf: {  	_ = 	snop  }
0xc0: {  	[tilespmem:s1], [sflag:$0x1] =	stream.indirect.gather [hbm4b:s17+s31], $0x40, s31, s31, $0xb8;
	[tilespmem:$0x15800] =	vst v63  }
0xc1: {  	_ = 	snop  }
0xc2: {  	[tilespmem:s9], [sflag:$0x1] =	stream.indirect.gather [hbm4b:s17+s31], $0x40, s8, s31, $0xb8;
	[tilespmem:$0x15800] =	vst v63  }
0xc3: {  	_ = 	snop  }
0xc4: {  	[tilespmem:s11], [sflag:$0x1] =	stream.indirect.gather [hbm4b:s17+s31], $0x40, s10, s31, $0xb8;
	[tilespmem:$0x15800] =	vst v63  }
0xc5: {  	_ =	swait.ge [sflag:s12], $0x2000  }
0xc6: {  	[sflag:s12] =	ssyncset.done $0x0  }
0xc7: {  	[sflag:s12] =	ssyncadd.s32 $0xFFFFE000  }
0xc8: {  	[spmem:s2] =	stream.indirect.scatter.add.f32 [tilespmem:s26], [sflag:$0x2], $0x40, s30, s31, $0xb8;
	[tilespmem:$0x15800] =	vst v63  }
0xc9: {  	_ =	swait.ge [sflag:s12], $0x2000  }
0xca: {  	[sflag:s12] =	ssyncset.done $0x0  }
0xcb: {  	[sflag:s12] =	ssyncadd.s32 $0xFFFFE000  }
0xcc: {  	[spmem:s2] =	stream.indirect.scatter.add.f32 [tilespmem:s1], [sflag:$0x2], $0x40, s13, s31, $0xb8;
	[tilespmem:$0x15800] =	vst v63  }
0xcd: {  	_ =	swait.ge [sflag:s12], $0x2000  }
0xce: {  	[sflag:s12] =	ssyncset.done $0x0  }
0xcf: {  	[sflag:s12] =	ssyncadd.s32 $0xFFFFE000  }
0xd0: {  	[spmem:s2] =	stream.indirect.scatter.add.f32 [tilespmem:s9], [sflag:$0x2], $0x40, s14, s31, $0xb8;
	[tilespmem:$0x15800] =	vst v63  }
0xd1: {  	_ =	swait.ge [sflag:s12], $0x2000  }
0xd2: {  	[sflag:s12] =	ssyncset.done $0x0  }
0xd3: {  	[sflag:s12] =	ssyncadd.s32 $0xFFFFE000  }
0xd4: {  	[spmem:s2] =	stream.indirect.scatter.add.f32 [tilespmem:s11], [sflag:$0x2], $0x40, s15, s31, $0xb8;
	[tilespmem:$0x15800] =	vst v63  }
0xd5: {  	_ = 	snop  }
0xd6: {  	[spmem:s3] =	stream.indirect.scatter.add.f32 @!p0 [tilespmem:s7], [sflag:$0x3], $0x10, s0, s19, $0xb8;
	[tilespmem:$0x15800] =	vst v63  }
0xd7: {  	_ = 	snop  }
0xd8: {  	[spmem:s3] =	stream.indirect.scatter.add.f32 @!p0 [tilespmem:s7], [sflag:$0x3], $0x10, s6, s19, $0xb8;
	[tilespmem:$0x15800] =	vst v63  }
0xd9: {  	_ = 	snop  }
0xda: {  	[spmem:s3] =	stream.indirect.scatter.add.f32 @!p0 [tilespmem:s7], [sflag:$0x3], $0x10, s20, s19, $0xb8;
	[tilespmem:$0x15800] =	vst v63  }
0xdb: {  	_ = 	snop  }
0xdc: {  	[spmem:s3] =	stream.indirect.scatter.add.f32 @!p0 [tilespmem:s7], [sflag:$0x3], $0x10, s21, s19, $0xb8;
	[tilespmem:$0x15800] =	vst v63  }
0xdd: {  	_ =	swait.ge @!p0 [sflag:s22], $0x800  }
0xde: {  	[sflag:s22] =	ssyncset.done @!p0 $0x0  }
0xdf: {  	[sflag:s22] =	ssyncadd.s32 @!p0 $0xFFFFF800  }
0xe0: {  	_ =	swait.ge @!p0 [sflag:s22], $0x800  }
0xe1: {  	[sflag:s22] =	ssyncset.done @!p0 $0x0  }
0xe2: {  	[sflag:s22] =	ssyncadd.s32 @!p0 $0xFFFFF800  }
0xe3: {  	_ =	swait.ge @!p0 [sflag:s22], $0x800  }
0xe4: {  	[sflag:s22] =	ssyncset.done @!p0 $0x0  }
0xe5: {  	[sflag:s22] =	ssyncadd.s32 @!p0 $0xFFFFF800  }
0xe6: {  	_ =	swait.ge @!p0 [sflag:s22], $0x800  }
0xe7: {  	[sflag:s22] =	ssyncset.done @!p0 $0x0  }
0xe8: {  	[sflag:s22] =	ssyncadd.s32 @!p0 $0xFFFFF800  }
0xe9: {  	_ =	swait.ge [sflag:s16], $0x2000  }
0xea: {  	[sflag:s16] =	ssyncset.done $0x0  }
0xeb: {  	[sflag:s16] =	ssyncadd.s32 $0xFFFFE000  }
0xec: {  	_ =	swait.ge [sflag:s16], $0x2000  }
0xed: {  	[sflag:s16] =	ssyncset.done $0x0  }
0xee: {  	[sflag:s16] =	ssyncadd.s32 $0xFFFFE000  }
.Ltmp6:
0xef: {  	_ =	swait.ge [sflag:s16], $0x2000;
	(pc) =	sbr.rel @p2 .LBB2_10-.Ltmp6, $4  }
0xf0: {  	[sflag:s16] =	ssyncset.done $0x0  }
0xf1: {  	[sflag:s16] =	ssyncadd.s32 $0xFFFFE000  }
0xf2: {  	_ =	swait.ge [sflag:s16], $0x2000  }
0xf3: {  	[sflag:s16] =	ssyncset.done $0x0  }
0xf4: {  	s0 =	sadd.s32 s25, s24;
	[sflag:s16] =	ssyncadd.s32 $0xFFFFE000  }
0xf5: {  	[tilespmem:s4], [sflag:$0x4] =	stream.linear.gather [hbm4b:s0+s4], $0x200, $0x38;
	[tilespmem:$0x15800] =	vst v63  }
0xf6: {  	_ =	swait.ge [sflag:s28], $0x200  }
0xf7: {  	[sflag:s28] =	ssyncset.done $0x0  }
0xf8: {  	s29 =	sadd.s32 s25, s23;
	[sflag:s28] =	ssyncadd.s32 $0xFFFFFE00  }
0xf9: {  	[tilespmem:s30], [sflag:$0x4] =	stream.linear.gather [hbm4b:s29+s4], $0x200, $0x38;
	[tilespmem:$0x15800] =	vst v63  }
0xfa: {  	_ =	swait.ge [sflag:s28], $0x200  }
0xfb: {  	[sflag:s28] =	ssyncset.done $0x0  }
0xfc: {  	[sflag:s28] =	ssyncadd.s32 $0xFFFFFE00  }
0xfd: {  	[tilespmem:s26], [sflag:$0x1] =	stream.indirect.gather [hbm4b:s17+s31], $0x40, s4, s31, $0xb8;
	[tilespmem:$0x15800] =	vst v63  }
0xfe: {  	_ = 	snop  }
0xff: {  	[tilespmem:s1], [sflag:$0x1] =	stream.indirect.gather [hbm4b:s17+s31], $0x40, s31, s31, $0xb8;
	[tilespmem:$0x15800] =	vst v63  }
0x100: {  	_ = 	snop  }
0x101: {  	[tilespmem:s9], [sflag:$0x1] =	stream.indirect.gather [hbm4b:s17+s31], $0x40, s8, s31, $0xb8;
	[tilespmem:$0x15800] =	vst v63  }
0x102: {  	_ = 	snop  }
0x103: {  	[tilespmem:s11], [sflag:$0x1] =	stream.indirect.gather [hbm4b:s17+s31], $0x40, s10, s31, $0xb8;
	[tilespmem:$0x15800] =	vst v63  }
0x104: {  	_ =	swait.ge [sflag:s12], $0x2000  }
0x105: {  	[sflag:s12] =	ssyncset.done $0x0  }
0x106: {  	[sflag:s12] =	ssyncadd.s32 $0xFFFFE000  }
0x107: {  	[spmem:s2] =	stream.indirect.scatter.add.f32 [tilespmem:s26], [sflag:$0x2], $0x40, s30, s31, $0xb8;
	[tilespmem:$0x15800] =	vst v63  }
0x108: {  	_ =	swait.ge [sflag:s12], $0x2000  }
0x109: {  	[sflag:s12] =	ssyncset.done $0x0  }
0x10a: {  	[sflag:s12] =	ssyncadd.s32 $0xFFFFE000  }
0x10b: {  	[spmem:s2] =	stream.indirect.scatter.add.f32 [tilespmem:s1], [sflag:$0x2], $0x40, s13, s31, $0xb8;
	[tilespmem:$0x15800] =	vst v63  }
0x10c: {  	_ =	swait.ge [sflag:s12], $0x2000  }
0x10d: {  	[sflag:s12] =	ssyncset.done $0x0  }
0x10e: {  	[sflag:s12] =	ssyncadd.s32 $0xFFFFE000  }
0x10f: {  	[spmem:s2] =	stream.indirect.scatter.add.f32 [tilespmem:s9], [sflag:$0x2], $0x40, s14, s31, $0xb8;
	[tilespmem:$0x15800] =	vst v63  }
0x110: {  	_ =	swait.ge [sflag:s12], $0x2000  }
0x111: {  	[sflag:s12] =	ssyncset.done $0x0  }
0x112: {  	[sflag:s12] =	ssyncadd.s32 $0xFFFFE000  }
0x113: {  	[spmem:s2] =	stream.indirect.scatter.add.f32 [tilespmem:s11], [sflag:$0x2], $0x40, s15, s31, $0xb8;
	[tilespmem:$0x15800] =	vst v63  }
0x114: {  	s5 =	simm.s32 @!p0 $0x80;
	s7 =	simm.s32 @!p0 $0x200;
	s6 =	simm.s32 @!p0 $0x12400  }
0x115: {  	[spmem:s3] =	stream.indirect.scatter.add.f32 @!p0 [tilespmem:s6], [sflag:$0x3], $0x10, s7, s5, $0xb8;
	[tilespmem:$0x15800] =	vst v63  }
0x116: {  	s19 =	simm.s32 @!p0 $0x280  }
0x117: {  	[spmem:s3] =	stream.indirect.scatter.add.f32 @!p0 [tilespmem:s6], [sflag:$0x3], $0x10, s19, s5, $0xb8;
	[tilespmem:$0x15800] =	vst v63  }
0x118: {  	s20 =	simm.s32 @!p0 $0x300  }
0x119: {  	[spmem:s3] =	stream.indirect.scatter.add.f32 @!p0 [tilespmem:s6], [sflag:$0x3], $0x10, s20, s5, $0xb8;
	[tilespmem:$0x15800] =	vst v63  }
0x11a: {  	s21 =	simm.s32 @!p0 $0x380;
	s0 =	simm.s32 @!p0 $0x3  }
0x11b: {  	[spmem:s3] =	stream.indirect.scatter.add.f32 @!p0 [tilespmem:s6], [sflag:$0x3], $0x10, s21, s5, $0xb8;
	[tilespmem:$0x15800] =	vst v63  }
0x11c: {  	_ =	swait.ge @!p0 [sflag:s0], $0x800  }
0x11d: {  	[sflag:s0] =	ssyncset.done @!p0 $0x0  }
0x11e: {  	[sflag:s0] =	ssyncadd.s32 @!p0 $0xFFFFF800  }
0x11f: {  	_ =	swait.ge @!p0 [sflag:s0], $0x800  }
0x120: {  	[sflag:s0] =	ssyncset.done @!p0 $0x0  }
0x121: {  	[sflag:s0] =	ssyncadd.s32 @!p0 $0xFFFFF800  }
0x122: {  	_ =	swait.ge @!p0 [sflag:s0], $0x800  }
0x123: {  	[sflag:s0] =	ssyncset.done @!p0 $0x0  }
0x124: {  	[sflag:s0] =	ssyncadd.s32 @!p0 $0xFFFFF800  }
0x125: {  	_ =	swait.ge @!p0 [sflag:s0], $0x800  }
0x126: {  	[sflag:s0] =	ssyncset.done @!p0 $0x0  }
0x127: {  	[sflag:s0] =	ssyncadd.s32 @!p0 $0xFFFFF800  }
0x128: {  	_ =	swait.ge [sflag:s16], $0x2000  }
0x129: {  	[sflag:s16] =	ssyncset.done $0x0  }
0x12a: {  	[sflag:s16] =	ssyncadd.s32 $0xFFFFE000  }
0x12b: {  	_ =	swait.ge [sflag:s16], $0x2000  }
0x12c: {  	[sflag:s16] =	ssyncset.done $0x0  }
0x12d: {  	[sflag:s16] =	ssyncadd.s32 $0xFFFFE000  }
0x12e: {  	_ =	swait.ge [sflag:s16], $0x2000  }
.Ltmp7:
0x12f: {  	[sflag:s16] =	ssyncset.done $0x0;
	(pc) =	sbr.rel @p1 .LBB2_13-.Ltmp7, $4  }
0x130: {  	[sflag:s16] =	ssyncadd.s32 $0xFFFFE000  }
0x131: {  	_ =	swait.ge [sflag:s16], $0x2000  }
0x132: {  	[sflag:s16] =	ssyncset.done $0x0  }
0x133: {  	s22 =	rddreg [dreg:$0x17];
	[sflag:s16] =	ssyncadd.s32 $0xFFFFE000  }
0x134: {  	s18 =	rddreg [dreg:$0x11]  }
0x135: {  	[tilespmem:s4], [sflag:$0x4] =	stream.linear.gather [hbm4b:s18+s4], $0x200, $0x38;
	[tilespmem:$0x15800] =	vst v63  }
0x136: {  	_ =	swait.ge [sflag:s28], $0x200  }
0x137: {  	[sflag:s28] =	ssyncset.done $0x0  }
0x138: {  	s29 =	rddreg [dreg:$0x12];
	[sflag:s28] =	ssyncadd.s32 $0xFFFFFE00  }
0x139: {  	[tilespmem:s30], [sflag:$0x4] =	stream.linear.gather [hbm4b:s29+s4], $0x200, $0x38;
	[tilespmem:$0x15800] =	vst v63  }
0x13a: {  	_ =	swait.ge [sflag:s28], $0x200  }
0x13b: {  	[sflag:s28] =	ssyncset.done $0x0  }
0x13c: {  	[sflag:s28] =	ssyncadd.s32 $0xFFFFFE00  }
0x13d: {  	[tilespmem:s26], [sflag:$0x1] =	stream.indirect.gather [hbm4b:s17+s31], $0x40, s4, s31, $0xb8;
	[tilespmem:$0x15800] =	vst v63  }
0x13e: {  	_ = 	snop  }
0x13f: {  	[tilespmem:s1], [sflag:$0x1] =	stream.indirect.gather [hbm4b:s17+s31], $0x40, s31, s31, $0xb8;
	[tilespmem:$0x15800] =	vst v63  }
0x140: {  	_ = 	snop  }
0x141: {  	[tilespmem:s9], [sflag:$0x1] =	stream.indirect.gather [hbm4b:s17+s31], $0x40, s8, s31, $0xb8;
	[tilespmem:$0x15800] =	vst v63  }
0x142: {  	_ = 	snop  }
0x143: {  	[tilespmem:s11], [sflag:$0x1] =	stream.indirect.gather [hbm4b:s17+s31], $0x40, s10, s31, $0xb8;
	[tilespmem:$0x15800] =	vst v63  }
0x144: {  	_ =	swait.ge [sflag:s12], $0x2000  }
0x145: {  	[sflag:s12] =	ssyncset.done $0x0  }
0x146: {  	[sflag:s12] =	ssyncadd.s32 $0xFFFFE000  }
0x147: {  	[spmem:s2] =	stream.indirect.scatter.add.f32 [tilespmem:s26], [sflag:$0x2], $0x40, s30, s31, $0xb8;
	[tilespmem:$0x15800] =	vst v63  }
0x148: {  	_ =	swait.ge [sflag:s12], $0x2000  }
0x149: {  	[sflag:s12] =	ssyncset.done $0x0  }
0x14a: {  	[sflag:s12] =	ssyncadd.s32 $0xFFFFE000  }
0x14b: {  	[spmem:s2] =	stream.indirect.scatter.add.f32 [tilespmem:s1], [sflag:$0x2], $0x40, s13, s31, $0xb8;
	[tilespmem:$0x15800] =	vst v63  }
0x14c: {  	_ =	swait.ge [sflag:s12], $0x2000  }
0x14d: {  	[sflag:s12] =	ssyncset.done $0x0  }
0x14e: {  	[sflag:s12] =	ssyncadd.s32 $0xFFFFE000  }
0x14f: {  	[spmem:s2] =	stream.indirect.scatter.add.f32 [tilespmem:s9], [sflag:$0x2], $0x40, s14, s31, $0xb8;
	[tilespmem:$0x15800] =	vst v63  }
0x150: {  	_ =	swait.ge [sflag:s12], $0x2000  }
0x151: {  	[sflag:s12] =	ssyncset.done $0x0  }
0x152: {  	[sflag:s12] =	ssyncadd.s32 $0xFFFFE000  }
0x153: {  	[spmem:s2] =	stream.indirect.scatter.add.f32 [tilespmem:s11], [sflag:$0x2], $0x40, s15, s31, $0xb8;
	[tilespmem:$0x15800] =	vst v63  }
0x154: {  	_ = 	snop  }
0x155: {  	[spmem:s3] =	stream.indirect.scatter.add.f32 @!p0 [tilespmem:s6], [sflag:$0x3], $0x10, s7, s5, $0xb8;
	[tilespmem:$0x15800] =	vst v63  }
0x156: {  	_ = 	snop  }
0x157: {  	[spmem:s3] =	stream.indirect.scatter.add.f32 @!p0 [tilespmem:s6], [sflag:$0x3], $0x10, s19, s5, $0xb8;
	[tilespmem:$0x15800] =	vst v63  }
0x158: {  	_ = 	snop  }
0x159: {  	[spmem:s3] =	stream.indirect.scatter.add.f32 @!p0 [tilespmem:s6], [sflag:$0x3], $0x10, s20, s5, $0xb8;
	[tilespmem:$0x15800] =	vst v63  }
0x15a: {  	_ = 	snop  }
0x15b: {  	[spmem:s3] =	stream.indirect.scatter.add.f32 @!p0 [tilespmem:s6], [sflag:$0x3], $0x10, s21, s5, $0xb8;
	[tilespmem:$0x15800] =	vst v63  }
0x15c: {  	_ =	swait.ge @!p0 [sflag:s0], $0x800  }
0x15d: {  	[sflag:s0] =	ssyncset.done @!p0 $0x0  }
0x15e: {  	[sflag:s0] =	ssyncadd.s32 @!p0 $0xFFFFF800  }
0x15f: {  	_ =	swait.ge @!p0 [sflag:s0], $0x800  }
0x160: {  	[sflag:s0] =	ssyncset.done @!p0 $0x0  }
0x161: {  	[sflag:s0] =	ssyncadd.s32 @!p0 $0xFFFFF800  }
0x162: {  	_ =	swait.ge @!p0 [sflag:s0], $0x800  }
0x163: {  	[sflag:s0] =	ssyncset.done @!p0 $0x0  }
0x164: {  	[sflag:s0] =	ssyncadd.s32 @!p0 $0xFFFFF800  }
0x165: {  	_ =	swait.ge @!p0 [sflag:s0], $0x800  }
0x166: {  	[sflag:s0] =	ssyncset.done @!p0 $0x0  }
0x167: {  	[sflag:s0] =	ssyncadd.s32 @!p0 $0xFFFFF800  }
0x168: {  	_ =	swait.ge [sflag:s16], $0x2000  }
0x169: {  	[sflag:s16] =	ssyncset.done $0x0  }
0x16a: {  	[sflag:s16] =	ssyncadd.s32 $0xFFFFE000  }
0x16b: {  	_ =	swait.ge [sflag:s16], $0x2000  }
0x16c: {  	[sflag:s16] =	ssyncset.done $0x0  }
0x16d: {  	[sflag:s16] =	ssyncadd.s32 $0xFFFFE000  }
0x16e: {  	_ =	swait.ge [sflag:s16], $0x2000  }
.Ltmp8:
0x16f: {  	[sflag:s16] =	ssyncset.done $0x0;
	(pc) =	sbr.rel .LBB2_13-.Ltmp8, $4  }
0x170: {  	[sflag:s16] =	ssyncadd.s32 $0xFFFFE000  }
0x171: {  	_ =	swait.ge [sflag:s16], $0x2000  }
0x172: {  	[sflag:s16] =	ssyncset.done $0x0  }
0x173: {  	[sflag:s16] =	ssyncadd.s32 $0xFFFFE000  }
.LBB2_14:
0x174: {  	_ =	sfence.sel $0x180000  }
0x175: {  	[bflag:$0x0] =	sbarrier.arrive $0xFFFF  }
0x176: {  	_ =	strace $0x90000047  }
0x177: {  	s0 =	stileid.u32;
	[bflag:$0x2] =	sbarrier.arrive $0xFFFF  }
0x178: {  	p0 =	sne.s32 s0, $0x0;
	s0 =	rddreg [dreg:$0x4]  }
0x179: {  	s0 =	sadd.s32 @!p0 $0x100000, s0  }
0x17a: {  	[sflag:s0] =	ssyncadd.tile.s32 @!p0 $0x1;
	_ =	shalt  }
.Lfunc_end2:
_tile_overlayer_lowered:
.L_overlay_start_2:
0x17b: {  	(tag) =	ssettag $0x2  }
0x17c: {  	s0 =	rddreg [dreg:$0x0];
	s2 =	stileid.u32  }
0x17d: {  	s1 =	rddreg [dreg:$0x1];
	p0 =	sne.s32 s2, $0x0  }
0x17e: {  	s3 =	rddreg [dreg:$0x2];
	[bflag:$0x3] =	sbarrier.arrive $0xFFFF;
	s2 =	simm.s32 @!p0 $0x1C04  }
0x17f: {  	[timem:s3], [sflag:s2] =	dma.local @!p0 [hbm:s0], s1  }
0x180: {  	s0 =	simm.s32 @!p0 $0x4  }
0x181: {  	_ =	swait.ge @!p0 [sflag:s0], s1  }
0x182: {  	s1 =	ssub.s32 @!p0 $0x0, s1;
	[sflag:s0] =	ssyncset.done @!p0 $0x0  }
0x183: {  	[sflag:s0] =	ssyncadd.s32 @!p0 s1  }
0x184: {  	[bflag:$0x3] =	sbarrier.arrive $0xFFFF  }
0x185: {  	_ =	shalt  }

// kernel: kernel.9.cloned.1.call-start
scs
__scs_entry_jumppad:
0x0: {  	(pc) =	sbr.rel $0x88, $3  }
0x1: {  	(tag) =	ssettag $0x0;
	lr =	simm.s32 $0x1  }
0x2: {  	[smem:$0x3F99] =	sst lr;
	_ =	strace $0xD0000000  }
0x3: {  	_ = 	snop  }
0x4: {  	_ = 	snop  }
0x5: {  	_ = 	snop  }
0x6: {  	_ = 	snop  }
0x7: {  	_ = 	snop  }
__scs_overlays_trampoline_lowered:
0x8: {  	[smem:$0x3FA8] =	sst s0  }
0x9: {  	[smem:$0x3FA9] =	sst s1  }
0xa: {  	[smem:$0x3FAA] =	sst s2  }
0xb: {  	[smem:$0x3FAB] =	sst s3  }
0xc: {  	[smem:$0x3FAC] =	sst s4  }
0xd: {  	[smem:$0x3FAD] =	sst s5  }
0xe: {  	[smem:$0x3FAE] =	sst s6  }
0xf: {  	[smem:$0x3FAF] =	sst s7  }
0x10: {  	[smem:$0x3FB0] =	sst s8  }
0x11: {  	[smem:$0x3FB1] =	sst s9;
	s0 =	simm.s32 @!p0 $0x0  }
0x12: {  	s1 =	sld [smem:$0x3F97];
	s0 =	simm.s32 @p0 $0x1  }
0x13: {  	[smem:$0x3FB2] =	sst s0;
	s0 =	simm.s32 @!p1 $0x0  }
0x14: {  	s2 =	sld [smem:$0x3F96];
	s0 =	simm.s32 @p1 $0x1  }
0x15: {  	[smem:$0x3FB3] =	sst s0;
	s0 =	simm.s32 @!p2 $0x0  }
0x16: {  	s3 =	sld [smem:$0x3FDB];
	s0 =	simm.s32 @p2 $0x1  }
0x17: {  	s4 =	simm.s32 $0x1BF5;
	[smem:$0x3FB5] =	sst s0  }
0x18: {  	s0 =	sld [smem:$0x3F98];
	_ =	swait.ge [sflag:s4], $0x0  }
0x19: {  	s7 =	sld [smem:$0x3F99]  }
0x1a: {  	s8 =	sadd.s32 $0xFFFFE003, lr  }
0x1b: {  	s9 =	sadd.s32 $0xFFFFFEF7, lr;
	s5 =	simm.s32 $0xFFFFFFFF;
	p2 =	slt.u32 s8, $0xFFFFF086  }
0x1c: {  	p1 =	slt.u32 s9, $0xF7A;
	s5 =	simm.s32 @!p2 $0x0  }
0x1d: {  	s5 =	simm.s32 @p1 $0x1;
	p0 =	seq.s32 s7, s2  }
0x1e: {  	s7 =	smul.u32 @!p0 $0xF7A, s2;
	p2 =	seq.s32 @!p0 s5, $0x0  }
0x1f: {  	s9 =	smul.u32 $0xF7A, s1;
	s8 =	simm.s32 @!p0 $0x1BF5;
	p2 =	por !p2, p0  }
0x20: {  	[sflag:s8] =	ssyncset.s32 @!p0 $0xFFFFF086;
	s6 =	sadd.s32 @!p0 s3, s7;
	s7 =	simm.s32 @!p0 $0x108  }
0x21: {  	s3 =	sadd.s32 s3, s9;
	s6 =	sadd.s32 @!p0 $0x88, s6;
	s7 =	simm.s32 @p2 $0x1082  }
0x22: {  	[simem:s7], [sflag:s8] =	dma.local @!p0 [hbm:s6], $0xF7A  }
0x23: {  	s9 =	sor.u32 $0xD0000000, s2;
	s6 =	simm.s32 $0x108;
	_ =	swait.ge @!p0 [sflag:s8], $0x0  }
0x24: {  	s3 =	sadd.s32 $0x88, s3;
	s6 =	simm.s32 @!p1 $0x1082;
	[sflag:s4] =	ssyncset.s32 $0xFFFFF086  }
0x25: {  	[simem:s6], [sflag:s4] =	dma.local [hbm:s3], $0xF7A  }
0x26: {  	[smem:$0x3F99] =	sst s1;
	(tag) =	ssettag s2;
	_ =	strace s9  }
0x27: {  	s1 =	sld [smem:$0x3FA9]  }
0x28: {  	s2 =	sld [smem:$0x3FAA]  }
0x29: {  	s4 =	sld [smem:$0x3FAC]  }
0x2a: {  	p0 =	seq.s32 s5, $0x0;
	s5 =	sld [smem:$0x3FAD]  }
0x2b: {  	s6 =	sld [smem:$0x3FAE]  }
0x2c: {  	s7 =	sld [smem:$0x3FAF]  }
0x2d: {  	s3 =	simm.s32 $0x108;
	s8 =	sld [smem:$0x3FB0]  }
0x2e: {  	s3 =	simm.s32 @!p0 $0x1082;
	s9 =	sld [smem:$0x3FB1]  }
0x2f: {  	lr =	sadd.s32 s0, s3;
	s0 =	sld [smem:$0x3FA8]  }
0x30: {  	s3 =	sld [smem:$0x3FAB]  }
0x31: {  	[smem:$0x3FB4] =	sst s10  }
0x32: {  	s10 =	sld [smem:$0x3FB2];
	_ =	sdelay $0x3  }
0x33: {  	p0 =	seq.s32 s10, $0x1;
	s10 =	sld [smem:$0x3FB4];
	_ =	sdelay $0x3  }
0x34: {  	[smem:$0x3FB4] =	sst s10  }
0x35: {  	s10 =	sld [smem:$0x3FB3];
	_ =	sdelay $0x3  }
0x36: {  	p1 =	seq.s32 s10, $0x1;
	s10 =	sld [smem:$0x3FB4];
	_ =	sdelay $0x3  }
0x37: {  	[smem:$0x3FB4] =	sst s10  }
0x38: {  	s10 =	sld [smem:$0x3FB5]  }
0x39: {  	_ = 	snop;
	(pc) =	sbr.ind lr, $3  }
0x3a: {  	_ = 	snop  }
0x3b: {  	_ = 	snop  }
0x3c: {  	p2 =	seq.s32 s10, $0x1;
	s10 =	sld [smem:$0x3FB4]  }
0x3d: {  	_ =	shalt  }
0x3e: {  	_ =	shalt  }
0x3f: {  	_ =	shalt  }
0x40: {  	_ =	shalt  }
0x41: {  	_ =	shalt  }
0x42: {  	_ =	shalt  }
0x43: {  	_ =	shalt  }
0x44: {  	_ =	shalt  }
0x45: {  	_ =	shalt  }
0x46: {  	_ =	shalt  }
0x47: {  	_ =	shalt  }
0x48: {  	_ =	shalt  }
0x49: {  	_ =	shalt  }
0x4a: {  	_ =	shalt  }
0x4b: {  	_ =	shalt  }
0x4c: {  	_ =	shalt  }
0x4d: {  	_ =	shalt  }
0x4e: {  	_ =	shalt  }
0x4f: {  	_ =	shalt  }
0x50: {  	_ =	shalt  }
0x51: {  	_ =	shalt  }
0x52: {  	_ =	shalt  }
0x53: {  	_ =	shalt  }
0x54: {  	_ =	shalt  }
0x55: {  	_ =	shalt  }
0x56: {  	_ =	shalt  }
0x57: {  	_ =	shalt  }
0x58: {  	_ =	shalt  }
0x59: {  	_ =	shalt  }
0x5a: {  	_ =	shalt  }
0x5b: {  	_ =	shalt  }
0x5c: {  	_ =	shalt  }
0x5d: {  	_ =	shalt  }
0x5e: {  	_ =	shalt  }
0x5f: {  	_ =	shalt  }
0x60: {  	_ =	shalt  }
0x61: {  	_ =	shalt  }
0x62: {  	_ =	shalt  }
0x63: {  	_ =	shalt  }
0x64: {  	_ =	shalt  }
0x65: {  	_ =	shalt  }
0x66: {  	_ =	shalt  }
0x67: {  	_ =	shalt  }
0x68: {  	_ =	shalt  }
0x69: {  	_ =	shalt  }
0x6a: {  	_ =	shalt  }
0x6b: {  	_ =	shalt  }
0x6c: {  	_ =	shalt  }
0x6d: {  	_ =	shalt  }
0x6e: {  	_ =	shalt  }
0x6f: {  	_ =	shalt  }
0x70: {  	_ =	shalt  }
0x71: {  	_ =	shalt  }
0x72: {  	_ =	shalt  }
0x73: {  	_ =	shalt  }
0x74: {  	_ =	shalt  }
0x75: {  	_ =	shalt  }
0x76: {  	_ =	shalt  }
0x77: {  	_ =	shalt  }
0x78: {  	_ =	shalt  }
0x79: {  	_ =	shalt  }
0x7a: {  	_ =	shalt  }
0x7b: {  	_ =	shalt  }
0x7c: {  	_ =	shalt  }
0x7d: {  	_ =	shalt  }
0x7e: {  	_ =	shalt  }
0x7f: {  	_ =	shalt  }
0x80: {  	_ =	shalt  }
0x81: {  	_ =	shalt  }
0x82: {  	_ =	shalt  }
0x83: {  	_ =	shalt  }
0x84: {  	_ =	shalt  }
0x85: {  	_ =	shalt  }
0x86: {  	_ =	shalt  }
0x87: {  	_ =	shalt  }
.Lfunc_end0:
.L_simem_size_0:
called_computation.1_lowered:
.L_overlay_start_0:
0x88: {  	s2 =	sld [smem:$0x3FD9]  }
0x89: {  	s3 =	sld [smem:$0x3FFE];
	_ =	sdelay $0x1  }
0x8a: {  	s1 =	srdreg.scid  }
0x8b: {  	s0 =	sand.u32 $0x1, s1  }
0x8c: {  	s17 =	sshll.u32 s0, $0xA;
	s2 =	sadd.s32 s3, s2  }
0x8d: {  	s2 =	sadd.s32 s2, s17  }
0x8e: {  	[smem:$0x3FC0] =	sst s2  }
0x8f: {  	_ = 	snop  }
0x90: {  	s2 =	sld [smem:$0x3FD0];
	(tm) =	ssettm $0x1  }
0x91: {  	s18 =	sld [smem:$0x3FFB];
	_ =	sdelay $0x3  }
0x92: {  	_ =	strace s18  }
0x93: {  	s3 =	sld [smem:$0x3FFC];
	_ =	sdelay $0x3  }
0x94: {  	_ =	strace s3  }
0x95: {  	s3 =	sld [smem:$0x3FFD];
	_ =	sdelay $0x3  }
0x96: {  	_ =	strace s3  }
0x97: {  	_ =	strace $0x8FFFFFFF  }
0x98: {  	s19 =	sld [smem:$0x3FDB];
	_ =	sdelay $0x1  }
0x99: {  	s4 =	simm.s32 $_scs_section_size  }
0x9a: {  	s5 =	simm.s32 $_size__tile_overlayer_lowered;
	s6 =	simm.s32 $_tile_overlayer_lowered  }
0x9b: {  	s22 =	simm.s32 $0x1BFF;
	s21 =	sshll.u32 s6, $0x1;
	s3 =	sadd.s32 s4, s19  }
0x9c: {  	s7 =	simm.s32 $0x0;
	s20 =	sshll.u32 s5, $0x1;
	s5 =	sadd.s32 s21, s3  }
0x9d: {  	[timem:s7], [sflag:s22] =	dma.local [hbm:s5], s20  }
0x9e: {  	_ =	swait.ge [sflag:s22], s20  }
0x9f: {  	s4 =	ssub.s32 $0x0, s20;
	[sflag:s22] =	ssyncset.done $0x0  }
0xa0: {  	[sflag:s22] =	ssyncadd.s32 s4;
	_ =	sdelay $0x1  }
0xa1: {  	s23 =	simm.s32 $0x1B8B  }
0xa2: {  	_ =	swait.ge [sflag:s23], $0x1  }
0xa3: {  	[sflag:s23] =	ssyncset.done $0x0  }
0xa4: {  	s25 =	simm.s32 $0x1B8E;
	s24 =	sld [smem:$0x3FFE];
	[sflag:s23] =	ssyncadd.s32 $0xFFFFFFFF  }
0xa5: {  	s26 =	simm.s32 $execute0_lowered;
	[smem:$0x3FD2] =	sst s25  }
0xa6: {  	s5 =	sshll.u32 s26, $0x1;
	_ =	strace $0x80000049;
	[dreg:$0x1] =	wrdreg $0xFFFFFFFF  }
0xa7: {  	s28 =	simm.s32 $_size_execute0_lowered;
	s3 =	sadd.s32 s3, s5;
	[dreg:$0x0] =	wrdreg $0x0  }
0xa8: {  	s5 =	sshll.u32 s28, $0x1;
	[dreg:$0x2] =	wrdreg s3  }
0xa9: {  	[dreg:$0x3] =	wrdreg s5  }
0xaa: {  	[dreg:$0x4] =	wrdreg $0xC0  }
0xab: {  	_ =	task [dreg:s7], $0x5FFFF  }
0xac: {  	[dreg:$0x1] =	wrdreg $0xFFFFFFFF  }
0xad: {  	[dreg:$0x0] =	wrdreg $0x60  }
0xae: {  	[dreg:$0x2] =	wrdreg s24  }
0xaf: {  	[dreg:$0x3] =	wrdreg s2  }
0xb0: {  	[dreg:$0x4] =	wrdreg $0x84000  }
0xb1: {  	[dreg:$0x5] =	wrdreg $0x9  }
0xb2: {  	_ =	task.clear_ibuf [dreg:s7], $0x6FFFF;
	_ =	strace $0x90000049  }
0xb3: {  	s29 =	simm.s32 $0x9;
	_ =	strace $0x8000004B  }
0xb4: {  	_ =	swait.ge [sflag:s29], $0x1  }
0xb5: {  	[sflag:s29] =	ssyncadd.s32 $0xFFFFFFFF  }
0xb6: {  	_ =	strace $0x9000004B  }
0xb7: {  	_ =	sfence  }
0xb8: {  	s30 =	sld [smem:$0x0];
	_ =	sdelay $0x2  }
0xb9: {  	s31 =	sshll.u32 s1, $0xD;
	s1 =	sshrl.u32 s1, $0x2  }
0xba: {  	s3 =	sand.u32 $0x4000, s31;
	s1 =	sadd.s32 s1, s30  }
0xbb: {  	s0 =	sor.u32 s3, s0;
	s1 =	sshll.u32 s1, $0x11  }
0xbc: {  	s0 =	sor.u32 s1, s0  }
0xbd: {  	s0 =	sadd.s32 $0x8F2B, s0  }
0xbe: {  	[sflag:s0] =	ssyncadd.remote.s32 $0x1  }
0xbf: {  	_ =	sfence.sel $0xFFFF  }
0xc0: {  	[dreg:$0x0] =	wrdreg $0xFFFFFFFF;
	(pc) =	sbr.abs _section_cstart, $3  }
0xc1: {  	[dreg:$0x1] =	wrdreg $0xFFFFFFFF  }
0xc2: {  	_ =	task.clear_ibuf [dreg:s7], $0x2FFFF;
	_ =	strace $0x9FFFFFFF  }
0xc3: {  	(tm) =	ssettm $0x7FFFFFFF  }
tec
execute0_lowered:
.L_overlay_start_1:
0x0: {  	(tag) =	ssettag $0x1  }
0x1: {  	s8 =	rddreg [dreg:$0x0]  }
0x2: {  	s0 =	stileid.u32;
	s6 =	rddreg [dreg:$0x1]  }
0x3: {  	s1 =	srdreg.scid;
	s2 =	rddreg [dreg:$0x2]  }
0x4: {  	s3 =	simm.s32 $0x0;
	s14 =	simm.s32 $0x3;
	s15 =	simm.s32 $0x200  }
0x5: {  	s16 =	simm.s32 $0x80;
	s17 =	simm.s32 $0x2400;
	s18 =	simm.s32 $0x100  }
0x6: {  	s19 =	simm.s32 $0x4400;
	s20 =	simm.s32 $0x180;
	s21 =	simm.s32 $0x6400  }
0x7: {  	s22 =	simm.s32 $0x1;
	s23 =	simm.s32 $0x280;
	s5 =	smul.u32 $0xA000, s0  }
0x8: {  	s24 =	simm.s32 $0x300;
	s28 =	simm.s32 $0x0;
	s9 =	smul.u32 $0x9C0, s0  }
0x9: {  	s4 =	sand.u32 $0x1, s1;
	[smem:$0x7FF] =	sst s3;
	s10 =	smul.u32 $0x28000, s0  }
0xa: {  	s31 =	sadd.s32 $0x15800, s8;
	p0 =	sne.s32 s0, $0xF;
	s7 =	smul.u32 $0xA0000, s4  }
0xb: {  	_ =	strace $0x8000004A;
	s26 =	ssub.s32 $0x2, s4;
	s13 =	smul.u32 $0x13880, s4  }
0xc: {  	[dreg:$0x5] =	wrdreg s31;
	s12 =	sadd.s32 s9, s8;
	s11 =	sshrl.u32 s26, $0x1  }
0xd: {  	s10 =	sshrl.u32 s10, $0x2;
	s4 =	sadd.s32 s5, s2;
	s7 =	sadd.s32 s5, s7  }
0xe: {  	s11 =	ssub.s32 s26, s11;
	s29 =	sadd.s32 s10, s2;
	s6 =	sadd.s32 s6, s13  }
0xf: {  	s13 =	simm.s32 $0x400;
	s26 =	simm.s32 $0x2;
	s7 =	sshrl.u32 s7, $0x3  }
0x10: {  	s30 =	sadd.s32 $0x8000, s29;
	s10 =	smax.u32 s11, $0x1;
	s11 =	sadd.s32 $0x1E00, s12  }
0x11: {  	s12 =	sadd.s32 $0xBC00, s12;
	s25 =	sadd.s32 s7, s8;
	[dreg:$0x4] =	wrdreg s30  }
0x12: {  	v0 =	vimm.f32 $0.0e+00;
	s8 =	sadd.s32 $0xBA00, s8;
	s9 =	sadd.s32 $0x63C00, s25;
	s25 =	simm.s32 $0x380  }
.LBB2_1:
0x13: {  	s30 =	simm.s32 $0x100;
	s29 =	simm.s32 $0x0  }
.LBB2_2:
0x14: {  	p1 =	sne.s32 s30, $0x1FF00;
	[tilespmem:s29+$0x430] =	vst v0;
	s31 =	smov.u32 s30;
	s30 =	sadd.s32 $0x100, s30  }
.Ltmp0:
0x15: {  	[tilespmem:s29+$0x420] =	vst v0;
	(pc) =	sbr.rel @p1 .LBB2_2-.Ltmp0, $3  }
0x16: {  	[tilespmem:s29+$0x400] =	vst v0  }
0x17: {  	[tilespmem:s29+$0x410] =	vst v0;
	_ =	sdelay $0x1  }
0x18: {  	s29 =	sshra.s32 s31, $0x2  }
0x19: {  	[tilespmem:s29+$0x430] =	vst v0  }
0x1a: {  	[tilespmem:s29+$0x420] =	vst v0  }
0x1b: {  	[tilespmem:s29+$0x400] =	vst v0  }
0x1c: {  	[tilespmem:s29+$0x410] =	vst v0  }
0x1d: {  	[spmem:s4] =	stream.linear.scatter [tilespmem:s13], [sflag:$0x3], $0x8000, $0x38;
	[tilespmem:$0x12400] =	vst v63  }
0x1e: {  	_ =	swait.ge [sflag:s14], $0x8000  }
0x1f: {  	[sflag:s14] =	ssyncset.done $0x0  }
0x20: {  	s0 =	rddreg [dreg:$0x4];
	[sflag:s14] =	ssyncadd.s32 $0xFFFF8000  }
0x21: {  	[spmem:s0] =	stream.linear.scatter [tilespmem:s13], [sflag:$0x3], $0x2000, $0x38;
	[tilespmem:$0x12400] =	vst v63  }
0x22: {  	_ =	swait.ge [sflag:s14], $0x2000  }
0x23: {  	[sflag:s14] =	ssyncset.done $0x0  }
0x24: {  	[sflag:s14] =	ssyncadd.s32 $0xFFFFE000  }
0x25: {  	s29 =	sadd.s32 $0x0, s12;
	[bflag:$0x0] =	sbarrier.arrive $0xFFFF  }
0x26: {  	[tilespmem:s3], [sflag:$0x3] =	stream.linear.gather [hbm4b:s29+s3], $0x200, $0x38;
	[tilespmem:$0x12400] =	vst v63  }
0x27: {  	_ =	swait.ge [sflag:s14], $0x200  }
0x28: {  	[sflag:s14] =	ssyncset.done $0x0  }
0x29: {  	s29 =	sadd.s32 $0x0, s11;
	[sflag:s14] =	ssyncadd.s32 $0xFFFFFE00  }
0x2a: {  	[tilespmem:s15], [sflag:$0x3] =	stream.linear.gather [hbm4b:s29+s3], $0x200, $0x38;
	[tilespmem:$0x12400] =	vst v63  }
0x2b: {  	_ =	swait.ge [sflag:s14], $0x200  }
0x2c: {  	[sflag:s14] =	ssyncset.done $0x0  }
0x2d: {  	[sflag:s14] =	ssyncadd.s32 $0xFFFFFE00  }
0x2e: {  	[tilespmem:s13], [sflag:$0x1] =	stream.indirect.gather [hbm4b:s6+s16], $0x40, s3, s16, $0xb8;
	[tilespmem:$0x12400] =	vst v63  }
0x2f: {  	_ = 	snop  }
0x30: {  	[tilespmem:s17], [sflag:$0x1] =	stream.indirect.gather [hbm4b:s6+s16], $0x40, s16, s16, $0xb8;
	[tilespmem:$0x12400] =	vst v63  }
0x31: {  	_ = 	snop  }
0x32: {  	[tilespmem:s19], [sflag:$0x1] =	stream.indirect.gather [hbm4b:s6+s16], $0x40, s18, s16, $0xb8;
	[tilespmem:$0x12400] =	vst v63  }
0x33: {  	_ = 	snop  }
0x34: {  	[tilespmem:s21], [sflag:$0x1] =	stream.indirect.gather [hbm4b:s6+s16], $0x40, s20, s16, $0xb8;
	[tilespmem:$0x12400] =	vst v63  }
0x35: {  	_ =	swait.ge [sflag:s22], $0x2000  }
0x36: {  	[sflag:s22] =	ssyncset.done $0x0  }
0x37: {  	[sflag:s22] =	ssyncadd.s32 $0xFFFFE000  }
0x38: {  	[spmem:s2] =	stream.indirect.scatter.add.f32 [tilespmem:s13], [sflag:$0x2], $0x40, s15, s16, $0xb8;
	[tilespmem:$0x12400] =	vst v63  }
0x39: {  	_ =	swait.ge [sflag:s22], $0x2000  }
0x3a: {  	[sflag:s22] =	ssyncset.done $0x0  }
0x3b: {  	[sflag:s22] =	ssyncadd.s32 $0xFFFFE000  }
0x3c: {  	[spmem:s2] =	stream.indirect.scatter.add.f32 [tilespmem:s17], [sflag:$0x2], $0x40, s23, s16, $0xb8;
	[tilespmem:$0x12400] =	vst v63  }
0x3d: {  	_ =	swait.ge [sflag:s22], $0x2000  }
0x3e: {  	[sflag:s22] =	ssyncset.done $0x0  }
0x3f: {  	[sflag:s22] =	ssyncadd.s32 $0xFFFFE000  }
0x40: {  	[spmem:s2] =	stream.indirect.scatter.add.f32 [tilespmem:s19], [sflag:$0x2], $0x40, s24, s16, $0xb8;
	[tilespmem:$0x12400] =	vst v63  }
0x41: {  	_ =	swait.ge [sflag:s22], $0x2000  }
0x42: {  	[sflag:s22] =	ssyncset.done $0x0  }
0x43: {  	[sflag:s22] =	ssyncadd.s32 $0xFFFFE000  }
0x44: {  	[spmem:s2] =	stream.indirect.scatter.add.f32 [tilespmem:s21], [sflag:$0x2], $0x40, s25, s16, $0xb8;
	[tilespmem:$0x12400] =	vst v63  }
0x45: {  	_ =	swait.ge [sflag:s26], $0x2000  }
0x46: {  	[sflag:s26] =	ssyncset.done $0x0  }
0x47: {  	[sflag:s26] =	ssyncadd.s32 $0xFFFFE000  }
0x48: {  	_ =	swait.ge [sflag:s26], $0x2000  }
0x49: {  	[sflag:s26] =	ssyncset.done $0x0  }
0x4a: {  	[sflag:s26] =	ssyncadd.s32 $0xFFFFE000  }
0x4b: {  	_ =	swait.ge [sflag:s26], $0x2000  }
0x4c: {  	[sflag:s26] =	ssyncset.done $0x0  }
0x4d: {  	[sflag:s26] =	ssyncadd.s32 $0xFFFFE000  }
0x4e: {  	_ =	swait.ge [sflag:s26], $0x2000  }
0x4f: {  	s31 =	simm.s32 $0x80;
	s29 =	simm.s32 $0x40;
	[sflag:s26] =	ssyncset.done $0x0  }
.LBB2_4:
0x50: {  	s1 =	sadd.s32 s29, s12  }
0x51: {  	[sflag:s26] =	ssyncadd.s32 $0xFFFFE000;
	s0 =	smov.u32 s31;
	s30 =	sadd.s32 $0x40, s31  }
0x52: {  	[tilespmem:s3], [sflag:$0x3] =	stream.linear.gather [hbm4b:s1+s3], $0x200, $0x38;
	[tilespmem:$0x12400] =	vst v63  }
0x53: {  	p1 =	sne.s32 s31, $0x980;
	_ =	swait.ge [sflag:s14], $0x200  }
0x54: {  	[sflag:s14] =	ssyncset.done $0x0  }
0x55: {  	s1 =	sadd.s32 s29, s11;
	s29 =	smov.u32 s0;
	[sflag:s14] =	ssyncadd.s32 $0xFFFFFE00  }
0x56: {  	[tilespmem:s15], [sflag:$0x3] =	stream.linear.gather [hbm4b:s1+s3], $0x200, $0x38;
	[tilespmem:$0x12400] =	vst v63  }
0x57: {  	_ =	swait.ge [sflag:s14], $0x200  }
0x58: {  	[sflag:s14] =	ssyncset.done $0x0  }
0x59: {  	[sflag:s14] =	ssyncadd.s32 $0xFFFFFE00  }
0x5a: {  	[tilespmem:s13], [sflag:$0x1] =	stream.indirect.gather [hbm4b:s6+s16], $0x40, s3, s16, $0xb8;
	[tilespmem:$0x12400] =	vst v63  }
0x5b: {  	_ = 	snop  }
0x5c: {  	[tilespmem:s17], [sflag:$0x1] =	stream.indirect.gather [hbm4b:s6+s16], $0x40, s16, s16, $0xb8;
	[tilespmem:$0x12400] =	vst v63  }
0x5d: {  	_ = 	snop  }
0x5e: {  	[tilespmem:s19], [sflag:$0x1] =	stream.indirect.gather [hbm4b:s6+s16], $0x40, s18, s16, $0xb8;
	[tilespmem:$0x12400] =	vst v63  }
0x5f: {  	_ = 	snop  }
0x60: {  	[tilespmem:s21], [sflag:$0x1] =	stream.indirect.gather [hbm4b:s6+s16], $0x40, s20, s16, $0xb8;
	[tilespmem:$0x12400] =	vst v63  }
0x61: {  	_ =	swait.ge [sflag:s22], $0x2000  }
0x62: {  	[sflag:s22] =	ssyncset.done $0x0  }
0x63: {  	[sflag:s22] =	ssyncadd.s32 $0xFFFFE000  }
0x64: {  	[spmem:s2] =	stream.indirect.scatter.add.f32 [tilespmem:s13], [sflag:$0x2], $0x40, s15, s16, $0xb8;
	[tilespmem:$0x12400] =	vst v63  }
0x65: {  	_ =	swait.ge [sflag:s22], $0x2000  }
0x66: {  	[sflag:s22] =	ssyncset.done $0x0  }
0x67: {  	[sflag:s22] =	ssyncadd.s32 $0xFFFFE000  }
0x68: {  	[spmem:s2] =	stream.indirect.scatter.add.f32 [tilespmem:s17], [sflag:$0x2], $0x40, s23, s16, $0xb8;
	[tilespmem:$0x12400] =	vst v63  }
0x69: {  	_ =	swait.ge [sflag:s22], $0x2000  }
0x6a: {  	[sflag:s22] =	ssyncset.done $0x0  }
0x6b: {  	[sflag:s22] =	ssyncadd.s32 $0xFFFFE000  }
0x6c: {  	[spmem:s2] =	stream.indirect.scatter.add.f32 [tilespmem:s19], [sflag:$0x2], $0x40, s24, s16, $0xb8;
	[tilespmem:$0x12400] =	vst v63  }
0x6d: {  	_ =	swait.ge [sflag:s22], $0x2000  }
0x6e: {  	[sflag:s22] =	ssyncset.done $0x0  }
0x6f: {  	[sflag:s22] =	ssyncadd.s32 $0xFFFFE000  }
0x70: {  	[spmem:s2] =	stream.indirect.scatter.add.f32 [tilespmem:s21], [sflag:$0x2], $0x40, s25, s16, $0xb8;
	[tilespmem:$0x12400] =	vst v63  }
0x71: {  	_ =	swait.ge [sflag:s26], $0x2000  }
0x72: {  	[sflag:s26] =	ssyncset.done $0x0  }
0x73: {  	[sflag:s26] =	ssyncadd.s32 $0xFFFFE000  }
0x74: {  	_ =	swait.ge [sflag:s26], $0x2000  }
0x75: {  	[sflag:s26] =	ssyncset.done $0x0  }
0x76: {  	[sflag:s26] =	ssyncadd.s32 $0xFFFFE000  }
.Ltmp1:
0x77: {  	_ =	swait.ge [sflag:s26], $0x2000;
	(pc) =	sbr.rel @p1 .LBB2_4-.Ltmp1, $4  }
0x78: {  	[sflag:s26] =	ssyncset.done $0x0  }
0x79: {  	[sflag:s26] =	ssyncadd.s32 $0xFFFFE000  }
0x7a: {  	_ =	swait.ge [sflag:s26], $0x2000  }
0x7b: {  	s31 =	smov.u32 s30;
	[sflag:s26] =	ssyncset.done $0x0  }
0x7c: {  	s0 =	sadd.s32 s29, s12;
	[sflag:s26] =	ssyncadd.s32 $0xFFFFE000  }
0x7d: {  	[tilespmem:s3], [sflag:$0x3] =	stream.linear.gather [hbm4b:s0+s3], $0x200, $0x38;
	[tilespmem:$0x12400] =	vst v63  }
0x7e: {  	_ =	swait.ge [sflag:s14], $0x200  }
0x7f: {  	[sflag:s14] =	ssyncset.done $0x0  }
0x80: {  	s29 =	sadd.s32 s29, s11;
	[sflag:s14] =	ssyncadd.s32 $0xFFFFFE00  }
0x81: {  	[tilespmem:s15], [sflag:$0x3] =	stream.linear.gather [hbm4b:s29+s3], $0x200, $0x38;
	[tilespmem:$0x12400] =	vst v63  }
0x82: {  	_ =	swait.ge [sflag:s14], $0x200  }
0x83: {  	[sflag:s14] =	ssyncset.done $0x0  }
0x84: {  	[sflag:s14] =	ssyncadd.s32 $0xFFFFFE00  }
0x85: {  	[tilespmem:s13], [sflag:$0x1] =	stream.indirect.gather [hbm4b:s6+s16], $0x40, s3, s16, $0xb8;
	[tilespmem:$0x12400] =	vst v63  }
0x86: {  	_ = 	snop  }
0x87: {  	[tilespmem:s17], [sflag:$0x1] =	stream.indirect.gather [hbm4b:s6+s16], $0x40, s16, s16, $0xb8;
	[tilespmem:$0x12400] =	vst v63  }
0x88: {  	_ = 	snop  }
0x89: {  	[tilespmem:s19], [sflag:$0x1] =	stream.indirect.gather [hbm4b:s6+s16], $0x40, s18, s16, $0xb8;
	[tilespmem:$0x12400] =	vst v63  }
0x8a: {  	_ = 	snop  }
0x8b: {  	[tilespmem:s21], [sflag:$0x1] =	stream.indirect.gather [hbm4b:s6+s16], $0x40, s20, s16, $0xb8;
	[tilespmem:$0x12400] =	vst v63  }
0x8c: {  	_ =	swait.ge [sflag:s22], $0x2000  }
0x8d: {  	[sflag:s22] =	ssyncset.done $0x0  }
0x8e: {  	[sflag:s22] =	ssyncadd.s32 $0xFFFFE000  }
0x8f: {  	[spmem:s2] =	stream.indirect.scatter.add.f32 [tilespmem:s13], [sflag:$0x2], $0x40, s15, s16, $0xb8;
	[tilespmem:$0x12400] =	vst v63  }
0x90: {  	_ =	swait.ge [sflag:s22], $0x2000  }
0x91: {  	[sflag:s22] =	ssyncset.done $0x0  }
0x92: {  	[sflag:s22] =	ssyncadd.s32 $0xFFFFE000  }
0x93: {  	[spmem:s2] =	stream.indirect.scatter.add.f32 [tilespmem:s17], [sflag:$0x2], $0x40, s23, s16, $0xb8;
	[tilespmem:$0x12400] =	vst v63  }
0x94: {  	_ =	swait.ge [sflag:s22], $0x2000  }
0x95: {  	[sflag:s22] =	ssyncset.done $0x0  }
0x96: {  	[sflag:s22] =	ssyncadd.s32 $0xFFFFE000  }
0x97: {  	[spmem:s2] =	stream.indirect.scatter.add.f32 [tilespmem:s19], [sflag:$0x2], $0x40, s24, s16, $0xb8;
	[tilespmem:$0x12400] =	vst v63  }
0x98: {  	_ =	swait.ge [sflag:s22], $0x2000  }
0x99: {  	[sflag:s22] =	ssyncset.done $0x0  }
0x9a: {  	[sflag:s22] =	ssyncadd.s32 $0xFFFFE000  }
0x9b: {  	[spmem:s2] =	stream.indirect.scatter.add.f32 [tilespmem:s21], [sflag:$0x2], $0x40, s25, s16, $0xb8;
	[tilespmem:$0x12400] =	vst v63  }
0x9c: {  	_ =	swait.ge [sflag:s26], $0x2000  }
0x9d: {  	[sflag:s26] =	ssyncset.done $0x0  }
0x9e: {  	[sflag:s26] =	ssyncadd.s32 $0xFFFFE000  }
0x9f: {  	_ =	swait.ge [sflag:s26], $0x2000  }
0xa0: {  	[sflag:s26] =	ssyncset.done $0x0  }
0xa1: {  	[sflag:s26] =	ssyncadd.s32 $0xFFFFE000  }
0xa2: {  	_ =	swait.ge [sflag:s26], $0x2000  }
0xa3: {  	[sflag:s26] =	ssyncset.done $0x0  }
0xa4: {  	[sflag:s26] =	ssyncadd.s32 $0xFFFFE000  }
0xa5: {  	_ =	swait.ge [sflag:s26], $0x2000  }
0xa6: {  	[sflag:s26] =	ssyncset.done $0x0  }
0xa7: {  	s0 =	simm.s32 @!p0 $0x0;
	s1 =	rddreg [dreg:$0x5];
	[sflag:s26] =	ssyncadd.s32 $0xFFFFE000  }
0xa8: {  	[tilespmem:s0], [sflag:$0x3] =	stream.linear.gather @!p0 [hbm4b:s1+s0], $0x200, $0x38;
	[tilespmem:$0x12400] =	vst v63  }
0xa9: {  	s1 =	simm.s32 @!p0 $0x3  }
0xaa: {  	_ =	swait.ge @!p0 [sflag:s1], $0x200  }
0xab: {  	[sflag:s1] =	ssyncset.done @!p0 $0x0  }
0xac: {  	s29 =	simm.s32 @!p0 $0x200;
	[sflag:s1] =	ssyncadd.s32 @!p0 $0xFFFFFE00  }
0xad: {  	[tilespmem:s29], [sflag:$0x3] =	stream.linear.gather @!p0 [hbm4b:s8+s0], $0x200, $0x38;
	[tilespmem:$0x12400] =	vst v63  }
0xae: {  	_ =	swait.ge @!p0 [sflag:s1], $0x200  }
0xaf: {  	[sflag:s1] =	ssyncset.done @!p0 $0x0  }
0xb0: {  	s30 =	simm.s32 @!p0 $0x400;
	[sflag:s1] =	ssyncadd.s32 @!p0 $0xFFFFFE00;
	s1 =	simm.s32 @!p0 $0x80  }
0xb1: {  	[tilespmem:s30], [sflag:$0x1] =	stream.indirect.gather @!p0 [hbm4b:s6+s1], $0x40, s0, s1, $0xb8;
	[tilespmem:$0x12400] =	vst v63  }
0xb2: {  	s0 =	simm.s32 @!p0 $0x2400  }
0xb3: {  	[tilespmem:s0], [sflag:$0x1] =	stream.indirect.gather @!p0 [hbm4b:s6+s1], $0x40, s1, s1, $0xb8;
	[tilespmem:$0x12400] =	vst v63  }
0xb4: {  	s31 =	simm.s32 @!p0 $0x100;
	s5 =	simm.s32 @!p0 $0x4400  }
0xb5: {  	[tilespmem:s5], [sflag:$0x1] =	stream.indirect.gather @!p0 [hbm4b:s6+s1], $0x40, s31, s1, $0xb8;
	[tilespmem:$0x12400] =	vst v63  }
0xb6: {  	s7 =	simm.s32 @!p0 $0x6400;
	s31 =	simm.s32 @!p0 $0x180  }
0xb7: {  	[tilespmem:s7], [sflag:$0x1] =	stream.indirect.gather @!p0 [hbm4b:s6+s1], $0x40, s31, s1, $0xb8;
	[tilespmem:$0x12400] =	vst v63  }
0xb8: {  	s31 =	simm.s32 @!p0 $0x1  }
0xb9: {  	_ =	swait.ge @!p0 [sflag:s31], $0x2000  }
0xba: {  	[sflag:s31] =	ssyncset.done @!p0 $0x0  }
0xbb: {  	[sflag:s31] =	ssyncadd.s32 @!p0 $0xFFFFE000  }
0xbc: {  	[spmem:s2] =	stream.indirect.scatter.add.f32 @!p0 [tilespmem:s30], [sflag:$0x2], $0x40, s29, s1, $0xb8;
	[tilespmem:$0x12400] =	vst v63  }
0xbd: {  	_ =	swait.ge @!p0 [sflag:s31], $0x2000  }
0xbe: {  	[sflag:s31] =	ssyncset.done @!p0 $0x0  }
0xbf: {  	s29 =	simm.s32 @!p0 $0x280;
	[sflag:s31] =	ssyncadd.s32 @!p0 $0xFFFFE000  }
0xc0: {  	[spmem:s2] =	stream.indirect.scatter.add.f32 @!p0 [tilespmem:s0], [sflag:$0x2], $0x40, s29, s1, $0xb8;
	[tilespmem:$0x12400] =	vst v63  }
0xc1: {  	_ =	swait.ge @!p0 [sflag:s31], $0x2000  }
0xc2: {  	[sflag:s31] =	ssyncset.done @!p0 $0x0  }
0xc3: {  	s0 =	simm.s32 @!p0 $0x300;
	[sflag:s31] =	ssyncadd.s32 @!p0 $0xFFFFE000  }
0xc4: {  	[spmem:s2] =	stream.indirect.scatter.add.f32 @!p0 [tilespmem:s5], [sflag:$0x2], $0x40, s0, s1, $0xb8;
	[tilespmem:$0x12400] =	vst v63  }
0xc5: {  	_ =	swait.ge @!p0 [sflag:s31], $0x2000  }
0xc6: {  	[sflag:s31] =	ssyncset.done @!p0 $0x0  }
0xc7: {  	s0 =	simm.s32 @!p0 $0x380;
	[sflag:s31] =	ssyncadd.s32 @!p0 $0xFFFFE000  }
0xc8: {  	[spmem:s2] =	stream.indirect.scatter.add.f32 @!p0 [tilespmem:s7], [sflag:$0x2], $0x40, s0, s1, $0xb8;
	[tilespmem:$0x12400] =	vst v63  }
0xc9: {  	s0 =	simm.s32 @!p0 $0x2  }
0xca: {  	_ =	swait.ge @!p0 [sflag:s0], $0x2000  }
0xcb: {  	[sflag:s0] =	ssyncset.done @!p0 $0x0  }
0xcc: {  	[sflag:s0] =	ssyncadd.s32 @!p0 $0xFFFFE000  }
0xcd: {  	_ =	swait.ge @!p0 [sflag:s0], $0x2000  }
0xce: {  	[sflag:s0] =	ssyncset.done @!p0 $0x0  }
0xcf: {  	[sflag:s0] =	ssyncadd.s32 @!p0 $0xFFFFE000  }
0xd0: {  	_ =	swait.ge @!p0 [sflag:s0], $0x2000  }
0xd1: {  	[sflag:s0] =	ssyncset.done @!p0 $0x0  }
0xd2: {  	[sflag:s0] =	ssyncadd.s32 @!p0 $0xFFFFE000  }
0xd3: {  	s28 =	sadd.s32 $0x1, s28;
	_ =	swait.ge @!p0 [sflag:s0], $0x2000  }
0xd4: {  	p1 =	sne.s32 s28, s10;
	s30 =	stileid.u32;
	[sflag:s0] =	ssyncset.done @!p0 $0x0  }
0xd5: {  	s31 =	sshrl.u32 s4, $0x3;
	[sflag:s0] =	ssyncadd.s32 @!p0 $0xFFFFE000;
	s0 =	sshll.u32 s30, $0x6  }
.Ltmp2:
0xd6: {  	[bflag:$0x0] =	sbarrier.arrive $0xFFFF;
	s0 =	sor.u32 $0x1C03, s0;
	(pc) =	sbr.rel @p1 .LBB2_1-.Ltmp2, $4  }
0xd7: {  	[hbm:s9], [sflag:s0] =	dma.local [spmem:s31], $0x1400  }
0xd8: {  	_ =	swait.ge [sflag:s14], $0x1400  }
0xd9: {  	[sflag:s14] =	ssyncset.done $0x0  }
0xda: {  	[sflag:s14] =	ssyncadd.s32 $0xFFFFEC00  }
0xdb: {  	_ =	sfence.sel $0x180000  }
0xdc: {  	[bflag:$0x0] =	sbarrier.arrive $0xFFFF  }
0xdd: {  	_ =	strace $0x9000004A  }
0xde: {  	s0 =	stileid.u32;
	[bflag:$0x2] =	sbarrier.arrive $0xFFFF  }
0xdf: {  	p0 =	sne.s32 s0, $0x0;
	s0 =	rddreg [dreg:$0x3]  }
0xe0: {  	s0 =	sadd.s32 @!p0 $0x100000, s0  }
0xe1: {  	[sflag:s0] =	ssyncadd.tile.s32 @!p0 $0x1;
	_ =	shalt  }
.Lfunc_end2:
_tile_overlayer_lowered:
.L_overlay_start_2:
0xe2: {  	(tag) =	ssettag $0x2  }
0xe3: {  	s0 =	rddreg [dreg:$0x0];
	s2 =	stileid.u32  }
0xe4: {  	s1 =	rddreg [dreg:$0x1];
	p0 =	sne.s32 s2, $0x0  }
0xe5: {  	s3 =	rddreg [dreg:$0x2];
	[bflag:$0x3] =	sbarrier.arrive $0xFFFF;
	s2 =	simm.s32 @!p0 $0x1C03  }
0xe6: {  	[timem:s3], [sflag:s2] =	dma.local @!p0 [hbm:s0], s1  }
0xe7: {  	s0 =	simm.s32 @!p0 $0x3  }
0xe8: {  	_ =	swait.ge @!p0 [sflag:s0], s1  }
0xe9: {  	s1 =	ssub.s32 @!p0 $0x0, s1;
	[sflag:s0] =	ssyncset.done @!p0 $0x0  }
0xea: {  	[sflag:s0] =	ssyncadd.s32 @!p0 s1  }
0xeb: {  	[bflag:$0x3] =	sbarrier.arrive $0xFFFF  }
0xec: {  	_ =	shalt  }

</sc_bundles>
